<compile_context>
chip_gen: v7x
topology: tpu7x:2x2x1
jax: 0.10.2.dev20260603
libtpu: 0.0.44.dev20260713+nightly
codegen_flags: <defaults>
</compile_context>

<pallas_src>
import jax
import jax.numpy as jnp
from jax import lax
from jax.experimental import pallas as pl
from jax.experimental.pallas import tpu as pltpu
from jax.experimental.pallas import tpu_sc as plsc

SEQ = 200
DIM = 128
NCORES = 2
NSUB = 16
NW = NCORES * NSUB
ROWS = 1024 * SEQ
RPW = ROWS // NW
CHUNK = 40
NCH = RPW // CHUNK
NPART = SEQ // CHUNK
QSEQ = 4
NQ = NCH // QSEQ
NSLOT = 2
SCALE = 11.313708498984761


def _body(idx_hbm, table_hbm, pos_hbm, out_hbm, idx_v, pos_v, *rest):
    nb = NSLOT * QSEQ
    ins = tuple(tuple(rest[s * QSEQ + j] for j in range(QSEQ))
                for s in range(NSLOT))
    outs = tuple(tuple(rest[nb + s * QSEQ + j] for j in range(QSEQ))
                 for s in range(NSLOT))
    gsems = tuple(tuple(rest[2 * nb + s * QSEQ + j] for j in range(QSEQ))
                  for s in range(NSLOT))
    osems = tuple(tuple(rest[3 * nb + s * QSEQ + j] for j in range(QSEQ))
                  for s in range(NSLOT))

    wid = lax.axis_index("s") * NCORES + lax.axis_index("c")
    row0 = wid * RPW

    pltpu.sync_copy(idx_hbm.at[pl.ds(wid * NCH, NCH)], idx_v)

    def quad_gp(q):
        return lax.div(q, NPART), lax.rem(q, NPART)

    def gather_start(q, s):
        g, p = quad_gp(q)
        for j in range(QSEQ):
            cidx = (QSEQ * g + j) * NPART + p
            pltpu.async_copy(table_hbm.at[idx_v.at[cidx]], ins[s][j],
                             gsems[s][j])

    def gather_wait(q, s):
        g, p = quad_gp(q)
        for j in range(QSEQ):
            cidx = (QSEQ * g + j) * NPART + p
            pltpu.make_async_copy(table_hbm.at[idx_v.at[cidx]], ins[s][j],
                                  gsems[s][j]).wait()

    def out_start(q, s):
        g, p = quad_gp(q)
        for j in range(QSEQ):
            base = row0 + (QSEQ * g + j) * SEQ + p * CHUNK
            pltpu.async_copy(outs[s][j], out_hbm.at[pl.ds(base, CHUNK)],
                             osems[s][j])

    def out_wait(q, s):
        g, p = quad_gp(q)
        for j in range(QSEQ):
            base = row0 + (QSEQ * g + j) * SEQ + p * CHUNK
            pltpu.make_async_copy(outs[s][j], out_hbm.at[pl.ds(base, CHUNK)],
                                  osems[s][j]).wait()

    def compute(q, s):
        _, p = quad_gp(q)
        off = p * CHUNK

        @plsc.parallel_loop(0, CHUNK, unroll=1)
        def row_fma(r):
            pr = off + r
            for k in range(DIM // 16):
                sl = pl.ds(k * 16, 16)
                pv = pos_v[pr, sl]
                for j in range(QSEQ):
                    outs[s][j][r, sl] = ins[s][j][r, sl] * SCALE + pv

    gather_start(0, 0)
    gather_start(1, 1)
    pltpu.sync_copy(pos_hbm, pos_v)

    def cycle(t, carry):
        for u in range(NSLOT):
            q = t * NSLOT + u
            gather_wait(q, u)

            @pl.when(q >= NSLOT)
            def _ow():
                out_wait(q - NSLOT, u)

            compute(q, u)

            @pl.when(q < NQ - NSLOT)
            def _gs():
                gather_start(q + NSLOT, u)

            out_start(q, u)
        return carry

    lax.fori_loop(0, NQ // NSLOT, cycle, 0)
    for u in range(NSLOT):
        out_wait(NQ - NSLOT + u, u)


def kernel(inputs, table, pos_enc):
    flat_idx = inputs.reshape(ROWS // CHUNK, CHUNK).astype(jnp.int32)

    mesh = plsc.VectorSubcoreMesh(core_axis_name="c", subcore_axis_name="s")
    run = pl.kernel(
        _body,
        mesh=mesh,
        out_type=jax.ShapeDtypeStruct((ROWS, DIM), jnp.float32),
        scratch_types=[
            pltpu.VMEM((NCH, CHUNK), jnp.int32),
            pltpu.VMEM((SEQ, DIM), jnp.float32),
        ] + [pltpu.VMEM((CHUNK, DIM), jnp.float32)] * (2 * NSLOT * QSEQ)
          + [pltpu.SemaphoreType.DMA] * (2 * NSLOT * QSEQ),
    )
    out = run(flat_idx, table, pos_enc)
    return out.reshape(1024, SEQ, DIM)

# --- scband reference (transcript-rebuilt; emitter-appended) ---
"""Pipeline reference for scband-position-embedding-fixed-weights-87720412053544 (READ-ONLY COPY).

The authoritative reference and input builder live on the scoring server;
editing this copy changes nothing except your own understanding.
"""

import jax, jax.numpy as jnp
import numpy as np

SEQ_LEN = 200
VOCAB_SIZE = 100000
OUTPUT_DIM = 128


def get_positional_encoding(size, output_dim, n=10000):
    pos = np.arange(size)[:, None].astype(np.float64)
    i = np.arange(output_dim // 2)[None, :].astype(np.float64)
    denominator = np.power(n, 2.0 * i / output_dim)
    P = np.zeros((size, output_dim), dtype=np.float64)
    P[:, 0::2] = np.sin(pos / denominator)
    P[:, 1::2] = np.cos(pos / denominator)
    return P.astype(np.float32)


def setup_inputs(seed: int = 0) -> dict:
    key = jax.random.key(seed)
    k_idx, k_tab = jax.random.split(key)
    inputs = jax.random.randint(k_idx, (1024, SEQ_LEN), 0, VOCAB_SIZE, dtype=jnp.int64 if jax.config.jax_enable_x64 else jnp.int32)
    # Keras Embedding default init: uniform(-0.05, 0.05)
    table = jax.random.uniform(k_tab, (VOCAB_SIZE, OUTPUT_DIM), dtype=jnp.float32, minval=-0.05, maxval=0.05)
    pos_enc = jnp.asarray(get_positional_encoding(SEQ_LEN, OUTPUT_DIM))
    return {"inputs": inputs, "table": table, "pos_enc": pos_enc}


def reference(inputs, table, pos_enc):
    # input embedding lookup
    embedded_input = jnp.take(table, inputs, axis=0)  # [B, L, D]
    embedded_input = embedded_input * jnp.sqrt(jnp.asarray(OUTPUT_DIM, dtype=jnp.float32))
    # add fixed positional encoding (broadcast over batch)
    return embedded_input + pos_enc[None, :, :]

if __name__ == "__main__":
    import jax
    _d = setup_inputs()
    print(jax.jit(kernel)(*tuple(_d.values())))

</pallas_src>

<mosaic_0001>
#map = affine_map<(d0, d1) -> (0, 0)>
module attributes {stable_mosaic.version = 14 : i64} {
  func.func @_body(%arg0: i32, %arg1: i32, %arg2: memref<5120x40xi32, #tpu.memory_space<hbm>>, %arg3: memref<100000x128xf32, #tpu.memory_space<hbm>>, %arg4: memref<200x128xf32, #tpu.memory_space<hbm>>, %arg5: memref<204800x128xf32, #tpu.memory_space<hbm>>, %arg6: memref<160x40xi32, #tpu.memory_space<vmem>>, %arg7: memref<200x128xf32, #tpu.memory_space<vmem>>, %arg8: memref<40x128xf32, #tpu.memory_space<vmem>>, %arg9: memref<40x128xf32, #tpu.memory_space<vmem>>, %arg10: memref<40x128xf32, #tpu.memory_space<vmem>>, %arg11: memref<40x128xf32, #tpu.memory_space<vmem>>, %arg12: memref<40x128xf32, #tpu.memory_space<vmem>>, %arg13: memref<40x128xf32, #tpu.memory_space<vmem>>, %arg14: memref<40x128xf32, #tpu.memory_space<vmem>>, %arg15: memref<40x128xf32, #tpu.memory_space<vmem>>, %arg16: memref<40x128xf32, #tpu.memory_space<vmem>>, %arg17: memref<40x128xf32, #tpu.memory_space<vmem>>, %arg18: memref<40x128xf32, #tpu.memory_space<vmem>>, %arg19: memref<40x128xf32, #tpu.memory_space<vmem>>, %arg20: memref<40x128xf32, #tpu.memory_space<vmem>>, %arg21: memref<40x128xf32, #tpu.memory_space<vmem>>, %arg22: memref<40x128xf32, #tpu.memory_space<vmem>>, %arg23: memref<40x128xf32, #tpu.memory_space<vmem>>, %arg24: memref<!tpu.dma_semaphore, #tpu.memory_space<semaphore_mem>>, %arg25: memref<!tpu.dma_semaphore, #tpu.memory_space<semaphore_mem>>, %arg26: memref<!tpu.dma_semaphore, #tpu.memory_space<semaphore_mem>>, %arg27: memref<!tpu.dma_semaphore, #tpu.memory_space<semaphore_mem>>, %arg28: memref<!tpu.dma_semaphore, #tpu.memory_space<semaphore_mem>>, %arg29: memref<!tpu.dma_semaphore, #tpu.memory_space<semaphore_mem>>, %arg30: memref<!tpu.dma_semaphore, #tpu.memory_space<semaphore_mem>>, %arg31: memref<!tpu.dma_semaphore, #tpu.memory_space<semaphore_mem>>, %arg32: memref<!tpu.dma_semaphore, #tpu.memory_space<semaphore_mem>>, %arg33: memref<!tpu.dma_semaphore, #tpu.memory_space<semaphore_mem>>, %arg34: memref<!tpu.dma_semaphore, #tpu.memory_space<semaphore_mem>>, %arg35: memref<!tpu.dma_semaphore, #tpu.memory_space<semaphore_mem>>, %arg36: memref<!tpu.dma_semaphore, #tpu.memory_space<semaphore_mem>>, %arg37: memref<!tpu.dma_semaphore, #tpu.memory_space<semaphore_mem>>, %arg38: memref<!tpu.dma_semaphore, #tpu.memory_space<semaphore_mem>>, %arg39: memref<!tpu.dma_semaphore, #tpu.memory_space<semaphore_mem>>) attributes {dimension_semantics = [#tpu.dimension_semantics<core_parallel>, #tpu.dimension_semantics<subcore_parallel>], iteration_bounds = array<i64: 2, 16>, scalar_prefetch = 0 : i64, scratch_operands = 34 : i64, tpu.core_type = #tpu.core_type<sc_vector_subcore>, window_params = [{transform_indices = #map}, {transform_indices = #map}, {transform_indices = #map}, {transform_indices = #map}]} {
    %mul3A = arith.constant 2 : i32
    %mul3A_0 = arith.muli %arg1, %mul3A : i32
    %add3A = arith.addi %mul3A_0, %arg0 : i32
    %mul3A_1 = arith.constant 6400 : i32
    %mul3A_2 = arith.muli %add3A, %mul3A_1 : i32
    %mul3A_3 = arith.constant 160 : i32
    %mul3A_4 = arith.muli %add3A, %mul3A_3 : i32
    "tpu.region"() ({
      %run_scoped3A = tpu.sem_alloc : memref<!tpu.dma_semaphore, #tpu.memory_space<semaphore_mem>>
      %dma_start3A_246 = arith.constant 0 : i32
      %dma_start3A_247 = tpu.memref_slice %arg2[%mul3A_4, %dma_start3A_246] : memref<5120x40xi32, #tpu.memory_space<hbm>> -> memref<160x40xi32, #tpu.memory_space<hbm>>
      %dma_start3A_248 = arith.constant 0 : i32
      %dma_start3A_249 = tpu.memref_slice %arg2[%mul3A_4, %dma_start3A_248] : memref<5120x40xi32, #tpu.memory_space<hbm>> -> memref<160x40xi32, #tpu.memory_space<hbm>>
      tpu.enqueue_dma source(%dma_start3A_249 : memref<160x40xi32, #tpu.memory_space<hbm>>) target(%arg6 : memref<160x40xi32, #tpu.memory_space<vmem>>) target_semaphore(%run_scoped3A : memref<!tpu.dma_semaphore, #tpu.memory_space<semaphore_mem>>)
      %dma_wait3A_250 = arith.constant 0 : i32
      %dma_wait3A_251 = tpu.memref_slice %arg2[%mul3A_4, %dma_wait3A_250] : memref<5120x40xi32, #tpu.memory_space<hbm>> -> memref<160x40xi32, #tpu.memory_space<hbm>>
      %dma_wait3A_252 = arith.constant 0 : i32
      %dma_wait3A_253 = tpu.memref_slice %arg2[%mul3A_4, %dma_wait3A_252] : memref<5120x40xi32, #tpu.memory_space<hbm>> -> memref<160x40xi32, #tpu.memory_space<hbm>>
      tpu.wait_dma2 semaphore(%run_scoped3A : memref<!tpu.dma_semaphore, #tpu.memory_space<semaphore_mem>>) src(%dma_wait3A_253 : memref<160x40xi32, #tpu.memory_space<hbm>>) dst(%arg6 : memref<160x40xi32, #tpu.memory_space<vmem>>)
      tpu.yield
    }) : () -> ()
    %div3A = arith.constant 0 : i32
    %div3A_5 = arith.constant 5 : i32
    %div3A_6 = arith.divsi %div3A, %div3A_5 : i32
    %rem3A = arith.constant 0 : i32
    %rem3A_7 = arith.constant 5 : i32
    %rem3A_8 = arith.remsi %rem3A, %rem3A_7 : i32
    %mul3A_9 = arith.constant 4 : i32
    %mul3A_10 = arith.muli %mul3A_9, %div3A_6 : i32
    %add3A_11 = arith.constant 0 : i32
    %add3A_12 = arith.addi %mul3A_10, %add3A_11 : i32
    %mul3A_13 = arith.constant 5 : i32
    %mul3A_14 = arith.muli %add3A_12, %mul3A_13 : i32
    %add3A_15 = arith.addi %mul3A_14, %rem3A_8 : i32
    %dma_start3A = arith.constant 0 : i32
    %dma_start3A_16 = tpu.memref_slice %arg6[%add3A_15, %dma_start3A] : memref<160x40xi32, #tpu.memory_space<vmem>> -> memref<1x40xi32, #tpu.memory_space<vmem>>
    %dma_start3A_17 = tpu.memref_squeeze %dma_start3A_16 : memref<1x40xi32, #tpu.memory_space<vmem>> -> memref<40xi32, #tpu.memory_space<vmem>>
    %dma_start3A_18 = arith.constant 0 : i32
    %dma_start3A_19 = arith.constant 0 : i32
    %dma_start3A_20 = tpu.memref_slice %arg3[%dma_start3A_18, %dma_start3A_19] : memref<100000x128xf32, #tpu.memory_space<hbm>> -> memref<100000x128xf32, #tpu.memory_space<hbm>>
    tpu.enqueue_indirect_dma source(%dma_start3A_20 : memref<100000x128xf32, #tpu.memory_space<hbm>>) target(%arg8 : memref<40x128xf32, #tpu.memory_space<vmem>>) offsets(%dma_start3A_17 : memref<40xi32, #tpu.memory_space<vmem>>) semaphore(%arg24 : memref<!tpu.dma_semaphore, #tpu.memory_space<semaphore_mem>>)
    %mul3A_21 = arith.constant 4 : i32
    %mul3A_22 = arith.muli %mul3A_21, %div3A_6 : i32
    %add3A_23 = arith.constant 1 : i32
    %add3A_24 = arith.addi %mul3A_22, %add3A_23 : i32
    %mul3A_25 = arith.constant 5 : i32
    %mul3A_26 = arith.muli %add3A_24, %mul3A_25 : i32
    %add3A_27 = arith.addi %mul3A_26, %rem3A_8 : i32
    %dma_start3A_28 = arith.constant 0 : i32
    %dma_start3A_29 = tpu.memref_slice %arg6[%add3A_27, %dma_start3A_28] : memref<160x40xi32, #tpu.memory_space<vmem>> -> memref<1x40xi32, #tpu.memory_space<vmem>>
    %dma_start3A_30 = tpu.memref_squeeze %dma_start3A_29 : memref<1x40xi32, #tpu.memory_space<vmem>> -> memref<40xi32, #tpu.memory_space<vmem>>
    %dma_start3A_31 = arith.constant 0 : i32
    %dma_start3A_32 = arith.constant 0 : i32
    %dma_start3A_33 = tpu.memref_slice %arg3[%dma_start3A_31, %dma_start3A_32] : memref<100000x128xf32, #tpu.memory_space<hbm>> -> memref<100000x128xf32, #tpu.memory_space<hbm>>
    tpu.enqueue_indirect_dma source(%dma_start3A_33 : memref<100000x128xf32, #tpu.memory_space<hbm>>) target(%arg9 : memref<40x128xf32, #tpu.memory_space<vmem>>) offsets(%dma_start3A_30 : memref<40xi32, #tpu.memory_space<vmem>>) semaphore(%arg25 : memref<!tpu.dma_semaphore, #tpu.memory_space<semaphore_mem>>)
    %mul3A_34 = arith.constant 4 : i32
    %mul3A_35 = arith.muli %mul3A_34, %div3A_6 : i32
    %add3A_36 = arith.constant 2 : i32
    %add3A_37 = arith.addi %mul3A_35, %add3A_36 : i32
    %mul3A_38 = arith.constant 5 : i32
    %mul3A_39 = arith.muli %add3A_37, %mul3A_38 : i32
    %add3A_40 = arith.addi %mul3A_39, %rem3A_8 : i32
    %dma_start3A_41 = arith.constant 0 : i32
    %dma_start3A_42 = tpu.memref_slice %arg6[%add3A_40, %dma_start3A_41] : memref<160x40xi32, #tpu.memory_space<vmem>> -> memref<1x40xi32, #tpu.memory_space<vmem>>
    %dma_start3A_43 = tpu.memref_squeeze %dma_start3A_42 : memref<1x40xi32, #tpu.memory_space<vmem>> -> memref<40xi32, #tpu.memory_space<vmem>>
    %dma_start3A_44 = arith.constant 0 : i32
    %dma_start3A_45 = arith.constant 0 : i32
    %dma_start3A_46 = tpu.memref_slice %arg3[%dma_start3A_44, %dma_start3A_45] : memref<100000x128xf32, #tpu.memory_space<hbm>> -> memref<100000x128xf32, #tpu.memory_space<hbm>>
    tpu.enqueue_indirect_dma source(%dma_start3A_46 : memref<100000x128xf32, #tpu.memory_space<hbm>>) target(%arg10 : memref<40x128xf32, #tpu.memory_space<vmem>>) offsets(%dma_start3A_43 : memref<40xi32, #tpu.memory_space<vmem>>) semaphore(%arg26 : memref<!tpu.dma_semaphore, #tpu.memory_space<semaphore_mem>>)
    %mul3A_47 = arith.constant 4 : i32
    %mul3A_48 = arith.muli %mul3A_47, %div3A_6 : i32
    %add3A_49 = arith.constant 3 : i32
    %add3A_50 = arith.addi %mul3A_48, %add3A_49 : i32
    %mul3A_51 = arith.constant 5 : i32
    %mul3A_52 = arith.muli %add3A_50, %mul3A_51 : i32
    %add3A_53 = arith.addi %mul3A_52, %rem3A_8 : i32
    %dma_start3A_54 = arith.constant 0 : i32
    %dma_start3A_55 = tpu.memref_slice %arg6[%add3A_53, %dma_start3A_54] : memref<160x40xi32, #tpu.memory_space<vmem>> -> memref<1x40xi32, #tpu.memory_space<vmem>>
    %dma_start3A_56 = tpu.memref_squeeze %dma_start3A_55 : memref<1x40xi32, #tpu.memory_space<vmem>> -> memref<40xi32, #tpu.memory_space<vmem>>
    %dma_start3A_57 = arith.constant 0 : i32
    %dma_start3A_58 = arith.constant 0 : i32
    %dma_start3A_59 = tpu.memref_slice %arg3[%dma_start3A_57, %dma_start3A_58] : memref<100000x128xf32, #tpu.memory_space<hbm>> -> memref<100000x128xf32, #tpu.memory_space<hbm>>
    tpu.enqueue_indirect_dma source(%dma_start3A_59 : memref<100000x128xf32, #tpu.memory_space<hbm>>) target(%arg11 : memref<40x128xf32, #tpu.memory_space<vmem>>) offsets(%dma_start3A_56 : memref<40xi32, #tpu.memory_space<vmem>>) semaphore(%arg27 : memref<!tpu.dma_semaphore, #tpu.memory_space<semaphore_mem>>)
    %div3A_60 = arith.constant 1 : i32
    %div3A_61 = arith.constant 5 : i32
    %div3A_62 = arith.divsi %div3A_60, %div3A_61 : i32
    %rem3A_63 = arith.constant 1 : i32
    %rem3A_64 = arith.constant 5 : i32
    %rem3A_65 = arith.remsi %rem3A_63, %rem3A_64 : i32
    %mul3A_66 = arith.constant 4 : i32
    %mul3A_67 = arith.muli %mul3A_66, %div3A_62 : i32
    %add3A_68 = arith.constant 0 : i32
    %add3A_69 = arith.addi %mul3A_67, %add3A_68 : i32
    %mul3A_70 = arith.constant 5 : i32
    %mul3A_71 = arith.muli %add3A_69, %mul3A_70 : i32
    %add3A_72 = arith.addi %mul3A_71, %rem3A_65 : i32
    %dma_start3A_73 = arith.constant 0 : i32
    %dma_start3A_74 = tpu.memref_slice %arg6[%add3A_72, %dma_start3A_73] : memref<160x40xi32, #tpu.memory_space<vmem>> -> memref<1x40xi32, #tpu.memory_space<vmem>>
    %dma_start3A_75 = tpu.memref_squeeze %dma_start3A_74 : memref<1x40xi32, #tpu.memory_space<vmem>> -> memref<40xi32, #tpu.memory_space<vmem>>
    %dma_start3A_76 = arith.constant 0 : i32
    %dma_start3A_77 = arith.constant 0 : i32
    %dma_start3A_78 = tpu.memref_slice %arg3[%dma_start3A_76, %dma_start3A_77] : memref<100000x128xf32, #tpu.memory_space<hbm>> -> memref<100000x128xf32, #tpu.memory_space<hbm>>
    tpu.enqueue_indirect_dma source(%dma_start3A_78 : memref<100000x128xf32, #tpu.memory_space<hbm>>) target(%arg12 : memref<40x128xf32, #tpu.memory_space<vmem>>) offsets(%dma_start3A_75 : memref<40xi32, #tpu.memory_space<vmem>>) semaphore(%arg28 : memref<!tpu.dma_semaphore, #tpu.memory_space<semaphore_mem>>)
    %mul3A_79 = arith.constant 4 : i32
    %mul3A_80 = arith.muli %mul3A_79, %div3A_62 : i32
    %add3A_81 = arith.constant 1 : i32
    %add3A_82 = arith.addi %mul3A_80, %add3A_81 : i32
    %mul3A_83 = arith.constant 5 : i32
    %mul3A_84 = arith.muli %add3A_82, %mul3A_83 : i32
    %add3A_85 = arith.addi %mul3A_84, %rem3A_65 : i32
    %dma_start3A_86 = arith.constant 0 : i32
    %dma_start3A_87 = tpu.memref_slice %arg6[%add3A_85, %dma_start3A_86] : memref<160x40xi32, #tpu.memory_space<vmem>> -> memref<1x40xi32, #tpu.memory_space<vmem>>
    %dma_start3A_88 = tpu.memref_squeeze %dma_start3A_87 : memref<1x40xi32, #tpu.memory_space<vmem>> -> memref<40xi32, #tpu.memory_space<vmem>>
    %dma_start3A_89 = arith.constant 0 : i32
    %dma_start3A_90 = arith.constant 0 : i32
    %dma_start3A_91 = tpu.memref_slice %arg3[%dma_start3A_89, %dma_start3A_90] : memref<100000x128xf32, #tpu.memory_space<hbm>> -> memref<100000x128xf32, #tpu.memory_space<hbm>>
    tpu.enqueue_indirect_dma source(%dma_start3A_91 : memref<100000x128xf32, #tpu.memory_space<hbm>>) target(%arg13 : memref<40x128xf32, #tpu.memory_space<vmem>>) offsets(%dma_start3A_88 : memref<40xi32, #tpu.memory_space<vmem>>) semaphore(%arg29 : memref<!tpu.dma_semaphore, #tpu.memory_space<semaphore_mem>>)
    %mul3A_92 = arith.constant 4 : i32
    %mul3A_93 = arith.muli %mul3A_92, %div3A_62 : i32
    %add3A_94 = arith.constant 2 : i32
    %add3A_95 = arith.addi %mul3A_93, %add3A_94 : i32
    %mul3A_96 = arith.constant 5 : i32
    %mul3A_97 = arith.muli %add3A_95, %mul3A_96 : i32
    %add3A_98 = arith.addi %mul3A_97, %rem3A_65 : i32
    %dma_start3A_99 = arith.constant 0 : i32
    %dma_start3A_100 = tpu.memref_slice %arg6[%add3A_98, %dma_start3A_99] : memref<160x40xi32, #tpu.memory_space<vmem>> -> memref<1x40xi32, #tpu.memory_space<vmem>>
    %dma_start3A_101 = tpu.memref_squeeze %dma_start3A_100 : memref<1x40xi32, #tpu.memory_space<vmem>> -> memref<40xi32, #tpu.memory_space<vmem>>
    %dma_start3A_102 = arith.constant 0 : i32
    %dma_start3A_103 = arith.constant 0 : i32
    %dma_start3A_104 = tpu.memref_slice %arg3[%dma_start3A_102, %dma_start3A_103] : memref<100000x128xf32, #tpu.memory_space<hbm>> -> memref<100000x128xf32, #tpu.memory_space<hbm>>
    tpu.enqueue_indirect_dma source(%dma_start3A_104 : memref<100000x128xf32, #tpu.memory_space<hbm>>) target(%arg14 : memref<40x128xf32, #tpu.memory_space<vmem>>) offsets(%dma_start3A_101 : memref<40xi32, #tpu.memory_space<vmem>>) semaphore(%arg30 : memref<!tpu.dma_semaphore, #tpu.memory_space<semaphore_mem>>)
    %mul3A_105 = arith.constant 4 : i32
    %mul3A_106 = arith.muli %mul3A_105, %div3A_62 : i32
    %add3A_107 = arith.constant 3 : i32
    %add3A_108 = arith.addi %mul3A_106, %add3A_107 : i32
    %mul3A_109 = arith.constant 5 : i32
    %mul3A_110 = arith.muli %add3A_108, %mul3A_109 : i32
    %add3A_111 = arith.addi %mul3A_110, %rem3A_65 : i32
    %dma_start3A_112 = arith.constant 0 : i32
    %dma_start3A_113 = tpu.memref_slice %arg6[%add3A_111, %dma_start3A_112] : memref<160x40xi32, #tpu.memory_space<vmem>> -> memref<1x40xi32, #tpu.memory_space<vmem>>
    %dma_start3A_114 = tpu.memref_squeeze %dma_start3A_113 : memref<1x40xi32, #tpu.memory_space<vmem>> -> memref<40xi32, #tpu.memory_space<vmem>>
    %dma_start3A_115 = arith.constant 0 : i32
    %dma_start3A_116 = arith.constant 0 : i32
    %dma_start3A_117 = tpu.memref_slice %arg3[%dma_start3A_115, %dma_start3A_116] : memref<100000x128xf32, #tpu.memory_space<hbm>> -> memref<100000x128xf32, #tpu.memory_space<hbm>>
    tpu.enqueue_indirect_dma source(%dma_start3A_117 : memref<100000x128xf32, #tpu.memory_space<hbm>>) target(%arg15 : memref<40x128xf32, #tpu.memory_space<vmem>>) offsets(%dma_start3A_114 : memref<40xi32, #tpu.memory_space<vmem>>) semaphore(%arg31 : memref<!tpu.dma_semaphore, #tpu.memory_space<semaphore_mem>>)
    "tpu.region"() ({
      %run_scoped3A = tpu.sem_alloc : memref<!tpu.dma_semaphore, #tpu.memory_space<semaphore_mem>>
      tpu.enqueue_dma source(%arg4 : memref<200x128xf32, #tpu.memory_space<hbm>>) target(%arg7 : memref<200x128xf32, #tpu.memory_space<vmem>>) target_semaphore(%run_scoped3A : memref<!tpu.dma_semaphore, #tpu.memory_space<semaphore_mem>>)
      tpu.wait_dma2 semaphore(%run_scoped3A : memref<!tpu.dma_semaphore, #tpu.memory_space<semaphore_mem>>) src(%arg4 : memref<200x128xf32, #tpu.memory_space<hbm>>) dst(%arg7 : memref<200x128xf32, #tpu.memory_space<vmem>>)
      tpu.yield
    }) : () -> ()
    %scan3A = arith.constant 0 : i32
    %scan3A_118 = arith.constant 0 : i32
    %scan3A_119 = arith.constant 20 : i32
    %scan3A_120 = arith.addi %scan3A_118, %scan3A_119 : i32
    %scan3A_121 = arith.constant 1 : i32
    scf.for %scan3A_246 = %scan3A_118 to %scan3A_120 step %scan3A_121  : i32 {
      %mul3A_247 = arith.constant 2 : i32
      %mul3A_248 = arith.muli %scan3A_246, %mul3A_247 : i32
      %add3A_249 = arith.constant 0 : i32
      %add3A_250 = arith.addi %mul3A_248, %add3A_249 : i32
      %div3A_251 = arith.constant 5 : i32
      %div3A_252 = arith.divsi %add3A_250, %div3A_251 : i32
      %rem3A_253 = arith.constant 5 : i32
      %rem3A_254 = arith.remsi %add3A_250, %rem3A_253 : i32
      %mul3A_255 = arith.constant 4 : i32
      %mul3A_256 = arith.muli %mul3A_255, %div3A_252 : i32
      %add3A_257 = arith.constant 0 : i32
      %add3A_258 = arith.addi %mul3A_256, %add3A_257 : i32
      %mul3A_259 = arith.constant 5 : i32
      %mul3A_260 = arith.muli %add3A_258, %mul3A_259 : i32
      %add3A_261 = arith.addi %mul3A_260, %rem3A_254 : i32
      %dma_wait3A_262 = arith.constant 0 : i32
      %dma_wait3A_263 = tpu.memref_slice %arg6[%add3A_261, %dma_wait3A_262] : memref<160x40xi32, #tpu.memory_space<vmem>> -> memref<1x40xi32, #tpu.memory_space<vmem>>
      %dma_wait3A_264 = tpu.memref_squeeze %dma_wait3A_263 : memref<1x40xi32, #tpu.memory_space<vmem>> -> memref<40xi32, #tpu.memory_space<vmem>>
      %dma_wait3A_265 = arith.constant 0 : i32
      %dma_wait3A_266 = arith.constant 0 : i32
      %dma_wait3A_267 = tpu.memref_slice %arg3[%dma_wait3A_265, %dma_wait3A_266] : memref<100000x128xf32, #tpu.memory_space<hbm>> -> memref<100000x128xf32, #tpu.memory_space<hbm>>
      tpu.wait_indirect_dma semaphore(%arg24 : memref<!tpu.dma_semaphore, #tpu.memory_space<semaphore_mem>>) src(%dma_wait3A_267 : memref<100000x128xf32, #tpu.memory_space<hbm>>) dst(%arg8 : memref<40x128xf32, #tpu.memory_space<vmem>>)
      %mul3A_268 = arith.constant 4 : i32
      %mul3A_269 = arith.muli %mul3A_268, %div3A_252 : i32
      %add3A_270 = arith.constant 1 : i32
      %add3A_271 = arith.addi %mul3A_269, %add3A_270 : i32
      %mul3A_272 = arith.constant 5 : i32
      %mul3A_273 = arith.muli %add3A_271, %mul3A_272 : i32
      %add3A_274 = arith.addi %mul3A_273, %rem3A_254 : i32
      %dma_wait3A_275 = arith.constant 0 : i32
      %dma_wait3A_276 = tpu.memref_slice %arg6[%add3A_274, %dma_wait3A_275] : memref<160x40xi32, #tpu.memory_space<vmem>> -> memref<1x40xi32, #tpu.memory_space<vmem>>
      %dma_wait3A_277 = tpu.memref_squeeze %dma_wait3A_276 : memref<1x40xi32, #tpu.memory_space<vmem>> -> memref<40xi32, #tpu.memory_space<vmem>>
      %dma_wait3A_278 = arith.constant 0 : i32
      %dma_wait3A_279 = arith.constant 0 : i32
      %dma_wait3A_280 = tpu.memref_slice %arg3[%dma_wait3A_278, %dma_wait3A_279] : memref<100000x128xf32, #tpu.memory_space<hbm>> -> memref<100000x128xf32, #tpu.memory_space<hbm>>
      tpu.wait_indirect_dma semaphore(%arg25 : memref<!tpu.dma_semaphore, #tpu.memory_space<semaphore_mem>>) src(%dma_wait3A_280 : memref<100000x128xf32, #tpu.memory_space<hbm>>) dst(%arg9 : memref<40x128xf32, #tpu.memory_space<vmem>>)
      %mul3A_281 = arith.constant 4 : i32
      %mul3A_282 = arith.muli %mul3A_281, %div3A_252 : i32
      %add3A_283 = arith.constant 2 : i32
      %add3A_284 = arith.addi %mul3A_282, %add3A_283 : i32
      %mul3A_285 = arith.constant 5 : i32
      %mul3A_286 = arith.muli %add3A_284, %mul3A_285 : i32
      %add3A_287 = arith.addi %mul3A_286, %rem3A_254 : i32
      %dma_wait3A_288 = arith.constant 0 : i32
      %dma_wait3A_289 = tpu.memref_slice %arg6[%add3A_287, %dma_wait3A_288] : memref<160x40xi32, #tpu.memory_space<vmem>> -> memref<1x40xi32, #tpu.memory_space<vmem>>
      %dma_wait3A_290 = tpu.memref_squeeze %dma_wait3A_289 : memref<1x40xi32, #tpu.memory_space<vmem>> -> memref<40xi32, #tpu.memory_space<vmem>>
      %dma_wait3A_291 = arith.constant 0 : i32
      %dma_wait3A_292 = arith.constant 0 : i32
      %dma_wait3A_293 = tpu.memref_slice %arg3[%dma_wait3A_291, %dma_wait3A_292] : memref<100000x128xf32, #tpu.memory_space<hbm>> -> memref<100000x128xf32, #tpu.memory_space<hbm>>
      tpu.wait_indirect_dma semaphore(%arg26 : memref<!tpu.dma_semaphore, #tpu.memory_space<semaphore_mem>>) src(%dma_wait3A_293 : memref<100000x128xf32, #tpu.memory_space<hbm>>) dst(%arg10 : memref<40x128xf32, #tpu.memory_space<vmem>>)
      %mul3A_294 = arith.constant 4 : i32
      %mul3A_295 = arith.muli %mul3A_294, %div3A_252 : i32
      %add3A_296 = arith.constant 3 : i32
      %add3A_297 = arith.addi %mul3A_295, %add3A_296 : i32
      %mul3A_298 = arith.constant 5 : i32
      %mul3A_299 = arith.muli %add3A_297, %mul3A_298 : i32
      %add3A_300 = arith.addi %mul3A_299, %rem3A_254 : i32
      %dma_wait3A_301 = arith.constant 0 : i32
      %dma_wait3A_302 = tpu.memref_slice %arg6[%add3A_300, %dma_wait3A_301] : memref<160x40xi32, #tpu.memory_space<vmem>> -> memref<1x40xi32, #tpu.memory_space<vmem>>
      %dma_wait3A_303 = tpu.memref_squeeze %dma_wait3A_302 : memref<1x40xi32, #tpu.memory_space<vmem>> -> memref<40xi32, #tpu.memory_space<vmem>>
      %dma_wait3A_304 = arith.constant 0 : i32
      %dma_wait3A_305 = arith.constant 0 : i32
      %dma_wait3A_306 = tpu.memref_slice %arg3[%dma_wait3A_304, %dma_wait3A_305] : memref<100000x128xf32, #tpu.memory_space<hbm>> -> memref<100000x128xf32, #tpu.memory_space<hbm>>
      tpu.wait_indirect_dma semaphore(%arg27 : memref<!tpu.dma_semaphore, #tpu.memory_space<semaphore_mem>>) src(%dma_wait3A_306 : memref<100000x128xf32, #tpu.memory_space<hbm>>) dst(%arg11 : memref<40x128xf32, #tpu.memory_space<vmem>>)
      %ge3A = arith.constant 2 : i32
      %ge3A_307 = arith.cmpi sge, %add3A_250, %ge3A : i32
      %convert_element_type3A = arith.extui %ge3A_307 : i1 to i32
      %cond3A = arith.constant 0 : i32
      %cond3A_308 = arith.cmpi ne, %convert_element_type3A, %cond3A : i32
      scf.if %cond3A_308 {
        %sub3A = arith.constant 2 : i32
        %sub3A_520 = arith.subi %add3A_250, %sub3A : i32
        %div3A_521 = arith.constant 5 : i32
        %div3A_522 = arith.divsi %sub3A_520, %div3A_521 : i32
        %rem3A_523 = arith.constant 5 : i32
        %rem3A_524 = arith.remsi %sub3A_520, %rem3A_523 : i32
        %mul3A_525 = arith.constant 4 : i32
        %mul3A_526 = arith.muli %mul3A_525, %div3A_522 : i32
        %add3A_527 = arith.constant 0 : i32
        %add3A_528 = arith.addi %mul3A_526, %add3A_527 : i32
        %mul3A_529 = arith.constant 200 : i32
        %mul3A_530 = arith.muli %add3A_528, %mul3A_529 : i32
        %add3A_531 = arith.addi %mul3A_2, %mul3A_530 : i32
        %mul3A_532 = arith.constant 40 : i32
        %mul3A_533 = arith.muli %rem3A_524, %mul3A_532 : i32
        %add3A_534 = arith.addi %add3A_531, %mul3A_533 : i32
        %dma_wait3A_535 = arith.constant 0 : i32
        %dma_wait3A_536 = tpu.memref_slice %arg5[%add3A_534, %dma_wait3A_535] : memref<204800x128xf32, #tpu.memory_space<hbm>> -> memref<40x128xf32, #tpu.memory_space<hbm>>
        %dma_wait3A_537 = arith.constant 0 : i32
        %dma_wait3A_538 = tpu.memref_slice %arg5[%add3A_534, %dma_wait3A_537] : memref<204800x128xf32, #tpu.memory_space<hbm>> -> memref<40x128xf32, #tpu.memory_space<hbm>>
        tpu.wait_dma2 semaphore(%arg32 : memref<!tpu.dma_semaphore, #tpu.memory_space<semaphore_mem>>) src(%arg16 : memref<40x128xf32, #tpu.memory_space<vmem>>) dst(%dma_wait3A_538 : memref<40x128xf32, #tpu.memory_space<hbm>>)
        %mul3A_539 = arith.constant 4 : i32
        %mul3A_540 = arith.muli %mul3A_539, %div3A_522 : i32
        %add3A_541 = arith.constant 1 : i32
        %add3A_542 = arith.addi %mul3A_540, %add3A_541 : i32
        %mul3A_543 = arith.constant 200 : i32
        %mul3A_544 = arith.muli %add3A_542, %mul3A_543 : i32
        %add3A_545 = arith.addi %mul3A_2, %mul3A_544 : i32
        %mul3A_546 = arith.constant 40 : i32
        %mul3A_547 = arith.muli %rem3A_524, %mul3A_546 : i32
        %add3A_548 = arith.addi %add3A_545, %mul3A_547 : i32
        %dma_wait3A_549 = arith.constant 0 : i32
        %dma_wait3A_550 = tpu.memref_slice %arg5[%add3A_548, %dma_wait3A_549] : memref<204800x128xf32, #tpu.memory_space<hbm>> -> memref<40x128xf32, #tpu.memory_space<hbm>>
        %dma_wait3A_551 = arith.constant 0 : i32
        %dma_wait3A_552 = tpu.memref_slice %arg5[%add3A_548, %dma_wait3A_551] : memref<204800x128xf32, #tpu.memory_space<hbm>> -> memref<40x128xf32, #tpu.memory_space<hbm>>
        tpu.wait_dma2 semaphore(%arg33 : memref<!tpu.dma_semaphore, #tpu.memory_space<semaphore_mem>>) src(%arg17 : memref<40x128xf32, #tpu.memory_space<vmem>>) dst(%dma_wait3A_552 : memref<40x128xf32, #tpu.memory_space<hbm>>)
        %mul3A_553 = arith.constant 4 : i32
        %mul3A_554 = arith.muli %mul3A_553, %div3A_522 : i32
        %add3A_555 = arith.constant 2 : i32
        %add3A_556 = arith.addi %mul3A_554, %add3A_555 : i32
        %mul3A_557 = arith.constant 200 : i32
        %mul3A_558 = arith.muli %add3A_556, %mul3A_557 : i32
        %add3A_559 = arith.addi %mul3A_2, %mul3A_558 : i32
        %mul3A_560 = arith.constant 40 : i32
        %mul3A_561 = arith.muli %rem3A_524, %mul3A_560 : i32
        %add3A_562 = arith.addi %add3A_559, %mul3A_561 : i32
        %dma_wait3A_563 = arith.constant 0 : i32
        %dma_wait3A_564 = tpu.memref_slice %arg5[%add3A_562, %dma_wait3A_563] : memref<204800x128xf32, #tpu.memory_space<hbm>> -> memref<40x128xf32, #tpu.memory_space<hbm>>
        %dma_wait3A_565 = arith.constant 0 : i32
        %dma_wait3A_566 = tpu.memref_slice %arg5[%add3A_562, %dma_wait3A_565] : memref<204800x128xf32, #tpu.memory_space<hbm>> -> memref<40x128xf32, #tpu.memory_space<hbm>>
        tpu.wait_dma2 semaphore(%arg34 : memref<!tpu.dma_semaphore, #tpu.memory_space<semaphore_mem>>) src(%arg18 : memref<40x128xf32, #tpu.memory_space<vmem>>) dst(%dma_wait3A_566 : memref<40x128xf32, #tpu.memory_space<hbm>>)
        %mul3A_567 = arith.constant 4 : i32
        %mul3A_568 = arith.muli %mul3A_567, %div3A_522 : i32
        %add3A_569 = arith.constant 3 : i32
        %add3A_570 = arith.addi %mul3A_568, %add3A_569 : i32
        %mul3A_571 = arith.constant 200 : i32
        %mul3A_572 = arith.muli %add3A_570, %mul3A_571 : i32
        %add3A_573 = arith.addi %mul3A_2, %mul3A_572 : i32
        %mul3A_574 = arith.constant 40 : i32
        %mul3A_575 = arith.muli %rem3A_524, %mul3A_574 : i32
        %add3A_576 = arith.addi %add3A_573, %mul3A_575 : i32
        %dma_wait3A_577 = arith.constant 0 : i32
        %dma_wait3A_578 = tpu.memref_slice %arg5[%add3A_576, %dma_wait3A_577] : memref<204800x128xf32, #tpu.memory_space<hbm>> -> memref<40x128xf32, #tpu.memory_space<hbm>>
        %dma_wait3A_579 = arith.constant 0 : i32
        %dma_wait3A_580 = tpu.memref_slice %arg5[%add3A_576, %dma_wait3A_579] : memref<204800x128xf32, #tpu.memory_space<hbm>> -> memref<40x128xf32, #tpu.memory_space<hbm>>
        tpu.wait_dma2 semaphore(%arg35 : memref<!tpu.dma_semaphore, #tpu.memory_space<semaphore_mem>>) src(%arg19 : memref<40x128xf32, #tpu.memory_space<vmem>>) dst(%dma_wait3A_580 : memref<40x128xf32, #tpu.memory_space<hbm>>)
      } else {
      }
      %div3A_309 = arith.constant 5 : i32
      %div3A_310 = arith.divsi %add3A_250, %div3A_309 : i32
      %rem3A_311 = arith.constant 5 : i32
      %rem3A_312 = arith.remsi %add3A_250, %rem3A_311 : i32
      %mul3A_313 = arith.constant 40 : i32
      %mul3A_314 = arith.muli %rem3A_312, %mul3A_313 : i32
      %parallel_loop3A = arith.constant 0 : i32
      %parallel_loop3A_315 = arith.constant 40 : i32
      %parallel_loop3A_316 = arith.constant 1 : i32
      scf.for %parallel_loop3A_520 = %parallel_loop3A to %parallel_loop3A_315 step %parallel_loop3A_316  : i32 {
        %parallel_loop3A_521 = arith.addi %mul3A_314, %parallel_loop3A_520 : i32
        %parallel_loop3A_522 = arith.index_cast %parallel_loop3A_521 : i32 to index
        %parallel_loop3A_523 = arith.constant 0 : index
        %parallel_loop3A_524 = tpu.vector_load %arg7[%parallel_loop3A_522, %parallel_loop3A_523] {strides = array<i32>} : memref<200x128xf32, #tpu.memory_space<vmem>>, vector<1x16xf32>,
        %parallel_loop3A_525 = vector.shape_cast %parallel_loop3A_524 : vector<1x16xf32> to vector<16xf32>
        %parallel_loop3A_526 = arith.index_cast %parallel_loop3A_520 : i32 to index
        %parallel_loop3A_527 = arith.constant 0 : index
        %parallel_loop3A_528 = tpu.vector_load %arg8[%parallel_loop3A_526, %parallel_loop3A_527] {strides = array<i32>} : memref<40x128xf32, #tpu.memory_space<vmem>>, vector<1x16xf32>,
        %parallel_loop3A_529 = vector.shape_cast %parallel_loop3A_528 : vector<1x16xf32> to vector<16xf32>
        %parallel_loop3A_530 = arith.constant 11.3137083 : f32
        %parallel_loop3A_531 = vector.broadcast %parallel_loop3A_530 : f32 to vector<16xf32>
        %parallel_loop3A_532 = arith.mulf %parallel_loop3A_529, %parallel_loop3A_531 : vector<16xf32>
        %parallel_loop3A_533 = arith.addf %parallel_loop3A_532, %parallel_loop3A_525 : vector<16xf32>
        %parallel_loop3A_534 = arith.index_cast %parallel_loop3A_520 : i32 to index
        %parallel_loop3A_535 = arith.constant 0 : index
        %parallel_loop3A_536 = tpu.vector_load %arg16[%parallel_loop3A_534, %parallel_loop3A_535] {strides = array<i32>} : memref<40x128xf32, #tpu.memory_space<vmem>>, vector<1x16xf32>,
        %parallel_loop3A_537 = vector.shape_cast %parallel_loop3A_536 : vector<1x16xf32> to vector<16xf32>
        %parallel_loop3A_538 = vector.shape_cast %parallel_loop3A_533 : vector<16xf32> to vector<1x16xf32>
        tpu.vector_store %arg16[%parallel_loop3A_534, %parallel_loop3A_535], %parallel_loop3A_538 {strides = array<i32>} : memref<40x128xf32, #tpu.memory_space<vmem>>, vector<1x16xf32>,
        %parallel_loop3A_539 = arith.index_cast %parallel_loop3A_520 : i32 to index
        %parallel_loop3A_540 = arith.constant 0 : index
        %parallel_loop3A_541 = tpu.vector_load %arg9[%parallel_loop3A_539, %parallel_loop3A_540] {strides = array<i32>} : memref<40x128xf32, #tpu.memory_space<vmem>>, vector<1x16xf32>,
        %parallel_loop3A_542 = vector.shape_cast %parallel_loop3A_541 : vector<1x16xf32> to vector<16xf32>
        %parallel_loop3A_543 = arith.constant 11.3137083 : f32
        %parallel_loop3A_544 = vector.broadcast %parallel_loop3A_543 : f32 to vector<16xf32>
        %parallel_loop3A_545 = arith.mulf %parallel_loop3A_542, %parallel_loop3A_544 : vector<16xf32>
        %parallel_loop3A_546 = arith.addf %parallel_loop3A_545, %parallel_loop3A_525 : vector<16xf32>
        %parallel_loop3A_547 = arith.index_cast %parallel_loop3A_520 : i32 to index
        %parallel_loop3A_548 = arith.constant 0 : index
        %parallel_loop3A_549 = tpu.vector_load %arg17[%parallel_loop3A_547, %parallel_loop3A_548] {strides = array<i32>} : memref<40x128xf32, #tpu.memory_space<vmem>>, vector<1x16xf32>,
        %parallel_loop3A_550 = vector.shape_cast %parallel_loop3A_549 : vector<1x16xf32> to vector<16xf32>
        %parallel_loop3A_551 = vector.shape_cast %parallel_loop3A_546 : vector<16xf32> to vector<1x16xf32>
        tpu.vector_store %arg17[%parallel_loop3A_547, %parallel_loop3A_548], %parallel_loop3A_551 {strides = array<i32>} : memref<40x128xf32, #tpu.memory_space<vmem>>, vector<1x16xf32>,
        %parallel_loop3A_552 = arith.index_cast %parallel_loop3A_520 : i32 to index
        %parallel_loop3A_553 = arith.constant 0 : index
        %parallel_loop3A_554 = tpu.vector_load %arg10[%parallel_loop3A_552, %parallel_loop3A_553] {strides = array<i32>} : memref<40x128xf32, #tpu.memory_space<vmem>>, vector<1x16xf32>,
        %parallel_loop3A_555 = vector.shape_cast %parallel_loop3A_554 : vector<1x16xf32> to vector<16xf32>
        %parallel_loop3A_556 = arith.constant 11.3137083 : f32
        %parallel_loop3A_557 = vector.broadcast %parallel_loop3A_556 : f32 to vector<16xf32>
        %parallel_loop3A_558 = arith.mulf %parallel_loop3A_555, %parallel_loop3A_557 : vector<16xf32>
        %parallel_loop3A_559 = arith.addf %parallel_loop3A_558, %parallel_loop3A_525 : vector<16xf32>
        %parallel_loop3A_560 = arith.index_cast %parallel_loop3A_520 : i32 to index
        %parallel_loop3A_561 = arith.constant 0 : index
        %parallel_loop3A_562 = tpu.vector_load %arg18[%parallel_loop3A_560, %parallel_loop3A_561] {strides = array<i32>} : memref<40x128xf32, #tpu.memory_space<vmem>>, vector<1x16xf32>,
        %parallel_loop3A_563 = vector.shape_cast %parallel_loop3A_562 : vector<1x16xf32> to vector<16xf32>
        %parallel_loop3A_564 = vector.shape_cast %parallel_loop3A_559 : vector<16xf32> to vector<1x16xf32>
        tpu.vector_store %arg18[%parallel_loop3A_560, %parallel_loop3A_561], %parallel_loop3A_564 {strides = array<i32>} : memref<40x128xf32, #tpu.memory_space<vmem>>, vector<1x16xf32>,
        %parallel_loop3A_565 = arith.index_cast %parallel_loop3A_520 : i32 to index
        %parallel_loop3A_566 = arith.constant 0 : index
        %parallel_loop3A_567 = tpu.vector_load %arg11[%parallel_loop3A_565, %parallel_loop3A_566] {strides = array<i32>} : memref<40x128xf32, #tpu.memory_space<vmem>>, vector<1x16xf32>,
        %parallel_loop3A_568 = vector.shape_cast %parallel_loop3A_567 : vector<1x16xf32> to vector<16xf32>
        %parallel_loop3A_569 = arith.constant 11.3137083 : f32
        %parallel_loop3A_570 = vector.broadcast %parallel_loop3A_569 : f32 to vector<16xf32>
        %parallel_loop3A_571 = arith.mulf %parallel_loop3A_568, %parallel_loop3A_570 : vector<16xf32>
        %parallel_loop3A_572 = arith.addf %parallel_loop3A_571, %parallel_loop3A_525 : vector<16xf32>
        %parallel_loop3A_573 = arith.index_cast %parallel_loop3A_520 : i32 to index
        %parallel_loop3A_574 = arith.constant 0 : index
        %parallel_loop3A_575 = tpu.vector_load %arg19[%parallel_loop3A_573, %parallel_loop3A_574] {strides = array<i32>} : memref<40x128xf32, #tpu.memory_space<vmem>>, vector<1x16xf32>,
        %parallel_loop3A_576 = vector.shape_cast %parallel_loop3A_575 : vector<1x16xf32> to vector<16xf32>
        %parallel_loop3A_577 = vector.shape_cast %parallel_loop3A_572 : vector<16xf32> to vector<1x16xf32>
        tpu.vector_store %arg19[%parallel_loop3A_573, %parallel_loop3A_574], %parallel_loop3A_577 {strides = array<i32>} : memref<40x128xf32, #tpu.memory_space<vmem>>, vector<1x16xf32>,
        %parallel_loop3A_578 = arith.index_cast %parallel_loop3A_521 : i32 to index
        %parallel_loop3A_579 = arith.constant 16 : index
        %parallel_loop3A_580 = tpu.vector_load %arg7[%parallel_loop3A_578, %parallel_loop3A_579] {strides = array<i32>} : memref<200x128xf32, #tpu.memory_space<vmem>>, vector<1x16xf32>,
        %parallel_loop3A_581 = vector.shape_cast %parallel_loop3A_580 : vector<1x16xf32> to vector<16xf32>
        %parallel_loop3A_582 = arith.index_cast %parallel_loop3A_520 : i32 to index
        %parallel_loop3A_583 = arith.constant 16 : index
        %parallel_loop3A_584 = tpu.vector_load %arg8[%parallel_loop3A_582, %parallel_loop3A_583] {strides = array<i32>} : memref<40x128xf32, #tpu.memory_space<vmem>>, vector<1x16xf32>,
        %parallel_loop3A_585 = vector.shape_cast %parallel_loop3A_584 : vector<1x16xf32> to vector<16xf32>
        %parallel_loop3A_586 = arith.constant 11.3137083 : f32
        %parallel_loop3A_587 = vector.broadcast %parallel_loop3A_586 : f32 to vector<16xf32>
        %parallel_loop3A_588 = arith.mulf %parallel_loop3A_585, %parallel_loop3A_587 : vector<16xf32>
        %parallel_loop3A_589 = arith.addf %parallel_loop3A_588, %parallel_loop3A_581 : vector<16xf32>
        %parallel_loop3A_590 = arith.index_cast %parallel_loop3A_520 : i32 to index
        %parallel_loop3A_591 = arith.constant 16 : index
        %parallel_loop3A_592 = tpu.vector_load %arg16[%parallel_loop3A_590, %parallel_loop3A_591] {strides = array<i32>} : memref<40x128xf32, #tpu.memory_space<vmem>>, vector<1x16xf32>,
        %parallel_loop3A_593 = vector.shape_cast %parallel_loop3A_592 : vector<1x16xf32> to vector<16xf32>
        %parallel_loop3A_594 = vector.shape_cast %parallel_loop3A_589 : vector<16xf32> to vector<1x16xf32>
        tpu.vector_store %arg16[%parallel_loop3A_590, %parallel_loop3A_591], %parallel_loop3A_594 {strides = array<i32>} : memref<40x128xf32, #tpu.memory_space<vmem>>, vector<1x16xf32>,
        %parallel_loop3A_595 = arith.index_cast %parallel_loop3A_520 : i32 to index
        %parallel_loop3A_596 = arith.constant 16 : index
        %parallel_loop3A_597 = tpu.vector_load %arg9[%parallel_loop3A_595, %parallel_loop3A_596] {strides = array<i32>} : memref<40x128xf32, #tpu.memory_space<vmem>>, vector<1x16xf32>,
        %parallel_loop3A_598 = vector.shape_cast %parallel_loop3A_597 : vector<1x16xf32> to vector<16xf32>
        %parallel_loop3A_599 = arith.constant 11.3137083 : f32
        %parallel_loop3A_600 = vector.broadcast %parallel_loop3A_599 : f32 to vector<16xf32>
        %parallel_loop3A_601 = arith.mulf %parallel_loop3A_598, %parallel_loop3A_600 : vector<16xf32>
        %parallel_loop3A_602 = arith.addf %parallel_loop3A_601, %parallel_loop3A_581 : vector<16xf32>
        %parallel_loop3A_603 = arith.index_cast %parallel_loop3A_520 : i32 to index
        %parallel_loop3A_604 = arith.constant 16 : index
        %parallel_loop3A_605 = tpu.vector_load %arg17[%parallel_loop3A_603, %parallel_loop3A_604] {strides = array<i32>} : memref<40x128xf32, #tpu.memory_space<vmem>>, vector<1x16xf32>,
        %parallel_loop3A_606 = vector.shape_cast %parallel_loop3A_605 : vector<1x16xf32> to vector<16xf32>
        %parallel_loop3A_607 = vector.shape_cast %parallel_loop3A_602 : vector<16xf32> to vector<1x16xf32>
        tpu.vector_store %arg17[%parallel_loop3A_603, %parallel_loop3A_604], %parallel_loop3A_607 {strides = array<i32>} : memref<40x128xf32, #tpu.memory_space<vmem>>, vector<1x16xf32>,
        %parallel_loop3A_608 = arith.index_cast %parallel_loop3A_520 : i32 to index
        %parallel_loop3A_609 = arith.constant 16 : index
        %parallel_loop3A_610 = tpu.vector_load %arg10[%parallel_loop3A_608, %parallel_loop3A_609] {strides = array<i32>} : memref<40x128xf32, #tpu.memory_space<vmem>>, vector<1x16xf32>,
        %parallel_loop3A_611 = vector.shape_cast %parallel_loop3A_610 : vector<1x16xf32> to vector<16xf32>
        %parallel_loop3A_612 = arith.constant 11.3137083 : f32
        %parallel_loop3A_613 = vector.broadcast %parallel_loop3A_612 : f32 to vector<16xf32>
        %parallel_loop3A_614 = arith.mulf %parallel_loop3A_611, %parallel_loop3A_613 : vector<16xf32>
        %parallel_loop3A_615 = arith.addf %parallel_loop3A_614, %parallel_loop3A_581 : vector<16xf32>
        %parallel_loop3A_616 = arith.index_cast %parallel_loop3A_520 : i32 to index
        %parallel_loop3A_617 = arith.constant 16 : index
        %parallel_loop3A_618 = tpu.vector_load %arg18[%parallel_loop3A_616, %parallel_loop3A_617] {strides = array<i32>} : memref<40x128xf32, #tpu.memory_space<vmem>>, vector<1x16xf32>,
        %parallel_loop3A_619 = vector.shape_cast %parallel_loop3A_618 : vector<1x16xf32> to vector<16xf32>
        %parallel_loop3A_620 = vector.shape_cast %parallel_loop3A_615 : vector<16xf32> to vector<1x16xf32>
        tpu.vector_store %arg18[%parallel_loop3A_616, %parallel_loop3A_617], %parallel_loop3A_620 {strides = array<i32>} : memref<40x128xf32, #tpu.memory_space<vmem>>, vector<1x16xf32>,
        %parallel_loop3A_621 = arith.index_cast %parallel_loop3A_520 : i32 to index
        %parallel_loop3A_622 = arith.constant 16 : index
        %parallel_loop3A_623 = tpu.vector_load %arg11[%parallel_loop3A_621, %parallel_loop3A_622] {strides = array<i32>} : memref<40x128xf32, #tpu.memory_space<vmem>>, vector<1x16xf32>,
        %parallel_loop3A_624 = vector.shape_cast %parallel_loop3A_623 : vector<1x16xf32> to vector<16xf32>
        %parallel_loop3A_625 = arith.constant 11.3137083 : f32
        %parallel_loop3A_626 = vector.broadcast %parallel_loop3A_625 : f32 to vector<16xf32>
        %parallel_loop3A_627 = arith.mulf %parallel_loop3A_624, %parallel_loop3A_626 : vector<16xf32>
        %parallel_loop3A_628 = arith.addf %parallel_loop3A_627, %parallel_loop3A_581 : vector<16xf32>
        %parallel_loop3A_629 = arith.index_cast %parallel_loop3A_520 : i32 to index
        %parallel_loop3A_630 = arith.constant 16 : index
        %parallel_loop3A_631 = tpu.vector_load %arg19[%parallel_loop3A_629, %parallel_loop3A_630] {strides = array<i32>} : memref<40x128xf32, #tpu.memory_space<vmem>>, vector<1x16xf32>,
        %parallel_loop3A_632 = vector.shape_cast %parallel_loop3A_631 : vector<1x16xf32> to vector<16xf32>
        %parallel_loop3A_633 = vector.shape_cast %parallel_loop3A_628 : vector<16xf32> to vector<1x16xf32>
        tpu.vector_store %arg19[%parallel_loop3A_629, %parallel_loop3A_630], %parallel_loop3A_633 {strides = array<i32>} : memref<40x128xf32, #tpu.memory_space<vmem>>, vector<1x16xf32>,
        %parallel_loop3A_634 = arith.index_cast %parallel_loop3A_521 : i32 to index
        %parallel_loop3A_635 = arith.constant 32 : index
        %parallel_loop3A_636 = tpu.vector_load %arg7[%parallel_loop3A_634, %parallel_loop3A_635] {strides = array<i32>} : memref<200x128xf32, #tpu.memory_space<vmem>>, vector<1x16xf32>,
        %parallel_loop3A_637 = vector.shape_cast %parallel_loop3A_636 : vector<1x16xf32> to vector<16xf32>
        %parallel_loop3A_638 = arith.index_cast %parallel_loop3A_520 : i32 to index
        %parallel_loop3A_639 = arith.constant 32 : index
        %parallel_loop3A_640 = tpu.vector_load %arg8[%parallel_loop3A_638, %parallel_loop3A_639] {strides = array<i32>} : memref<40x128xf32, #tpu.memory_space<vmem>>, vector<1x16xf32>,
        %parallel_loop3A_641 = vector.shape_cast %parallel_loop3A_640 : vector<1x16xf32> to vector<16xf32>
        %parallel_loop3A_642 = arith.constant 11.3137083 : f32
        %parallel_loop3A_643 = vector.broadcast %parallel_loop3A_642 : f32 to vector<16xf32>
        %parallel_loop3A_644 = arith.mulf %parallel_loop3A_641, %parallel_loop3A_643 : vector<16xf32>
        %parallel_loop3A_645 = arith.addf %parallel_loop3A_644, %parallel_loop3A_637 : vector<16xf32>
        %parallel_loop3A_646 = arith.index_cast %parallel_loop3A_520 : i32 to index
        %parallel_loop3A_647 = arith.constant 32 : index
        %parallel_loop3A_648 = tpu.vector_load %arg16[%parallel_loop3A_646, %parallel_loop3A_647] {strides = array<i32>} : memref<40x128xf32, #tpu.memory_space<vmem>>, vector<1x16xf32>,
        %parallel_loop3A_649 = vector.shape_cast %parallel_loop3A_648 : vector<1x16xf32> to vector<16xf32>
        %parallel_loop3A_650 = vector.shape_cast %parallel_loop3A_645 : vector<16xf32> to vector<1x16xf32>
        tpu.vector_store %arg16[%parallel_loop3A_646, %parallel_loop3A_647], %parallel_loop3A_650 {strides = array<i32>} : memref<40x128xf32, #tpu.memory_space<vmem>>, vector<1x16xf32>,
        %parallel_loop3A_651 = arith.index_cast %parallel_loop3A_520 : i32 to index
        %parallel_loop3A_652 = arith.constant 32 : index
        %parallel_loop3A_653 = tpu.vector_load %arg9[%parallel_loop3A_651, %parallel_loop3A_652] {strides = array<i32>} : memref<40x128xf32, #tpu.memory_space<vmem>>, vector<1x16xf32>,
        %parallel_loop3A_654 = vector.shape_cast %parallel_loop3A_653 : vector<1x16xf32> to vector<16xf32>
        %parallel_loop3A_655 = arith.constant 11.3137083 : f32
        %parallel_loop3A_656 = vector.broadcast %parallel_loop3A_655 : f32 to vector<16xf32>
        %parallel_loop3A_657 = arith.mulf %parallel_loop3A_654, %parallel_loop3A_656 : vector<16xf32>
        %parallel_loop3A_658 = arith.addf %parallel_loop3A_657, %parallel_loop3A_637 : vector<16xf32>
        %parallel_loop3A_659 = arith.index_cast %parallel_loop3A_520 : i32 to index
        %parallel_loop3A_660 = arith.constant 32 : index
        %parallel_loop3A_661 = tpu.vector_load %arg17[%parallel_loop3A_659, %parallel_loop3A_660] {strides = array<i32>} : memref<40x128xf32, #tpu.memory_space<vmem>>, vector<1x16xf32>,
        %parallel_loop3A_662 = vector.shape_cast %parallel_loop3A_661 : vector<1x16xf32> to vector<16xf32>
        %parallel_loop3A_663 = vector.shape_cast %parallel_loop3A_658 : vector<16xf32> to vector<1x16xf32>
        tpu.vector_store %arg17[%parallel_loop3A_659, %parallel_loop3A_660], %parallel_loop3A_663 {strides = array<i32>} : memref<40x128xf32, #tpu.memory_space<vmem>>, vector<1x16xf32>,
        %parallel_loop3A_664 = arith.index_cast %parallel_loop3A_520 : i32 to index
        %parallel_loop3A_665 = arith.constant 32 : index
        %parallel_loop3A_666 = tpu.vector_load %arg10[%parallel_loop3A_664, %parallel_loop3A_665] {strides = array<i32>} : memref<40x128xf32, #tpu.memory_space<vmem>>, vector<1x16xf32>,
        %parallel_loop3A_667 = vector.shape_cast %parallel_loop3A_666 : vector<1x16xf32> to vector<16xf32>
        %parallel_loop3A_668 = arith.constant 11.3137083 : f32
        %parallel_loop3A_669 = vector.broadcast %parallel_loop3A_668 : f32 to vector<16xf32>
        %parallel_loop3A_670 = arith.mulf %parallel_loop3A_667, %parallel_loop3A_669 : vector<16xf32>
        %parallel_loop3A_671 = arith.addf %parallel_loop3A_670, %parallel_loop3A_637 : vector<16xf32>
        %parallel_loop3A_672 = arith.index_cast %parallel_loop3A_520 : i32 to index
        %parallel_loop3A_673 = arith.constant 32 : index
        %parallel_loop3A_674 = tpu.vector_load %arg18[%parallel_loop3A_672, %parallel_loop3A_673] {strides = array<i32>} : memref<40x128xf32, #tpu.memory_space<vmem>>, vector<1x16xf32>,
        %parallel_loop3A_675 = vector.shape_cast %parallel_loop3A_674 : vector<1x16xf32> to vector<16xf32>
        %parallel_loop3A_676 = vector.shape_cast %parallel_loop3A_671 : vector<16xf32> to vector<1x16xf32>
        tpu.vector_store %arg18[%parallel_loop3A_672, %parallel_loop3A_673], %parallel_loop3A_676 {strides = array<i32>} : memref<40x128xf32, #tpu.memory_space<vmem>>, vector<1x16xf32>,
        %parallel_loop3A_677 = arith.index_cast %parallel_loop3A_520 : i32 to index
        %parallel_loop3A_678 = arith.constant 32 : index
        %parallel_loop3A_679 = tpu.vector_load %arg11[%parallel_loop3A_677, %parallel_loop3A_678] {strides = array<i32>} : memref<40x128xf32, #tpu.memory_space<vmem>>, vector<1x16xf32>,
        %parallel_loop3A_680 = vector.shape_cast %parallel_loop3A_679 : vector<1x16xf32> to vector<16xf32>
        %parallel_loop3A_681 = arith.constant 11.3137083 : f32
        %parallel_loop3A_682 = vector.broadcast %parallel_loop3A_681 : f32 to vector<16xf32>
        %parallel_loop3A_683 = arith.mulf %parallel_loop3A_680, %parallel_loop3A_682 : vector<16xf32>
        %parallel_loop3A_684 = arith.addf %parallel_loop3A_683, %parallel_loop3A_637 : vector<16xf32>
        %parallel_loop3A_685 = arith.index_cast %parallel_loop3A_520 : i32 to index
        %parallel_loop3A_686 = arith.constant 32 : index
        %parallel_loop3A_687 = tpu.vector_load %arg19[%parallel_loop3A_685, %parallel_loop3A_686] {strides = array<i32>} : memref<40x128xf32, #tpu.memory_space<vmem>>, vector<1x16xf32>,
        %parallel_loop3A_688 = vector.shape_cast %parallel_loop3A_687 : vector<1x16xf32> to vector<16xf32>
        %parallel_loop3A_689 = vector.shape_cast %parallel_loop3A_684 : vector<16xf32> to vector<1x16xf32>
        tpu.vector_store %arg19[%parallel_loop3A_685, %parallel_loop3A_686], %parallel_loop3A_689 {strides = array<i32>} : memref<40x128xf32, #tpu.memory_space<vmem>>, vector<1x16xf32>,
        %parallel_loop3A_690 = arith.index_cast %parallel_loop3A_521 : i32 to index
        %parallel_loop3A_691 = arith.constant 48 : index
        %parallel_loop3A_692 = tpu.vector_load %arg7[%parallel_loop3A_690, %parallel_loop3A_691] {strides = array<i32>} : memref<200x128xf32, #tpu.memory_space<vmem>>, vector<1x16xf32>,
        %parallel_loop3A_693 = vector.shape_cast %parallel_loop3A_692 : vector<1x16xf32> to vector<16xf32>
        %parallel_loop3A_694 = arith.index_cast %parallel_loop3A_520 : i32 to index
        %parallel_loop3A_695 = arith.constant 48 : index
        %parallel_loop3A_696 = tpu.vector_load %arg8[%parallel_loop3A_694, %parallel_loop3A_695] {strides = array<i32>} : memref<40x128xf32, #tpu.memory_space<vmem>>, vector<1x16xf32>,
        %parallel_loop3A_697 = vector.shape_cast %parallel_loop3A_696 : vector<1x16xf32> to vector<16xf32>
        %parallel_loop3A_698 = arith.constant 11.3137083 : f32
        %parallel_loop3A_699 = vector.broadcast %parallel_loop3A_698 : f32 to vector<16xf32>
        %parallel_loop3A_700 = arith.mulf %parallel_loop3A_697, %parallel_loop3A_699 : vector<16xf32>
        %parallel_loop3A_701 = arith.addf %parallel_loop3A_700, %parallel_loop3A_693 : vector<16xf32>
        %parallel_loop3A_702 = arith.index_cast %parallel_loop3A_520 : i32 to index
        %parallel_loop3A_703 = arith.constant 48 : index
        %parallel_loop3A_704 = tpu.vector_load %arg16[%parallel_loop3A_702, %parallel_loop3A_703] {strides = array<i32>} : memref<40x128xf32, #tpu.memory_space<vmem>>, vector<1x16xf32>,
        %parallel_loop3A_705 = vector.shape_cast %parallel_loop3A_704 : vector<1x16xf32> to vector<16xf32>
        %parallel_loop3A_706 = vector.shape_cast %parallel_loop3A_701 : vector<16xf32> to vector<1x16xf32>
        tpu.vector_store %arg16[%parallel_loop3A_702, %parallel_loop3A_703], %parallel_loop3A_706 {strides = array<i32>} : memref<40x128xf32, #tpu.memory_space<vmem>>, vector<1x16xf32>,
        %parallel_loop3A_707 = arith.index_cast %parallel_loop3A_520 : i32 to index
        %parallel_loop3A_708 = arith.constant 48 : index
        %parallel_loop3A_709 = tpu.vector_load %arg9[%parallel_loop3A_707, %parallel_loop3A_708] {strides = array<i32>} : memref<40x128xf32, #tpu.memory_space<vmem>>, vector<1x16xf32>,
        %parallel_loop3A_710 = vector.shape_cast %parallel_loop3A_709 : vector<1x16xf32> to vector<16xf32>
        %parallel_loop3A_711 = arith.constant 11.3137083 : f32
        %parallel_loop3A_712 = vector.broadcast %parallel_loop3A_711 : f32 to vector<16xf32>
        %parallel_loop3A_713 = arith.mulf %parallel_loop3A_710, %parallel_loop3A_712 : vector<16xf32>
        %parallel_loop3A_714 = arith.addf %parallel_loop3A_713, %parallel_loop3A_693 : vector<16xf32>
        %parallel_loop3A_715 = arith.index_cast %parallel_loop3A_520 : i32 to index
        %parallel_loop3A_716 = arith.constant 48 : index
        %parallel_loop3A_717 = tpu.vector_load %arg17[%parallel_loop3A_715, %parallel_loop3A_716] {strides = array<i32>} : memref<40x128xf32, #tpu.memory_space<vmem>>, vector<1x16xf32>,
        %parallel_loop3A_718 = vector.shape_cast %parallel_loop3A_717 : vector<1x16xf32> to vector<16xf32>
        %parallel_loop3A_719 = vector.shape_cast %parallel_loop3A_714 : vector<16xf32> to vector<1x16xf32>
        tpu.vector_store %arg17[%parallel_loop3A_715, %parallel_loop3A_716], %parallel_loop3A_719 {strides = array<i32>} : memref<40x128xf32, #tpu.memory_space<vmem>>, vector<1x16xf32>,
        %parallel_loop3A_720 = arith.index_cast %parallel_loop3A_520 : i32 to index
        %parallel_loop3A_721 = arith.constant 48 : index
        %parallel_loop3A_722 = tpu.vector_load %arg10[%parallel_loop3A_720, %parallel_loop3A_721] {strides = array<i32>} : memref<40x128xf32, #tpu.memory_space<vmem>>, vector<1x16xf32>,
        %parallel_loop3A_723 = vector.shape_cast %parallel_loop3A_722 : vector<1x16xf32> to vector<16xf32>
        %parallel_loop3A_724 = arith.constant 11.3137083 : f32
        %parallel_loop3A_725 = vector.broadcast %parallel_loop3A_724 : f32 to vector<16xf32>
        %parallel_loop3A_726 = arith.mulf %parallel_loop3A_723, %parallel_loop3A_725 : vector<16xf32>
        %parallel_loop3A_727 = arith.addf %parallel_loop3A_726, %parallel_loop3A_693 : vector<16xf32>
        %parallel_loop3A_728 = arith.index_cast %parallel_loop3A_520 : i32 to index
        %parallel_loop3A_729 = arith.constant 48 : index
        %parallel_loop3A_730 = tpu.vector_load %arg18[%parallel_loop3A_728, %parallel_loop3A_729] {strides = array<i32>} : memref<40x128xf32, #tpu.memory_space<vmem>>, vector<1x16xf32>,
        %parallel_loop3A_731 = vector.shape_cast %parallel_loop3A_730 : vector<1x16xf32> to vector<16xf32>
        %parallel_loop3A_732 = vector.shape_cast %parallel_loop3A_727 : vector<16xf32> to vector<1x16xf32>
        tpu.vector_store %arg18[%parallel_loop3A_728, %parallel_loop3A_729], %parallel_loop3A_732 {strides = array<i32>} : memref<40x128xf32, #tpu.memory_space<vmem>>, vector<1x16xf32>,
        %parallel_loop3A_733 = arith.index_cast %parallel_loop3A_520 : i32 to index
        %parallel_loop3A_734 = arith.constant 48 : index
        %parallel_loop3A_735 = tpu.vector_load %arg11[%parallel_loop3A_733, %parallel_loop3A_734] {strides = array<i32>} : memref<40x128xf32, #tpu.memory_space<vmem>>, vector<1x16xf32>,
        %parallel_loop3A_736 = vector.shape_cast %parallel_loop3A_735 : vector<1x16xf32> to vector<16xf32>
        %parallel_loop3A_737 = arith.constant 11.3137083 : f32
        %parallel_loop3A_738 = vector.broadcast %parallel_loop3A_737 : f32 to vector<16xf32>
        %parallel_loop3A_739 = arith.mulf %parallel_loop3A_736, %parallel_loop3A_738 : vector<16xf32>
        %parallel_loop3A_740 = arith.addf %parallel_loop3A_739, %parallel_loop3A_693 : vector<16xf32>
        %parallel_loop3A_741 = arith.index_cast %parallel_loop3A_520 : i32 to index
        %parallel_loop3A_742 = arith.constant 48 : index
        %parallel_loop3A_743 = tpu.vector_load %arg19[%parallel_loop3A_741, %parallel_loop3A_742] {strides = array<i32>} : memref<40x128xf32, #tpu.memory_space<vmem>>, vector<1x16xf32>,
        %parallel_loop3A_744 = vector.shape_cast %parallel_loop3A_743 : vector<1x16xf32> to vector<16xf32>
        %parallel_loop3A_745 = vector.shape_cast %parallel_loop3A_740 : vector<16xf32> to vector<1x16xf32>
        tpu.vector_store %arg19[%parallel_loop3A_741, %parallel_loop3A_742], %parallel_loop3A_745 {strides = array<i32>} : memref<40x128xf32, #tpu.memory_space<vmem>>, vector<1x16xf32>,
        %parallel_loop3A_746 = arith.index_cast %parallel_loop3A_521 : i32 to index
        %parallel_loop3A_747 = arith.constant 64 : index
        %parallel_loop3A_748 = tpu.vector_load %arg7[%parallel_loop3A_746, %parallel_loop3A_747] {strides = array<i32>} : memref<200x128xf32, #tpu.memory_space<vmem>>, vector<1x16xf32>,
        %parallel_loop3A_749 = vector.shape_cast %parallel_loop3A_748 : vector<1x16xf32> to vector<16xf32>
        %parallel_loop3A_750 = arith.index_cast %parallel_loop3A_520 : i32 to index
        %parallel_loop3A_751 = arith.constant 64 : index
        %parallel_loop3A_752 = tpu.vector_load %arg8[%parallel_loop3A_750, %parallel_loop3A_751] {strides = array<i32>} : memref<40x128xf32, #tpu.memory_space<vmem>>, vector<1x16xf32>,
        %parallel_loop3A_753 = vector.shape_cast %parallel_loop3A_752 : vector<1x16xf32> to vector<16xf32>
        %parallel_loop3A_754 = arith.constant 11.3137083 : f32
        %parallel_loop3A_755 = vector.broadcast %parallel_loop3A_754 : f32 to vector<16xf32>
        %parallel_loop3A_756 = arith.mulf %parallel_loop3A_753, %parallel_loop3A_755 : vector<16xf32>
        %parallel_loop3A_757 = arith.addf %parallel_loop3A_756, %parallel_loop3A_749 : vector<16xf32>
        %parallel_loop3A_758 = arith.index_cast %parallel_loop3A_520 : i32 to index
        %parallel_loop3A_759 = arith.constant 64 : index
        %parallel_loop3A_760 = tpu.vector_load %arg16[%parallel_loop3A_758, %parallel_loop3A_759] {strides = array<i32>} : memref<40x128xf32, #tpu.memory_space<vmem>>, vector<1x16xf32>,
        %parallel_loop3A_761 = vector.shape_cast %parallel_loop3A_760 : vector<1x16xf32> to vector<16xf32>
        %parallel_loop3A_762 = vector.shape_cast %parallel_loop3A_757 : vector<16xf32> to vector<1x16xf32>
        tpu.vector_store %arg16[%parallel_loop3A_758, %parallel_loop3A_759], %parallel_loop3A_762 {strides = array<i32>} : memref<40x128xf32, #tpu.memory_space<vmem>>, vector<1x16xf32>,
        %parallel_loop3A_763 = arith.index_cast %parallel_loop3A_520 : i32 to index
        %parallel_loop3A_764 = arith.constant 64 : index
        %parallel_loop3A_765 = tpu.vector_load %arg9[%parallel_loop3A_763, %parallel_loop3A_764] {strides = array<i32>} : memref<40x128xf32, #tpu.memory_space<vmem>>, vector<1x16xf32>,
        %parallel_loop3A_766 = vector.shape_cast %parallel_loop3A_765 : vector<1x16xf32> to vector<16xf32>
        %parallel_loop3A_767 = arith.constant 11.3137083 : f32
        %parallel_loop3A_768 = vector.broadcast %parallel_loop3A_767 : f32 to vector<16xf32>
        %parallel_loop3A_769 = arith.mulf %parallel_loop3A_766, %parallel_loop3A_768 : vector<16xf32>
        %parallel_loop3A_770 = arith.addf %parallel_loop3A_769, %parallel_loop3A_749 : vector<16xf32>
        %parallel_loop3A_771 = arith.index_cast %parallel_loop3A_520 : i32 to index
        %parallel_loop3A_772 = arith.constant 64 : index
        %parallel_loop3A_773 = tpu.vector_load %arg17[%parallel_loop3A_771, %parallel_loop3A_772] {strides = array<i32>} : memref<40x128xf32, #tpu.memory_space<vmem>>, vector<1x16xf32>,
        %parallel_loop3A_774 = vector.shape_cast %parallel_loop3A_773 : vector<1x16xf32> to vector<16xf32>
        %parallel_loop3A_775 = vector.shape_cast %parallel_loop3A_770 : vector<16xf32> to vector<1x16xf32>
        tpu.vector_store %arg17[%parallel_loop3A_771, %parallel_loop3A_772], %parallel_loop3A_775 {strides = array<i32>} : memref<40x128xf32, #tpu.memory_space<vmem>>, vector<1x16xf32>,
        %parallel_loop3A_776 = arith.index_cast %parallel_loop3A_520 : i32 to index
        %parallel_loop3A_777 = arith.constant 64 : index
        %parallel_loop3A_778 = tpu.vector_load %arg10[%parallel_loop3A_776, %parallel_loop3A_777] {strides = array<i32>} : memref<40x128xf32, #tpu.memory_space<vmem>>, vector<1x16xf32>,
        %parallel_loop3A_779 = vector.shape_cast %parallel_loop3A_778 : vector<1x16xf32> to vector<16xf32>
        %parallel_loop3A_780 = arith.constant 11.3137083 : f32
        %parallel_loop3A_781 = vector.broadcast %parallel_loop3A_780 : f32 to vector<16xf32>
        %parallel_loop3A_782 = arith.mulf %parallel_loop3A_779, %parallel_loop3A_781 : vector<16xf32>
        %parallel_loop3A_783 = arith.addf %parallel_loop3A_782, %parallel_loop3A_749 : vector<16xf32>
        %parallel_loop3A_784 = arith.index_cast %parallel_loop3A_520 : i32 to index
        %parallel_loop3A_785 = arith.constant 64 : index
        %parallel_loop3A_786 = tpu.vector_load %arg18[%parallel_loop3A_784, %parallel_loop3A_785] {strides = array<i32>} : memref<40x128xf32, #tpu.memory_space<vmem>>, vector<1x16xf32>,
        %parallel_loop3A_787 = vector.shape_cast %parallel_loop3A_786 : vector<1x16xf32> to vector<16xf32>
        %parallel_loop3A_788 = vector.shape_cast %parallel_loop3A_783 : vector<16xf32> to vector<1x16xf32>
        tpu.vector_store %arg18[%parallel_loop3A_784, %parallel_loop3A_785], %parallel_loop3A_788 {strides = array<i32>} : memref<40x128xf32, #tpu.memory_space<vmem>>, vector<1x16xf32>,
        %parallel_loop3A_789 = arith.index_cast %parallel_loop3A_520 : i32 to index
        %parallel_loop3A_790 = arith.constant 64 : index
        %parallel_loop3A_791 = tpu.vector_load %arg11[%parallel_loop3A_789, %parallel_loop3A_790] {strides = array<i32>} : memref<40x128xf32, #tpu.memory_space<vmem>>, vector<1x16xf32>,
        %parallel_loop3A_792 = vector.shape_cast %parallel_loop3A_791 : vector<1x16xf32> to vector<16xf32>
        %parallel_loop3A_793 = arith.constant 11.3137083 : f32
        %parallel_loop3A_794 = vector.broadcast %parallel_loop3A_793 : f32 to vector<16xf32>
        %parallel_loop3A_795 = arith.mulf %parallel_loop3A_792, %parallel_loop3A_794 : vector<16xf32>
        %parallel_loop3A_796 = arith.addf %parallel_loop3A_795, %parallel_loop3A_749 : vector<16xf32>
        %parallel_loop3A_797 = arith.index_cast %parallel_loop3A_520 : i32 to index
        %parallel_loop3A_798 = arith.constant 64 : index
        %parallel_loop3A_799 = tpu.vector_load %arg19[%parallel_loop3A_797, %parallel_loop3A_798] {strides = array<i32>} : memref<40x128xf32, #tpu.memory_space<vmem>>, vector<1x16xf32>,
        %parallel_loop3A_800 = vector.shape_cast %parallel_loop3A_799 : vector<1x16xf32> to vector<16xf32>
        %parallel_loop3A_801 = vector.shape_cast %parallel_loop3A_796 : vector<16xf32> to vector<1x16xf32>
        tpu.vector_store %arg19[%parallel_loop3A_797, %parallel_loop3A_798], %parallel_loop3A_801 {strides = array<i32>} : memref<40x128xf32, #tpu.memory_space<vmem>>, vector<1x16xf32>,
        %parallel_loop3A_802 = arith.index_cast %parallel_loop3A_521 : i32 to index
        %parallel_loop3A_803 = arith.constant 80 : index
        %parallel_loop3A_804 = tpu.vector_load %arg7[%parallel_loop3A_802, %parallel_loop3A_803] {strides = array<i32>} : memref<200x128xf32, #tpu.memory_space<vmem>>, vector<1x16xf32>,
        %parallel_loop3A_805 = vector.shape_cast %parallel_loop3A_804 : vector<1x16xf32> to vector<16xf32>
        %parallel_loop3A_806 = arith.index_cast %parallel_loop3A_520 : i32 to index
        %parallel_loop3A_807 = arith.constant 80 : index
        %parallel_loop3A_808 = tpu.vector_load %arg8[%parallel_loop3A_806, %parallel_loop3A_807] {strides = array<i32>} : memref<40x128xf32, #tpu.memory_space<vmem>>, vector<1x16xf32>,
        %parallel_loop3A_809 = vector.shape_cast %parallel_loop3A_808 : vector<1x16xf32> to vector<16xf32>
        %parallel_loop3A_810 = arith.constant 11.3137083 : f32
        %parallel_loop3A_811 = vector.broadcast %parallel_loop3A_810 : f32 to vector<16xf32>
        %parallel_loop3A_812 = arith.mulf %parallel_loop3A_809, %parallel_loop3A_811 : vector<16xf32>
        %parallel_loop3A_813 = arith.addf %parallel_loop3A_812, %parallel_loop3A_805 : vector<16xf32>
        %parallel_loop3A_814 = arith.index_cast %parallel_loop3A_520 : i32 to index
        %parallel_loop3A_815 = arith.constant 80 : index
        %parallel_loop3A_816 = tpu.vector_load %arg16[%parallel_loop3A_814, %parallel_loop3A_815] {strides = array<i32>} : memref<40x128xf32, #tpu.memory_space<vmem>>, vector<1x16xf32>,
        %parallel_loop3A_817 = vector.shape_cast %parallel_loop3A_816 : vector<1x16xf32> to vector<16xf32>
        %parallel_loop3A_818 = vector.shape_cast %parallel_loop3A_813 : vector<16xf32> to vector<1x16xf32>
        tpu.vector_store %arg16[%parallel_loop3A_814, %parallel_loop3A_815], %parallel_loop3A_818 {strides = array<i32>} : memref<40x128xf32, #tpu.memory_space<vmem>>, vector<1x16xf32>,
        %parallel_loop3A_819 = arith.index_cast %parallel_loop3A_520 : i32 to index
        %parallel_loop3A_820 = arith.constant 80 : index
        %parallel_loop3A_821 = tpu.vector_load %arg9[%parallel_loop3A_819, %parallel_loop3A_820] {strides = array<i32>} : memref<40x128xf32, #tpu.memory_space<vmem>>, vector<1x16xf32>,
        %parallel_loop3A_822 = vector.shape_cast %parallel_loop3A_821 : vector<1x16xf32> to vector<16xf32>
        %parallel_loop3A_823 = arith.constant 11.3137083 : f32
        %parallel_loop3A_824 = vector.broadcast %parallel_loop3A_823 : f32 to vector<16xf32>
        %parallel_loop3A_825 = arith.mulf %parallel_loop3A_822, %parallel_loop3A_824 : vector<16xf32>
        %parallel_loop3A_826 = arith.addf %parallel_loop3A_825, %parallel_loop3A_805 : vector<16xf32>
        %parallel_loop3A_827 = arith.index_cast %parallel_loop3A_520 : i32 to index
        %parallel_loop3A_828 = arith.constant 80 : index
        %parallel_loop3A_829 = tpu.vector_load %arg17[%parallel_loop3A_827, %parallel_loop3A_828] {strides = array<i32>} : memref<40x128xf32, #tpu.memory_space<vmem>>, vector<1x16xf32>,
        %parallel_loop3A_830 = vector.shape_cast %parallel_loop3A_829 : vector<1x16xf32> to vector<16xf32>
        %parallel_loop3A_831 = vector.shape_cast %parallel_loop3A_826 : vector<16xf32> to vector<1x16xf32>
        tpu.vector_store %arg17[%parallel_loop3A_827, %parallel_loop3A_828], %parallel_loop3A_831 {strides = array<i32>} : memref<40x128xf32, #tpu.memory_space<vmem>>, vector<1x16xf32>,
        %parallel_loop3A_832 = arith.index_cast %parallel_loop3A_520 : i32 to index
        %parallel_loop3A_833 = arith.constant 80 : index
        %parallel_loop3A_834 = tpu.vector_load %arg10[%parallel_loop3A_832, %parallel_loop3A_833] {strides = array<i32>} : memref<40x128xf32, #tpu.memory_space<vmem>>, vector<1x16xf32>,
        %parallel_loop3A_835 = vector.shape_cast %parallel_loop3A_834 : vector<1x16xf32> to vector<16xf32>
        %parallel_loop3A_836 = arith.constant 11.3137083 : f32
        %parallel_loop3A_837 = vector.broadcast %parallel_loop3A_836 : f32 to vector<16xf32>
        %parallel_loop3A_838 = arith.mulf %parallel_loop3A_835, %parallel_loop3A_837 : vector<16xf32>
        %parallel_loop3A_839 = arith.addf %parallel_loop3A_838, %parallel_loop3A_805 : vector<16xf32>
        %parallel_loop3A_840 = arith.index_cast %parallel_loop3A_520 : i32 to index
        %parallel_loop3A_841 = arith.constant 80 : index
        %parallel_loop3A_842 = tpu.vector_load %arg18[%parallel_loop3A_840, %parallel_loop3A_841] {strides = array<i32>} : memref<40x128xf32, #tpu.memory_space<vmem>>, vector<1x16xf32>,
        %parallel_loop3A_843 = vector.shape_cast %parallel_loop3A_842 : vector<1x16xf32> to vector<16xf32>
        %parallel_loop3A_844 = vector.shape_cast %parallel_loop3A_839 : vector<16xf32> to vector<1x16xf32>
        tpu.vector_store %arg18[%parallel_loop3A_840, %parallel_loop3A_841], %parallel_loop3A_844 {strides = array<i32>} : memref<40x128xf32, #tpu.memory_space<vmem>>, vector<1x16xf32>,
        %parallel_loop3A_845 = arith.index_cast %parallel_loop3A_520 : i32 to index
        %parallel_loop3A_846 = arith.constant 80 : index
        %parallel_loop3A_847 = tpu.vector_load %arg11[%parallel_loop3A_845, %parallel_loop3A_846] {strides = array<i32>} : memref<40x128xf32, #tpu.memory_space<vmem>>, vector<1x16xf32>,
        %parallel_loop3A_848 = vector.shape_cast %parallel_loop3A_847 : vector<1x16xf32> to vector<16xf32>
        %parallel_loop3A_849 = arith.constant 11.3137083 : f32
        %parallel_loop3A_850 = vector.broadcast %parallel_loop3A_849 : f32 to vector<16xf32>
        %parallel_loop3A_851 = arith.mulf %parallel_loop3A_848, %parallel_loop3A_850 : vector<16xf32>
        %parallel_loop3A_852 = arith.addf %parallel_loop3A_851, %parallel_loop3A_805 : vector<16xf32>
        %parallel_loop3A_853 = arith.index_cast %parallel_loop3A_520 : i32 to index
        %parallel_loop3A_854 = arith.constant 80 : index
        %parallel_loop3A_855 = tpu.vector_load %arg19[%parallel_loop3A_853, %parallel_loop3A_854] {strides = array<i32>} : memref<40x128xf32, #tpu.memory_space<vmem>>, vector<1x16xf32>,
        %parallel_loop3A_856 = vector.shape_cast %parallel_loop3A_855 : vector<1x16xf32> to vector<16xf32>
        %parallel_loop3A_857 = vector.shape_cast %parallel_loop3A_852 : vector<16xf32> to vector<1x16xf32>
        tpu.vector_store %arg19[%parallel_loop3A_853, %parallel_loop3A_854], %parallel_loop3A_857 {strides = array<i32>} : memref<40x128xf32, #tpu.memory_space<vmem>>, vector<1x16xf32>,
        %parallel_loop3A_858 = arith.index_cast %parallel_loop3A_521 : i32 to index
        %parallel_loop3A_859 = arith.constant 96 : index
        %parallel_loop3A_860 = tpu.vector_load %arg7[%parallel_loop3A_858, %parallel_loop3A_859] {strides = array<i32>} : memref<200x128xf32, #tpu.memory_space<vmem>>, vector<1x16xf32>,
        %parallel_loop3A_861 = vector.shape_cast %parallel_loop3A_860 : vector<1x16xf32> to vector<16xf32>
        %parallel_loop3A_862 = arith.index_cast %parallel_loop3A_520 : i32 to index
        %parallel_loop3A_863 = arith.constant 96 : index
        %parallel_loop3A_864 = tpu.vector_load %arg8[%parallel_loop3A_862, %parallel_loop3A_863] {strides = array<i32>} : memref<40x128xf32, #tpu.memory_space<vmem>>, vector<1x16xf32>,
        %parallel_loop3A_865 = vector.shape_cast %parallel_loop3A_864 : vector<1x16xf32> to vector<16xf32>
        %parallel_loop3A_866 = arith.constant 11.3137083 : f32
        %parallel_loop3A_867 = vector.broadcast %parallel_loop3A_866 : f32 to vector<16xf32>
        %parallel_loop3A_868 = arith.mulf %parallel_loop3A_865, %parallel_loop3A_867 : vector<16xf32>
        %parallel_loop3A_869 = arith.addf %parallel_loop3A_868, %parallel_loop3A_861 : vector<16xf32>
        %parallel_loop3A_870 = arith.index_cast %parallel_loop3A_520 : i32 to index
        %parallel_loop3A_871 = arith.constant 96 : index
        %parallel_loop3A_872 = tpu.vector_load %arg16[%parallel_loop3A_870, %parallel_loop3A_871] {strides = array<i32>} : memref<40x128xf32, #tpu.memory_space<vmem>>, vector<1x16xf32>,
        %parallel_loop3A_873 = vector.shape_cast %parallel_loop3A_872 : vector<1x16xf32> to vector<16xf32>
        %parallel_loop3A_874 = vector.shape_cast %parallel_loop3A_869 : vector<16xf32> to vector<1x16xf32>
        tpu.vector_store %arg16[%parallel_loop3A_870, %parallel_loop3A_871], %parallel_loop3A_874 {strides = array<i32>} : memref<40x128xf32, #tpu.memory_space<vmem>>, vector<1x16xf32>,
        %parallel_loop3A_875 = arith.index_cast %parallel_loop3A_520 : i32 to index
        %parallel_loop3A_876 = arith.constant 96 : index
        %parallel_loop3A_877 = tpu.vector_load %arg9[%parallel_loop3A_875, %parallel_loop3A_876] {strides = array<i32>} : memref<40x128xf32, #tpu.memory_space<vmem>>, vector<1x16xf32>,
        %parallel_loop3A_878 = vector.shape_cast %parallel_loop3A_877 : vector<1x16xf32> to vector<16xf32>
        %parallel_loop3A_879 = arith.constant 11.3137083 : f32
        %parallel_loop3A_880 = vector.broadcast %parallel_loop3A_879 : f32 to vector<16xf32>
        %parallel_loop3A_881 = arith.mulf %parallel_loop3A_878, %parallel_loop3A_880 : vector<16xf32>
        %parallel_loop3A_882 = arith.addf %parallel_loop3A_881, %parallel_loop3A_861 : vector<16xf32>
        %parallel_loop3A_883 = arith.index_cast %parallel_loop3A_520 : i32 to index
        %parallel_loop3A_884 = arith.constant 96 : index
        %parallel_loop3A_885 = tpu.vector_load %arg17[%parallel_loop3A_883, %parallel_loop3A_884] {strides = array<i32>} : memref<40x128xf32, #tpu.memory_space<vmem>>, vector<1x16xf32>,
        %parallel_loop3A_886 = vector.shape_cast %parallel_loop3A_885 : vector<1x16xf32> to vector<16xf32>
        %parallel_loop3A_887 = vector.shape_cast %parallel_loop3A_882 : vector<16xf32> to vector<1x16xf32>
        tpu.vector_store %arg17[%parallel_loop3A_883, %parallel_loop3A_884], %parallel_loop3A_887 {strides = array<i32>} : memref<40x128xf32, #tpu.memory_space<vmem>>, vector<1x16xf32>,
        %parallel_loop3A_888 = arith.index_cast %parallel_loop3A_520 : i32 to index
        %parallel_loop3A_889 = arith.constant 96 : index
        %parallel_loop3A_890 = tpu.vector_load %arg10[%parallel_loop3A_888, %parallel_loop3A_889] {strides = array<i32>} : memref<40x128xf32, #tpu.memory_space<vmem>>, vector<1x16xf32>,
        %parallel_loop3A_891 = vector.shape_cast %parallel_loop3A_890 : vector<1x16xf32> to vector<16xf32>
        %parallel_loop3A_892 = arith.constant 11.3137083 : f32
        %parallel_loop3A_893 = vector.broadcast %parallel_loop3A_892 : f32 to vector<16xf32>
        %parallel_loop3A_894 = arith.mulf %parallel_loop3A_891, %parallel_loop3A_893 : vector<16xf32>
        %parallel_loop3A_895 = arith.addf %parallel_loop3A_894, %parallel_loop3A_861 : vector<16xf32>
        %parallel_loop3A_896 = arith.index_cast %parallel_loop3A_520 : i32 to index
        %parallel_loop3A_897 = arith.constant 96 : index
        %parallel_loop3A_898 = tpu.vector_load %arg18[%parallel_loop3A_896, %parallel_loop3A_897] {strides = array<i32>} : memref<40x128xf32, #tpu.memory_space<vmem>>, vector<1x16xf32>,
        %parallel_loop3A_899 = vector.shape_cast %parallel_loop3A_898 : vector<1x16xf32> to vector<16xf32>
        %parallel_loop3A_900 = vector.shape_cast %parallel_loop3A_895 : vector<16xf32> to vector<1x16xf32>
        tpu.vector_store %arg18[%parallel_loop3A_896, %parallel_loop3A_897], %parallel_loop3A_900 {strides = array<i32>} : memref<40x128xf32, #tpu.memory_space<vmem>>, vector<1x16xf32>,
        %parallel_loop3A_901 = arith.index_cast %parallel_loop3A_520 : i32 to index
        %parallel_loop3A_902 = arith.constant 96 : index
        %parallel_loop3A_903 = tpu.vector_load %arg11[%parallel_loop3A_901, %parallel_loop3A_902] {strides = array<i32>} : memref<40x128xf32, #tpu.memory_space<vmem>>, vector<1x16xf32>,
        %parallel_loop3A_904 = vector.shape_cast %parallel_loop3A_903 : vector<1x16xf32> to vector<16xf32>
        %parallel_loop3A_905 = arith.constant 11.3137083 : f32
        %parallel_loop3A_906 = vector.broadcast %parallel_loop3A_905 : f32 to vector<16xf32>
        %parallel_loop3A_907 = arith.mulf %parallel_loop3A_904, %parallel_loop3A_906 : vector<16xf32>
        %parallel_loop3A_908 = arith.addf %parallel_loop3A_907, %parallel_loop3A_861 : vector<16xf32>
        %parallel_loop3A_909 = arith.index_cast %parallel_loop3A_520 : i32 to index
        %parallel_loop3A_910 = arith.constant 96 : index
        %parallel_loop3A_911 = tpu.vector_load %arg19[%parallel_loop3A_909, %parallel_loop3A_910] {strides = array<i32>} : memref<40x128xf32, #tpu.memory_space<vmem>>, vector<1x16xf32>,
        %parallel_loop3A_912 = vector.shape_cast %parallel_loop3A_911 : vector<1x16xf32> to vector<16xf32>
        %parallel_loop3A_913 = vector.shape_cast %parallel_loop3A_908 : vector<16xf32> to vector<1x16xf32>
        tpu.vector_store %arg19[%parallel_loop3A_909, %parallel_loop3A_910], %parallel_loop3A_913 {strides = array<i32>} : memref<40x128xf32, #tpu.memory_space<vmem>>, vector<1x16xf32>,
        %parallel_loop3A_914 = arith.index_cast %parallel_loop3A_521 : i32 to index
        %parallel_loop3A_915 = arith.constant 112 : index
        %parallel_loop3A_916 = tpu.vector_load %arg7[%parallel_loop3A_914, %parallel_loop3A_915] {strides = array<i32>} : memref<200x128xf32, #tpu.memory_space<vmem>>, vector<1x16xf32>,
        %parallel_loop3A_917 = vector.shape_cast %parallel_loop3A_916 : vector<1x16xf32> to vector<16xf32>
        %parallel_loop3A_918 = arith.index_cast %parallel_loop3A_520 : i32 to index
        %parallel_loop3A_919 = arith.constant 112 : index
        %parallel_loop3A_920 = tpu.vector_load %arg8[%parallel_loop3A_918, %parallel_loop3A_919] {strides = array<i32>} : memref<40x128xf32, #tpu.memory_space<vmem>>, vector<1x16xf32>,
        %parallel_loop3A_921 = vector.shape_cast %parallel_loop3A_920 : vector<1x16xf32> to vector<16xf32>
        %parallel_loop3A_922 = arith.constant 11.3137083 : f32
        %parallel_loop3A_923 = vector.broadcast %parallel_loop3A_922 : f32 to vector<16xf32>
        %parallel_loop3A_924 = arith.mulf %parallel_loop3A_921, %parallel_loop3A_923 : vector<16xf32>
        %parallel_loop3A_925 = arith.addf %parallel_loop3A_924, %parallel_loop3A_917 : vector<16xf32>
        %parallel_loop3A_926 = arith.index_cast %parallel_loop3A_520 : i32 to index
        %parallel_loop3A_927 = arith.constant 112 : index
        %parallel_loop3A_928 = tpu.vector_load %arg16[%parallel_loop3A_926, %parallel_loop3A_927] {strides = array<i32>} : memref<40x128xf32, #tpu.memory_space<vmem>>, vector<1x16xf32>,
        %parallel_loop3A_929 = vector.shape_cast %parallel_loop3A_928 : vector<1x16xf32> to vector<16xf32>
        %parallel_loop3A_930 = vector.shape_cast %parallel_loop3A_925 : vector<16xf32> to vector<1x16xf32>
        tpu.vector_store %arg16[%parallel_loop3A_926, %parallel_loop3A_927], %parallel_loop3A_930 {strides = array<i32>} : memref<40x128xf32, #tpu.memory_space<vmem>>, vector<1x16xf32>,
        %parallel_loop3A_931 = arith.index_cast %parallel_loop3A_520 : i32 to index
        %parallel_loop3A_932 = arith.constant 112 : index
        %parallel_loop3A_933 = tpu.vector_load %arg9[%parallel_loop3A_931, %parallel_loop3A_932] {strides = array<i32>} : memref<40x128xf32, #tpu.memory_space<vmem>>, vector<1x16xf32>,
        %parallel_loop3A_934 = vector.shape_cast %parallel_loop3A_933 : vector<1x16xf32> to vector<16xf32>
        %parallel_loop3A_935 = arith.constant 11.3137083 : f32
        %parallel_loop3A_936 = vector.broadcast %parallel_loop3A_935 : f32 to vector<16xf32>
        %parallel_loop3A_937 = arith.mulf %parallel_loop3A_934, %parallel_loop3A_936 : vector<16xf32>
        %parallel_loop3A_938 = arith.addf %parallel_loop3A_937, %parallel_loop3A_917 : vector<16xf32>
        %parallel_loop3A_939 = arith.index_cast %parallel_loop3A_520 : i32 to index
        %parallel_loop3A_940 = arith.constant 112 : index
        %parallel_loop3A_941 = tpu.vector_load %arg17[%parallel_loop3A_939, %parallel_loop3A_940] {strides = array<i32>} : memref<40x128xf32, #tpu.memory_space<vmem>>, vector<1x16xf32>,
        %parallel_loop3A_942 = vector.shape_cast %parallel_loop3A_941 : vector<1x16xf32> to vector<16xf32>
        %parallel_loop3A_943 = vector.shape_cast %parallel_loop3A_938 : vector<16xf32> to vector<1x16xf32>
        tpu.vector_store %arg17[%parallel_loop3A_939, %parallel_loop3A_940], %parallel_loop3A_943 {strides = array<i32>} : memref<40x128xf32, #tpu.memory_space<vmem>>, vector<1x16xf32>,
        %parallel_loop3A_944 = arith.index_cast %parallel_loop3A_520 : i32 to index
        %parallel_loop3A_945 = arith.constant 112 : index
        %parallel_loop3A_946 = tpu.vector_load %arg10[%parallel_loop3A_944, %parallel_loop3A_945] {strides = array<i32>} : memref<40x128xf32, #tpu.memory_space<vmem>>, vector<1x16xf32>,
        %parallel_loop3A_947 = vector.shape_cast %parallel_loop3A_946 : vector<1x16xf32> to vector<16xf32>
        %parallel_loop3A_948 = arith.constant 11.3137083 : f32
        %parallel_loop3A_949 = vector.broadcast %parallel_loop3A_948 : f32 to vector<16xf32>
        %parallel_loop3A_950 = arith.mulf %parallel_loop3A_947, %parallel_loop3A_949 : vector<16xf32>
        %parallel_loop3A_951 = arith.addf %parallel_loop3A_950, %parallel_loop3A_917 : vector<16xf32>
        %parallel_loop3A_952 = arith.index_cast %parallel_loop3A_520 : i32 to index
        %parallel_loop3A_953 = arith.constant 112 : index
        %parallel_loop3A_954 = tpu.vector_load %arg18[%parallel_loop3A_952, %parallel_loop3A_953] {strides = array<i32>} : memref<40x128xf32, #tpu.memory_space<vmem>>, vector<1x16xf32>,
        %parallel_loop3A_955 = vector.shape_cast %parallel_loop3A_954 : vector<1x16xf32> to vector<16xf32>
        %parallel_loop3A_956 = vector.shape_cast %parallel_loop3A_951 : vector<16xf32> to vector<1x16xf32>
        tpu.vector_store %arg18[%parallel_loop3A_952, %parallel_loop3A_953], %parallel_loop3A_956 {strides = array<i32>} : memref<40x128xf32, #tpu.memory_space<vmem>>, vector<1x16xf32>,
        %parallel_loop3A_957 = arith.index_cast %parallel_loop3A_520 : i32 to index
        %parallel_loop3A_958 = arith.constant 112 : index
        %parallel_loop3A_959 = tpu.vector_load %arg11[%parallel_loop3A_957, %parallel_loop3A_958] {strides = array<i32>} : memref<40x128xf32, #tpu.memory_space<vmem>>, vector<1x16xf32>,
        %parallel_loop3A_960 = vector.shape_cast %parallel_loop3A_959 : vector<1x16xf32> to vector<16xf32>
        %parallel_loop3A_961 = arith.constant 11.3137083 : f32
        %parallel_loop3A_962 = vector.broadcast %parallel_loop3A_961 : f32 to vector<16xf32>
        %parallel_loop3A_963 = arith.mulf %parallel_loop3A_960, %parallel_loop3A_962 : vector<16xf32>
        %parallel_loop3A_964 = arith.addf %parallel_loop3A_963, %parallel_loop3A_917 : vector<16xf32>
        %parallel_loop3A_965 = arith.index_cast %parallel_loop3A_520 : i32 to index
        %parallel_loop3A_966 = arith.constant 112 : index
        %parallel_loop3A_967 = tpu.vector_load %arg19[%parallel_loop3A_965, %parallel_loop3A_966] {strides = array<i32>} : memref<40x128xf32, #tpu.memory_space<vmem>>, vector<1x16xf32>,
        %parallel_loop3A_968 = vector.shape_cast %parallel_loop3A_967 : vector<1x16xf32> to vector<16xf32>
        %parallel_loop3A_969 = vector.shape_cast %parallel_loop3A_964 : vector<16xf32> to vector<1x16xf32>
        tpu.vector_store %arg19[%parallel_loop3A_965, %parallel_loop3A_966], %parallel_loop3A_969 {strides = array<i32>} : memref<40x128xf32, #tpu.memory_space<vmem>>, vector<1x16xf32>,
      } {sc.loop_unroll_factor = 1 : i64, sc.parallel_access}
      %lt3A = arith.constant 38 : i32
      %lt3A_317 = arith.cmpi slt, %add3A_250, %lt3A : i32
      %convert_element_type3A_318 = arith.extui %lt3A_317 : i1 to i32
      %cond3A_319 = arith.constant 0 : i32
      %cond3A_320 = arith.cmpi ne, %convert_element_type3A_318, %cond3A_319 : i32
      scf.if %cond3A_320 {
        %add3A_520 = arith.constant 2 : i32
        %add3A_521 = arith.addi %add3A_250, %add3A_520 : i32
        %div3A_522 = arith.constant 5 : i32
        %div3A_523 = arith.divsi %add3A_521, %div3A_522 : i32
        %rem3A_524 = arith.constant 5 : i32
        %rem3A_525 = arith.remsi %add3A_521, %rem3A_524 : i32
        %mul3A_526 = arith.constant 4 : i32
        %mul3A_527 = arith.muli %mul3A_526, %div3A_523 : i32
        %add3A_528 = arith.constant 0 : i32
        %add3A_529 = arith.addi %mul3A_527, %add3A_528 : i32
        %mul3A_530 = arith.constant 5 : i32
        %mul3A_531 = arith.muli %add3A_529, %mul3A_530 : i32
        %add3A_532 = arith.addi %mul3A_531, %rem3A_525 : i32
        %dma_start3A_533 = arith.constant 0 : i32
        %dma_start3A_534 = tpu.memref_slice %arg6[%add3A_532, %dma_start3A_533] : memref<160x40xi32, #tpu.memory_space<vmem>> -> memref<1x40xi32, #tpu.memory_space<vmem>>
        %dma_start3A_535 = tpu.memref_squeeze %dma_start3A_534 : memref<1x40xi32, #tpu.memory_space<vmem>> -> memref<40xi32, #tpu.memory_space<vmem>>
        %dma_start3A_536 = arith.constant 0 : i32
        %dma_start3A_537 = arith.constant 0 : i32
        %dma_start3A_538 = tpu.memref_slice %arg3[%dma_start3A_536, %dma_start3A_537] : memref<100000x128xf32, #tpu.memory_space<hbm>> -> memref<100000x128xf32, #tpu.memory_space<hbm>>
        tpu.enqueue_indirect_dma source(%dma_start3A_538 : memref<100000x128xf32, #tpu.memory_space<hbm>>) target(%arg8 : memref<40x128xf32, #tpu.memory_space<vmem>>) offsets(%dma_start3A_535 : memref<40xi32, #tpu.memory_space<vmem>>) semaphore(%arg24 : memref<!tpu.dma_semaphore, #tpu.memory_space<semaphore_mem>>)
        %mul3A_539 = arith.constant 4 : i32
        %mul3A_540 = arith.muli %mul3A_539, %div3A_523 : i32
        %add3A_541 = arith.constant 1 : i32
        %add3A_542 = arith.addi %mul3A_540, %add3A_541 : i32
        %mul3A_543 = arith.constant 5 : i32
        %mul3A_544 = arith.muli %add3A_542, %mul3A_543 : i32
        %add3A_545 = arith.addi %mul3A_544, %rem3A_525 : i32
        %dma_start3A_546 = arith.constant 0 : i32
        %dma_start3A_547 = tpu.memref_slice %arg6[%add3A_545, %dma_start3A_546] : memref<160x40xi32, #tpu.memory_space<vmem>> -> memref<1x40xi32, #tpu.memory_space<vmem>>
        %dma_start3A_548 = tpu.memref_squeeze %dma_start3A_547 : memref<1x40xi32, #tpu.memory_space<vmem>> -> memref<40xi32, #tpu.memory_space<vmem>>
        %dma_start3A_549 = arith.constant 0 : i32
        %dma_start3A_550 = arith.constant 0 : i32
        %dma_start3A_551 = tpu.memref_slice %arg3[%dma_start3A_549, %dma_start3A_550] : memref<100000x128xf32, #tpu.memory_space<hbm>> -> memref<100000x128xf32, #tpu.memory_space<hbm>>
        tpu.enqueue_indirect_dma source(%dma_start3A_551 : memref<100000x128xf32, #tpu.memory_space<hbm>>) target(%arg9 : memref<40x128xf32, #tpu.memory_space<vmem>>) offsets(%dma_start3A_548 : memref<40xi32, #tpu.memory_space<vmem>>) semaphore(%arg25 : memref<!tpu.dma_semaphore, #tpu.memory_space<semaphore_mem>>)
        %mul3A_552 = arith.constant 4 : i32
        %mul3A_553 = arith.muli %mul3A_552, %div3A_523 : i32
        %add3A_554 = arith.constant 2 : i32
        %add3A_555 = arith.addi %mul3A_553, %add3A_554 : i32
        %mul3A_556 = arith.constant 5 : i32
        %mul3A_557 = arith.muli %add3A_555, %mul3A_556 : i32
        %add3A_558 = arith.addi %mul3A_557, %rem3A_525 : i32
        %dma_start3A_559 = arith.constant 0 : i32
        %dma_start3A_560 = tpu.memref_slice %arg6[%add3A_558, %dma_start3A_559] : memref<160x40xi32, #tpu.memory_space<vmem>> -> memref<1x40xi32, #tpu.memory_space<vmem>>
        %dma_start3A_561 = tpu.memref_squeeze %dma_start3A_560 : memref<1x40xi32, #tpu.memory_space<vmem>> -> memref<40xi32, #tpu.memory_space<vmem>>
        %dma_start3A_562 = arith.constant 0 : i32
        %dma_start3A_563 = arith.constant 0 : i32
        %dma_start3A_564 = tpu.memref_slice %arg3[%dma_start3A_562, %dma_start3A_563] : memref<100000x128xf32, #tpu.memory_space<hbm>> -> memref<100000x128xf32, #tpu.memory_space<hbm>>
        tpu.enqueue_indirect_dma source(%dma_start3A_564 : memref<100000x128xf32, #tpu.memory_space<hbm>>) target(%arg10 : memref<40x128xf32, #tpu.memory_space<vmem>>) offsets(%dma_start3A_561 : memref<40xi32, #tpu.memory_space<vmem>>) semaphore(%arg26 : memref<!tpu.dma_semaphore, #tpu.memory_space<semaphore_mem>>)
        %mul3A_565 = arith.constant 4 : i32
        %mul3A_566 = arith.muli %mul3A_565, %div3A_523 : i32
        %add3A_567 = arith.constant 3 : i32
        %add3A_568 = arith.addi %mul3A_566, %add3A_567 : i32
        %mul3A_569 = arith.constant 5 : i32
        %mul3A_570 = arith.muli %add3A_568, %mul3A_569 : i32
        %add3A_571 = arith.addi %mul3A_570, %rem3A_525 : i32
        %dma_start3A_572 = arith.constant 0 : i32
        %dma_start3A_573 = tpu.memref_slice %arg6[%add3A_571, %dma_start3A_572] : memref<160x40xi32, #tpu.memory_space<vmem>> -> memref<1x40xi32, #tpu.memory_space<vmem>>
        %dma_start3A_574 = tpu.memref_squeeze %dma_start3A_573 : memref<1x40xi32, #tpu.memory_space<vmem>> -> memref<40xi32, #tpu.memory_space<vmem>>
        %dma_start3A_575 = arith.constant 0 : i32
        %dma_start3A_576 = arith.constant 0 : i32
        %dma_start3A_577 = tpu.memref_slice %arg3[%dma_start3A_575, %dma_start3A_576] : memref<100000x128xf32, #tpu.memory_space<hbm>> -> memref<100000x128xf32, #tpu.memory_space<hbm>>
        tpu.enqueue_indirect_dma source(%dma_start3A_577 : memref<100000x128xf32, #tpu.memory_space<hbm>>) target(%arg11 : memref<40x128xf32, #tpu.memory_space<vmem>>) offsets(%dma_start3A_574 : memref<40xi32, #tpu.memory_space<vmem>>) semaphore(%arg27 : memref<!tpu.dma_semaphore, #tpu.memory_space<semaphore_mem>>)
      } else {
      }
      %div3A_321 = arith.constant 5 : i32
      %div3A_322 = arith.divsi %add3A_250, %div3A_321 : i32
      %rem3A_323 = arith.constant 5 : i32
      %rem3A_324 = arith.remsi %add3A_250, %rem3A_323 : i32
      %mul3A_325 = arith.constant 4 : i32
      %mul3A_326 = arith.muli %mul3A_325, %div3A_322 : i32
      %add3A_327 = arith.constant 0 : i32
      %add3A_328 = arith.addi %mul3A_326, %add3A_327 : i32
      %mul3A_329 = arith.constant 200 : i32
      %mul3A_330 = arith.muli %add3A_328, %mul3A_329 : i32
      %add3A_331 = arith.addi %mul3A_2, %mul3A_330 : i32
      %mul3A_332 = arith.constant 40 : i32
      %mul3A_333 = arith.muli %rem3A_324, %mul3A_332 : i32
      %add3A_334 = arith.addi %add3A_331, %mul3A_333 : i32
      %dma_start3A_335 = arith.constant 0 : i32
      %dma_start3A_336 = tpu.memref_slice %arg5[%add3A_334, %dma_start3A_335] : memref<204800x128xf32, #tpu.memory_space<hbm>> -> memref<40x128xf32, #tpu.memory_space<hbm>>
      %dma_start3A_337 = arith.constant 0 : i32
      %dma_start3A_338 = tpu.memref_slice %arg5[%add3A_334, %dma_start3A_337] : memref<204800x128xf32, #tpu.memory_space<hbm>> -> memref<40x128xf32, #tpu.memory_space<hbm>>
      tpu.enqueue_dma source(%arg16 : memref<40x128xf32, #tpu.memory_space<vmem>>) target(%dma_start3A_338 : memref<40x128xf32, #tpu.memory_space<hbm>>) target_semaphore(%arg32 : memref<!tpu.dma_semaphore, #tpu.memory_space<semaphore_mem>>)
      %mul3A_339 = arith.constant 4 : i32
      %mul3A_340 = arith.muli %mul3A_339, %div3A_322 : i32
      %add3A_341 = arith.constant 1 : i32
      %add3A_342 = arith.addi %mul3A_340, %add3A_341 : i32
      %mul3A_343 = arith.constant 200 : i32
      %mul3A_344 = arith.muli %add3A_342, %mul3A_343 : i32
      %add3A_345 = arith.addi %mul3A_2, %mul3A_344 : i32
      %mul3A_346 = arith.constant 40 : i32
      %mul3A_347 = arith.muli %rem3A_324, %mul3A_346 : i32
      %add3A_348 = arith.addi %add3A_345, %mul3A_347 : i32
      %dma_start3A_349 = arith.constant 0 : i32
      %dma_start3A_350 = tpu.memref_slice %arg5[%add3A_348, %dma_start3A_349] : memref<204800x128xf32, #tpu.memory_space<hbm>> -> memref<40x128xf32, #tpu.memory_space<hbm>>
      %dma_start3A_351 = arith.constant 0 : i32
      %dma_start3A_352 = tpu.memref_slice %arg5[%add3A_348, %dma_start3A_351] : memref<204800x128xf32, #tpu.memory_space<hbm>> -> memref<40x128xf32, #tpu.memory_space<hbm>>
      tpu.enqueue_dma source(%arg17 : memref<40x128xf32, #tpu.memory_space<vmem>>) target(%dma_start3A_352 : memref<40x128xf32, #tpu.memory_space<hbm>>) target_semaphore(%arg33 : memref<!tpu.dma_semaphore, #tpu.memory_space<semaphore_mem>>)
      %mul3A_353 = arith.constant 4 : i32
      %mul3A_354 = arith.muli %mul3A_353, %div3A_322 : i32
      %add3A_355 = arith.constant 2 : i32
      %add3A_356 = arith.addi %mul3A_354, %add3A_355 : i32
      %mul3A_357 = arith.constant 200 : i32
      %mul3A_358 = arith.muli %add3A_356, %mul3A_357 : i32
      %add3A_359 = arith.addi %mul3A_2, %mul3A_358 : i32
      %mul3A_360 = arith.constant 40 : i32
      %mul3A_361 = arith.muli %rem3A_324, %mul3A_360 : i32
      %add3A_362 = arith.addi %add3A_359, %mul3A_361 : i32
      %dma_start3A_363 = arith.constant 0 : i32
      %dma_start3A_364 = tpu.memref_slice %arg5[%add3A_362, %dma_start3A_363] : memref<204800x128xf32, #tpu.memory_space<hbm>> -> memref<40x128xf32, #tpu.memory_space<hbm>>
      %dma_start3A_365 = arith.constant 0 : i32
      %dma_start3A_366 = tpu.memref_slice %arg5[%add3A_362, %dma_start3A_365] : memref<204800x128xf32, #tpu.memory_space<hbm>> -> memref<40x128xf32, #tpu.memory_space<hbm>>
      tpu.enqueue_dma source(%arg18 : memref<40x128xf32, #tpu.memory_space<vmem>>) target(%dma_start3A_366 : memref<40x128xf32, #tpu.memory_space<hbm>>) target_semaphore(%arg34 : memref<!tpu.dma_semaphore, #tpu.memory_space<semaphore_mem>>)
      %mul3A_367 = arith.constant 4 : i32
      %mul3A_368 = arith.muli %mul3A_367, %div3A_322 : i32
      %add3A_369 = arith.constant 3 : i32
      %add3A_370 = arith.addi %mul3A_368, %add3A_369 : i32
      %mul3A_371 = arith.constant 200 : i32
      %mul3A_372 = arith.muli %add3A_370, %mul3A_371 : i32
      %add3A_373 = arith.addi %mul3A_2, %mul3A_372 : i32
      %mul3A_374 = arith.constant 40 : i32
      %mul3A_375 = arith.muli %rem3A_324, %mul3A_374 : i32
      %add3A_376 = arith.addi %add3A_373, %mul3A_375 : i32
      %dma_start3A_377 = arith.constant 0 : i32
      %dma_start3A_378 = tpu.memref_slice %arg5[%add3A_376, %dma_start3A_377] : memref<204800x128xf32, #tpu.memory_space<hbm>> -> memref<40x128xf32, #tpu.memory_space<hbm>>
      %dma_start3A_379 = arith.constant 0 : i32
      %dma_start3A_380 = tpu.memref_slice %arg5[%add3A_376, %dma_start3A_379] : memref<204800x128xf32, #tpu.memory_space<hbm>> -> memref<40x128xf32, #tpu.memory_space<hbm>>
      tpu.enqueue_dma source(%arg19 : memref<40x128xf32, #tpu.memory_space<vmem>>) target(%dma_start3A_380 : memref<40x128xf32, #tpu.memory_space<hbm>>) target_semaphore(%arg35 : memref<!tpu.dma_semaphore, #tpu.memory_space<semaphore_mem>>)
      %mul3A_381 = arith.constant 2 : i32
      %mul3A_382 = arith.muli %scan3A_246, %mul3A_381 : i32
      %add3A_383 = arith.constant 1 : i32
      %add3A_384 = arith.addi %mul3A_382, %add3A_383 : i32
      %div3A_385 = arith.constant 5 : i32
      %div3A_386 = arith.divsi %add3A_384, %div3A_385 : i32
      %rem3A_387 = arith.constant 5 : i32
      %rem3A_388 = arith.remsi %add3A_384, %rem3A_387 : i32
      %mul3A_389 = arith.constant 4 : i32
      %mul3A_390 = arith.muli %mul3A_389, %div3A_386 : i32
      %add3A_391 = arith.constant 0 : i32
      %add3A_392 = arith.addi %mul3A_390, %add3A_391 : i32
      %mul3A_393 = arith.constant 5 : i32
      %mul3A_394 = arith.muli %add3A_392, %mul3A_393 : i32
      %add3A_395 = arith.addi %mul3A_394, %rem3A_388 : i32
      %dma_wait3A_396 = arith.constant 0 : i32
      %dma_wait3A_397 = tpu.memref_slice %arg6[%add3A_395, %dma_wait3A_396] : memref<160x40xi32, #tpu.memory_space<vmem>> -> memref<1x40xi32, #tpu.memory_space<vmem>>
      %dma_wait3A_398 = tpu.memref_squeeze %dma_wait3A_397 : memref<1x40xi32, #tpu.memory_space<vmem>> -> memref<40xi32, #tpu.memory_space<vmem>>
      %dma_wait3A_399 = arith.constant 0 : i32
      %dma_wait3A_400 = arith.constant 0 : i32
      %dma_wait3A_401 = tpu.memref_slice %arg3[%dma_wait3A_399, %dma_wait3A_400] : memref<100000x128xf32, #tpu.memory_space<hbm>> -> memref<100000x128xf32, #tpu.memory_space<hbm>>
      tpu.wait_indirect_dma semaphore(%arg28 : memref<!tpu.dma_semaphore, #tpu.memory_space<semaphore_mem>>) src(%dma_wait3A_401 : memref<100000x128xf32, #tpu.memory_space<hbm>>) dst(%arg12 : memref<40x128xf32, #tpu.memory_space<vmem>>)
      %mul3A_402 = arith.constant 4 : i32
      %mul3A_403 = arith.muli %mul3A_402, %div3A_386 : i32
      %add3A_404 = arith.constant 1 : i32
      %add3A_405 = arith.addi %mul3A_403, %add3A_404 : i32
      %mul3A_406 = arith.constant 5 : i32
      %mul3A_407 = arith.muli %add3A_405, %mul3A_406 : i32
      %add3A_408 = arith.addi %mul3A_407, %rem3A_388 : i32
      %dma_wait3A_409 = arith.constant 0 : i32
      %dma_wait3A_410 = tpu.memref_slice %arg6[%add3A_408, %dma_wait3A_409] : memref<160x40xi32, #tpu.memory_space<vmem>> -> memref<1x40xi32, #tpu.memory_space<vmem>>
      %dma_wait3A_411 = tpu.memref_squeeze %dma_wait3A_410 : memref<1x40xi32, #tpu.memory_space<vmem>> -> memref<40xi32, #tpu.memory_space<vmem>>
      %dma_wait3A_412 = arith.constant 0 : i32
      %dma_wait3A_413 = arith.constant 0 : i32
      %dma_wait3A_414 = tpu.memref_slice %arg3[%dma_wait3A_412, %dma_wait3A_413] : memref<100000x128xf32, #tpu.memory_space<hbm>> -> memref<100000x128xf32, #tpu.memory_space<hbm>>
      tpu.wait_indirect_dma semaphore(%arg29 : memref<!tpu.dma_semaphore, #tpu.memory_space<semaphore_mem>>) src(%dma_wait3A_414 : memref<100000x128xf32, #tpu.memory_space<hbm>>) dst(%arg13 : memref<40x128xf32, #tpu.memory_space<vmem>>)
      %mul3A_415 = arith.constant 4 : i32
      %mul3A_416 = arith.muli %mul3A_415, %div3A_386 : i32
      %add3A_417 = arith.constant 2 : i32
      %add3A_418 = arith.addi %mul3A_416, %add3A_417 : i32
      %mul3A_419 = arith.constant 5 : i32
      %mul3A_420 = arith.muli %add3A_418, %mul3A_419 : i32
      %add3A_421 = arith.addi %mul3A_420, %rem3A_388 : i32
      %dma_wait3A_422 = arith.constant 0 : i32
      %dma_wait3A_423 = tpu.memref_slice %arg6[%add3A_421, %dma_wait3A_422] : memref<160x40xi32, #tpu.memory_space<vmem>> -> memref<1x40xi32, #tpu.memory_space<vmem>>
      %dma_wait3A_424 = tpu.memref_squeeze %dma_wait3A_423 : memref<1x40xi32, #tpu.memory_space<vmem>> -> memref<40xi32, #tpu.memory_space<vmem>>
      %dma_wait3A_425 = arith.constant 0 : i32
      %dma_wait3A_426 = arith.constant 0 : i32
      %dma_wait3A_427 = tpu.memref_slice %arg3[%dma_wait3A_425, %dma_wait3A_426] : memref<100000x128xf32, #tpu.memory_space<hbm>> -> memref<100000x128xf32, #tpu.memory_space<hbm>>
      tpu.wait_indirect_dma semaphore(%arg30 : memref<!tpu.dma_semaphore, #tpu.memory_space<semaphore_mem>>) src(%dma_wait3A_427 : memref<100000x128xf32, #tpu.memory_space<hbm>>) dst(%arg14 : memref<40x128xf32, #tpu.memory_space<vmem>>)
      %mul3A_428 = arith.constant 4 : i32
      %mul3A_429 = arith.muli %mul3A_428, %div3A_386 : i32
      %add3A_430 = arith.constant 3 : i32
      %add3A_431 = arith.addi %mul3A_429, %add3A_430 : i32
      %mul3A_432 = arith.constant 5 : i32
      %mul3A_433 = arith.muli %add3A_431, %mul3A_432 : i32
      %add3A_434 = arith.addi %mul3A_433, %rem3A_388 : i32
      %dma_wait3A_435 = arith.constant 0 : i32
      %dma_wait3A_436 = tpu.memref_slice %arg6[%add3A_434, %dma_wait3A_435] : memref<160x40xi32, #tpu.memory_space<vmem>> -> memref<1x40xi32, #tpu.memory_space<vmem>>
      %dma_wait3A_437 = tpu.memref_squeeze %dma_wait3A_436 : memref<1x40xi32, #tpu.memory_space<vmem>> -> memref<40xi32, #tpu.memory_space<vmem>>
      %dma_wait3A_438 = arith.constant 0 : i32
      %dma_wait3A_439 = arith.constant 0 : i32
      %dma_wait3A_440 = tpu.memref_slice %arg3[%dma_wait3A_438, %dma_wait3A_439] : memref<100000x128xf32, #tpu.memory_space<hbm>> -> memref<100000x128xf32, #tpu.memory_space<hbm>>
      tpu.wait_indirect_dma semaphore(%arg31 : memref<!tpu.dma_semaphore, #tpu.memory_space<semaphore_mem>>) src(%dma_wait3A_440 : memref<100000x128xf32, #tpu.memory_space<hbm>>) dst(%arg15 : memref<40x128xf32, #tpu.memory_space<vmem>>)
      %ge3A_441 = arith.constant 2 : i32
      %ge3A_442 = arith.cmpi sge, %add3A_384, %ge3A_441 : i32
      %convert_element_type3A_443 = arith.extui %ge3A_442 : i1 to i32
      %cond3A_444 = arith.constant 0 : i32
      %cond3A_445 = arith.cmpi ne, %convert_element_type3A_443, %cond3A_444 : i32
      scf.if %cond3A_445 {
        %sub3A = arith.constant 2 : i32
        %sub3A_520 = arith.subi %add3A_384, %sub3A : i32
        %div3A_521 = arith.constant 5 : i32
        %div3A_522 = arith.divsi %sub3A_520, %div3A_521 : i32
        %rem3A_523 = arith.constant 5 : i32
        %rem3A_524 = arith.remsi %sub3A_520, %rem3A_523 : i32
        %mul3A_525 = arith.constant 4 : i32
        %mul3A_526 = arith.muli %mul3A_525, %div3A_522 : i32
        %add3A_527 = arith.constant 0 : i32
        %add3A_528 = arith.addi %mul3A_526, %add3A_527 : i32
        %mul3A_529 = arith.constant 200 : i32
        %mul3A_530 = arith.muli %add3A_528, %mul3A_529 : i32
        %add3A_531 = arith.addi %mul3A_2, %mul3A_530 : i32
        %mul3A_532 = arith.constant 40 : i32
        %mul3A_533 = arith.muli %rem3A_524, %mul3A_532 : i32
        %add3A_534 = arith.addi %add3A_531, %mul3A_533 : i32
        %dma_wait3A_535 = arith.constant 0 : i32
        %dma_wait3A_536 = tpu.memref_slice %arg5[%add3A_534, %dma_wait3A_535] : memref<204800x128xf32, #tpu.memory_space<hbm>> -> memref<40x128xf32, #tpu.memory_space<hbm>>
        %dma_wait3A_537 = arith.constant 0 : i32
        %dma_wait3A_538 = tpu.memref_slice %arg5[%add3A_534, %dma_wait3A_537] : memref<204800x128xf32, #tpu.memory_space<hbm>> -> memref<40x128xf32, #tpu.memory_space<hbm>>
        tpu.wait_dma2 semaphore(%arg36 : memref<!tpu.dma_semaphore, #tpu.memory_space<semaphore_mem>>) src(%arg20 : memref<40x128xf32, #tpu.memory_space<vmem>>) dst(%dma_wait3A_538 : memref<40x128xf32, #tpu.memory_space<hbm>>)
        %mul3A_539 = arith.constant 4 : i32
        %mul3A_540 = arith.muli %mul3A_539, %div3A_522 : i32
        %add3A_541 = arith.constant 1 : i32
        %add3A_542 = arith.addi %mul3A_540, %add3A_541 : i32
        %mul3A_543 = arith.constant 200 : i32
        %mul3A_544 = arith.muli %add3A_542, %mul3A_543 : i32
        %add3A_545 = arith.addi %mul3A_2, %mul3A_544 : i32
        %mul3A_546 = arith.constant 40 : i32
        %mul3A_547 = arith.muli %rem3A_524, %mul3A_546 : i32
        %add3A_548 = arith.addi %add3A_545, %mul3A_547 : i32
        %dma_wait3A_549 = arith.constant 0 : i32
        %dma_wait3A_550 = tpu.memref_slice %arg5[%add3A_548, %dma_wait3A_549] : memref<204800x128xf32, #tpu.memory_space<hbm>> -> memref<40x128xf32, #tpu.memory_space<hbm>>
        %dma_wait3A_551 = arith.constant 0 : i32
        %dma_wait3A_552 = tpu.memref_slice %arg5[%add3A_548, %dma_wait3A_551] : memref<204800x128xf32, #tpu.memory_space<hbm>> -> memref<40x128xf32, #tpu.memory_space<hbm>>
        tpu.wait_dma2 semaphore(%arg37 : memref<!tpu.dma_semaphore, #tpu.memory_space<semaphore_mem>>) src(%arg21 : memref<40x128xf32, #tpu.memory_space<vmem>>) dst(%dma_wait3A_552 : memref<40x128xf32, #tpu.memory_space<hbm>>)
        %mul3A_553 = arith.constant 4 : i32
        %mul3A_554 = arith.muli %mul3A_553, %div3A_522 : i32
        %add3A_555 = arith.constant 2 : i32
        %add3A_556 = arith.addi %mul3A_554, %add3A_555 : i32
        %mul3A_557 = arith.constant 200 : i32
        %mul3A_558 = arith.muli %add3A_556, %mul3A_557 : i32
        %add3A_559 = arith.addi %mul3A_2, %mul3A_558 : i32
        %mul3A_560 = arith.constant 40 : i32
        %mul3A_561 = arith.muli %rem3A_524, %mul3A_560 : i32
        %add3A_562 = arith.addi %add3A_559, %mul3A_561 : i32
        %dma_wait3A_563 = arith.constant 0 : i32
        %dma_wait3A_564 = tpu.memref_slice %arg5[%add3A_562, %dma_wait3A_563] : memref<204800x128xf32, #tpu.memory_space<hbm>> -> memref<40x128xf32, #tpu.memory_space<hbm>>
        %dma_wait3A_565 = arith.constant 0 : i32
        %dma_wait3A_566 = tpu.memref_slice %arg5[%add3A_562, %dma_wait3A_565] : memref<204800x128xf32, #tpu.memory_space<hbm>> -> memref<40x128xf32, #tpu.memory_space<hbm>>
        tpu.wait_dma2 semaphore(%arg38 : memref<!tpu.dma_semaphore, #tpu.memory_space<semaphore_mem>>) src(%arg22 : memref<40x128xf32, #tpu.memory_space<vmem>>) dst(%dma_wait3A_566 : memref<40x128xf32, #tpu.memory_space<hbm>>)
        %mul3A_567 = arith.constant 4 : i32
        %mul3A_568 = arith.muli %mul3A_567, %div3A_522 : i32
        %add3A_569 = arith.constant 3 : i32
        %add3A_570 = arith.addi %mul3A_568, %add3A_569 : i32
        %mul3A_571 = arith.constant 200 : i32
        %mul3A_572 = arith.muli %add3A_570, %mul3A_571 : i32
        %add3A_573 = arith.addi %mul3A_2, %mul3A_572 : i32
        %mul3A_574 = arith.constant 40 : i32
        %mul3A_575 = arith.muli %rem3A_524, %mul3A_574 : i32
        %add3A_576 = arith.addi %add3A_573, %mul3A_575 : i32
        %dma_wait3A_577 = arith.constant 0 : i32
        %dma_wait3A_578 = tpu.memref_slice %arg5[%add3A_576, %dma_wait3A_577] : memref<204800x128xf32, #tpu.memory_space<hbm>> -> memref<40x128xf32, #tpu.memory_space<hbm>>
        %dma_wait3A_579 = arith.constant 0 : i32
        %dma_wait3A_580 = tpu.memref_slice %arg5[%add3A_576, %dma_wait3A_579] : memref<204800x128xf32, #tpu.memory_space<hbm>> -> memref<40x128xf32, #tpu.memory_space<hbm>>
        tpu.wait_dma2 semaphore(%arg39 : memref<!tpu.dma_semaphore, #tpu.memory_space<semaphore_mem>>) src(%arg23 : memref<40x128xf32, #tpu.memory_space<vmem>>) dst(%dma_wait3A_580 : memref<40x128xf32, #tpu.memory_space<hbm>>)
      } else {
      }
      %div3A_446 = arith.constant 5 : i32
      %div3A_447 = arith.divsi %add3A_384, %div3A_446 : i32
      %rem3A_448 = arith.constant 5 : i32
      %rem3A_449 = arith.remsi %add3A_384, %rem3A_448 : i32
      %mul3A_450 = arith.constant 40 : i32
      %mul3A_451 = arith.muli %rem3A_449, %mul3A_450 : i32
      %parallel_loop3A_452 = arith.constant 0 : i32
      %parallel_loop3A_453 = arith.constant 40 : i32
      %parallel_loop3A_454 = arith.constant 1 : i32
      scf.for %parallel_loop3A_520 = %parallel_loop3A_452 to %parallel_loop3A_453 step %parallel_loop3A_454  : i32 {
        %parallel_loop3A_521 = arith.addi %mul3A_451, %parallel_loop3A_520 : i32
        %parallel_loop3A_522 = arith.index_cast %parallel_loop3A_521 : i32 to index
        %parallel_loop3A_523 = arith.constant 0 : index
        %parallel_loop3A_524 = tpu.vector_load %arg7[%parallel_loop3A_522, %parallel_loop3A_523] {strides = array<i32>} : memref<200x128xf32, #tpu.memory_space<vmem>>, vector<1x16xf32>,
        %parallel_loop3A_525 = vector.shape_cast %parallel_loop3A_524 : vector<1x16xf32> to vector<16xf32>
        %parallel_loop3A_526 = arith.index_cast %parallel_loop3A_520 : i32 to index
        %parallel_loop3A_527 = arith.constant 0 : index
        %parallel_loop3A_528 = tpu.vector_load %arg12[%parallel_loop3A_526, %parallel_loop3A_527] {strides = array<i32>} : memref<40x128xf32, #tpu.memory_space<vmem>>, vector<1x16xf32>,
        %parallel_loop3A_529 = vector.shape_cast %parallel_loop3A_528 : vector<1x16xf32> to vector<16xf32>
        %parallel_loop3A_530 = arith.constant 11.3137083 : f32
        %parallel_loop3A_531 = vector.broadcast %parallel_loop3A_530 : f32 to vector<16xf32>
        %parallel_loop3A_532 = arith.mulf %parallel_loop3A_529, %parallel_loop3A_531 : vector<16xf32>
        %parallel_loop3A_533 = arith.addf %parallel_loop3A_532, %parallel_loop3A_525 : vector<16xf32>
        %parallel_loop3A_534 = arith.index_cast %parallel_loop3A_520 : i32 to index
        %parallel_loop3A_535 = arith.constant 0 : index
        %parallel_loop3A_536 = tpu.vector_load %arg20[%parallel_loop3A_534, %parallel_loop3A_535] {strides = array<i32>} : memref<40x128xf32, #tpu.memory_space<vmem>>, vector<1x16xf32>,
        %parallel_loop3A_537 = vector.shape_cast %parallel_loop3A_536 : vector<1x16xf32> to vector<16xf32>
        %parallel_loop3A_538 = vector.shape_cast %parallel_loop3A_533 : vector<16xf32> to vector<1x16xf32>
        tpu.vector_store %arg20[%parallel_loop3A_534, %parallel_loop3A_535], %parallel_loop3A_538 {strides = array<i32>} : memref<40x128xf32, #tpu.memory_space<vmem>>, vector<1x16xf32>,
        %parallel_loop3A_539 = arith.index_cast %parallel_loop3A_520 : i32 to index
        %parallel_loop3A_540 = arith.constant 0 : index
        %parallel_loop3A_541 = tpu.vector_load %arg13[%parallel_loop3A_539, %parallel_loop3A_540] {strides = array<i32>} : memref<40x128xf32, #tpu.memory_space<vmem>>, vector<1x16xf32>,
        %parallel_loop3A_542 = vector.shape_cast %parallel_loop3A_541 : vector<1x16xf32> to vector<16xf32>
        %parallel_loop3A_543 = arith.constant 11.3137083 : f32
        %parallel_loop3A_544 = vector.broadcast %parallel_loop3A_543 : f32 to vector<16xf32>
        %parallel_loop3A_545 = arith.mulf %parallel_loop3A_542, %parallel_loop3A_544 : vector<16xf32>
        %parallel_loop3A_546 = arith.addf %parallel_loop3A_545, %parallel_loop3A_525 : vector<16xf32>
        %parallel_loop3A_547 = arith.index_cast %parallel_loop3A_520 : i32 to index
        %parallel_loop3A_548 = arith.constant 0 : index
        %parallel_loop3A_549 = tpu.vector_load %arg21[%parallel_loop3A_547, %parallel_loop3A_548] {strides = array<i32>} : memref<40x128xf32, #tpu.memory_space<vmem>>, vector<1x16xf32>,
        %parallel_loop3A_550 = vector.shape_cast %parallel_loop3A_549 : vector<1x16xf32> to vector<16xf32>
        %parallel_loop3A_551 = vector.shape_cast %parallel_loop3A_546 : vector<16xf32> to vector<1x16xf32>
        tpu.vector_store %arg21[%parallel_loop3A_547, %parallel_loop3A_548], %parallel_loop3A_551 {strides = array<i32>} : memref<40x128xf32, #tpu.memory_space<vmem>>, vector<1x16xf32>,
        %parallel_loop3A_552 = arith.index_cast %parallel_loop3A_520 : i32 to index
        %parallel_loop3A_553 = arith.constant 0 : index
        %parallel_loop3A_554 = tpu.vector_load %arg14[%parallel_loop3A_552, %parallel_loop3A_553] {strides = array<i32>} : memref<40x128xf32, #tpu.memory_space<vmem>>, vector<1x16xf32>,
        %parallel_loop3A_555 = vector.shape_cast %parallel_loop3A_554 : vector<1x16xf32> to vector<16xf32>
        %parallel_loop3A_556 = arith.constant 11.3137083 : f32
        %parallel_loop3A_557 = vector.broadcast %parallel_loop3A_556 : f32 to vector<16xf32>
        %parallel_loop3A_558 = arith.mulf %parallel_loop3A_555, %parallel_loop3A_557 : vector<16xf32>
        %parallel_loop3A_559 = arith.addf %parallel_loop3A_558, %parallel_loop3A_525 : vector<16xf32>
        %parallel_loop3A_560 = arith.index_cast %parallel_loop3A_520 : i32 to index
        %parallel_loop3A_561 = arith.constant 0 : index
        %parallel_loop3A_562 = tpu.vector_load %arg22[%parallel_loop3A_560, %parallel_loop3A_561] {strides = array<i32>} : memref<40x128xf32, #tpu.memory_space<vmem>>, vector<1x16xf32>,
        %parallel_loop3A_563 = vector.shape_cast %parallel_loop3A_562 : vector<1x16xf32> to vector<16xf32>
        %parallel_loop3A_564 = vector.shape_cast %parallel_loop3A_559 : vector<16xf32> to vector<1x16xf32>
        tpu.vector_store %arg22[%parallel_loop3A_560, %parallel_loop3A_561], %parallel_loop3A_564 {strides = array<i32>} : memref<40x128xf32, #tpu.memory_space<vmem>>, vector<1x16xf32>,
        %parallel_loop3A_565 = arith.index_cast %parallel_loop3A_520 : i32 to index
        %parallel_loop3A_566 = arith.constant 0 : index
        %parallel_loop3A_567 = tpu.vector_load %arg15[%parallel_loop3A_565, %parallel_loop3A_566] {strides = array<i32>} : memref<40x128xf32, #tpu.memory_space<vmem>>, vector<1x16xf32>,
        %parallel_loop3A_568 = vector.shape_cast %parallel_loop3A_567 : vector<1x16xf32> to vector<16xf32>
        %parallel_loop3A_569 = arith.constant 11.3137083 : f32
        %parallel_loop3A_570 = vector.broadcast %parallel_loop3A_569 : f32 to vector<16xf32>
        %parallel_loop3A_571 = arith.mulf %parallel_loop3A_568, %parallel_loop3A_570 : vector<16xf32>
        %parallel_loop3A_572 = arith.addf %parallel_loop3A_571, %parallel_loop3A_525 : vector<16xf32>
        %parallel_loop3A_573 = arith.index_cast %parallel_loop3A_520 : i32 to index
        %parallel_loop3A_574 = arith.constant 0 : index
        %parallel_loop3A_575 = tpu.vector_load %arg23[%parallel_loop3A_573, %parallel_loop3A_574] {strides = array<i32>} : memref<40x128xf32, #tpu.memory_space<vmem>>, vector<1x16xf32>,
        %parallel_loop3A_576 = vector.shape_cast %parallel_loop3A_575 : vector<1x16xf32> to vector<16xf32>
        %parallel_loop3A_577 = vector.shape_cast %parallel_loop3A_572 : vector<16xf32> to vector<1x16xf32>
        tpu.vector_store %arg23[%parallel_loop3A_573, %parallel_loop3A_574], %parallel_loop3A_577 {strides = array<i32>} : memref<40x128xf32, #tpu.memory_space<vmem>>, vector<1x16xf32>,
        %parallel_loop3A_578 = arith.index_cast %parallel_loop3A_521 : i32 to index
        %parallel_loop3A_579 = arith.constant 16 : index
        %parallel_loop3A_580 = tpu.vector_load %arg7[%parallel_loop3A_578, %parallel_loop3A_579] {strides = array<i32>} : memref<200x128xf32, #tpu.memory_space<vmem>>, vector<1x16xf32>,
        %parallel_loop3A_581 = vector.shape_cast %parallel_loop3A_580 : vector<1x16xf32> to vector<16xf32>
        %parallel_loop3A_582 = arith.index_cast %parallel_loop3A_520 : i32 to index
        %parallel_loop3A_583 = arith.constant 16 : index
        %parallel_loop3A_584 = tpu.vector_load %arg12[%parallel_loop3A_582, %parallel_loop3A_583] {strides = array<i32>} : memref<40x128xf32, #tpu.memory_space<vmem>>, vector<1x16xf32>,
        %parallel_loop3A_585 = vector.shape_cast %parallel_loop3A_584 : vector<1x16xf32> to vector<16xf32>
        %parallel_loop3A_586 = arith.constant 11.3137083 : f32
        %parallel_loop3A_587 = vector.broadcast %parallel_loop3A_586 : f32 to vector<16xf32>
        %parallel_loop3A_588 = arith.mulf %parallel_loop3A_585, %parallel_loop3A_587 : vector<16xf32>
        %parallel_loop3A_589 = arith.addf %parallel_loop3A_588, %parallel_loop3A_581 : vector<16xf32>
        %parallel_loop3A_590 = arith.index_cast %parallel_loop3A_520 : i32 to index
        %parallel_loop3A_591 = arith.constant 16 : index
        %parallel_loop3A_592 = tpu.vector_load %arg20[%parallel_loop3A_590, %parallel_loop3A_591] {strides = array<i32>} : memref<40x128xf32, #tpu.memory_space<vmem>>, vector<1x16xf32>,
        %parallel_loop3A_593 = vector.shape_cast %parallel_loop3A_592 : vector<1x16xf32> to vector<16xf32>
        %parallel_loop3A_594 = vector.shape_cast %parallel_loop3A_589 : vector<16xf32> to vector<1x16xf32>
        tpu.vector_store %arg20[%parallel_loop3A_590, %parallel_loop3A_591], %parallel_loop3A_594 {strides = array<i32>} : memref<40x128xf32, #tpu.memory_space<vmem>>, vector<1x16xf32>,
        %parallel_loop3A_595 = arith.index_cast %parallel_loop3A_520 : i32 to index
        %parallel_loop3A_596 = arith.constant 16 : index
        %parallel_loop3A_597 = tpu.vector_load %arg13[%parallel_loop3A_595, %parallel_loop3A_596] {strides = array<i32>} : memref<40x128xf32, #tpu.memory_space<vmem>>, vector<1x16xf32>,
        %parallel_loop3A_598 = vector.shape_cast %parallel_loop3A_597 : vector<1x16xf32> to vector<16xf32>
        %parallel_loop3A_599 = arith.constant 11.3137083 : f32
        %parallel_loop3A_600 = vector.broadcast %parallel_loop3A_599 : f32 to vector<16xf32>
        %parallel_loop3A_601 = arith.mulf %parallel_loop3A_598, %parallel_loop3A_600 : vector<16xf32>
        %parallel_loop3A_602 = arith.addf %parallel_loop3A_601, %parallel_loop3A_581 : vector<16xf32>
        %parallel_loop3A_603 = arith.index_cast %parallel_loop3A_520 : i32 to index
        %parallel_loop3A_604 = arith.constant 16 : index
        %parallel_loop3A_605 = tpu.vector_load %arg21[%parallel_loop3A_603, %parallel_loop3A_604] {strides = array<i32>} : memref<40x128xf32, #tpu.memory_space<vmem>>, vector<1x16xf32>,
        %parallel_loop3A_606 = vector.shape_cast %parallel_loop3A_605 : vector<1x16xf32> to vector<16xf32>
        %parallel_loop3A_607 = vector.shape_cast %parallel_loop3A_602 : vector<16xf32> to vector<1x16xf32>
        tpu.vector_store %arg21[%parallel_loop3A_603, %parallel_loop3A_604], %parallel_loop3A_607 {strides = array<i32>} : memref<40x128xf32, #tpu.memory_space<vmem>>, vector<1x16xf32>,
        %parallel_loop3A_608 = arith.index_cast %parallel_loop3A_520 : i32 to index
        %parallel_loop3A_609 = arith.constant 16 : index
        %parallel_loop3A_610 = tpu.vector_load %arg14[%parallel_loop3A_608, %parallel_loop3A_609] {strides = array<i32>} : memref<40x128xf32, #tpu.memory_space<vmem>>, vector<1x16xf32>,
        %parallel_loop3A_611 = vector.shape_cast %parallel_loop3A_610 : vector<1x16xf32> to vector<16xf32>
        %parallel_loop3A_612 = arith.constant 11.3137083 : f32
        %parallel_loop3A_613 = vector.broadcast %parallel_loop3A_612 : f32 to vector<16xf32>
        %parallel_loop3A_614 = arith.mulf %parallel_loop3A_611, %parallel_loop3A_613 : vector<16xf32>
        %parallel_loop3A_615 = arith.addf %parallel_loop3A_614, %parallel_loop3A_581 : vector<16xf32>
        %parallel_loop3A_616 = arith.index_cast %parallel_loop3A_520 : i32 to index
        %parallel_loop3A_617 = arith.constant 16 : index
        %parallel_loop3A_618 = tpu.vector_load %arg22[%parallel_loop3A_616, %parallel_loop3A_617] {strides = array<i32>} : memref<40x128xf32, #tpu.memory_space<vmem>>, vector<1x16xf32>,
        %parallel_loop3A_619 = vector.shape_cast %parallel_loop3A_618 : vector<1x16xf32> to vector<16xf32>
        %parallel_loop3A_620 = vector.shape_cast %parallel_loop3A_615 : vector<16xf32> to vector<1x16xf32>
        tpu.vector_store %arg22[%parallel_loop3A_616, %parallel_loop3A_617], %parallel_loop3A_620 {strides = array<i32>} : memref<40x128xf32, #tpu.memory_space<vmem>>, vector<1x16xf32>,
        %parallel_loop3A_621 = arith.index_cast %parallel_loop3A_520 : i32 to index
        %parallel_loop3A_622 = arith.constant 16 : index
        %parallel_loop3A_623 = tpu.vector_load %arg15[%parallel_loop3A_621, %parallel_loop3A_622] {strides = array<i32>} : memref<40x128xf32, #tpu.memory_space<vmem>>, vector<1x16xf32>,
        %parallel_loop3A_624 = vector.shape_cast %parallel_loop3A_623 : vector<1x16xf32> to vector<16xf32>
        %parallel_loop3A_625 = arith.constant 11.3137083 : f32
        %parallel_loop3A_626 = vector.broadcast %parallel_loop3A_625 : f32 to vector<16xf32>
        %parallel_loop3A_627 = arith.mulf %parallel_loop3A_624, %parallel_loop3A_626 : vector<16xf32>
        %parallel_loop3A_628 = arith.addf %parallel_loop3A_627, %parallel_loop3A_581 : vector<16xf32>
        %parallel_loop3A_629 = arith.index_cast %parallel_loop3A_520 : i32 to index
        %parallel_loop3A_630 = arith.constant 16 : index
        %parallel_loop3A_631 = tpu.vector_load %arg23[%parallel_loop3A_629, %parallel_loop3A_630] {strides = array<i32>} : memref<40x128xf32, #tpu.memory_space<vmem>>, vector<1x16xf32>,
        %parallel_loop3A_632 = vector.shape_cast %parallel_loop3A_631 : vector<1x16xf32> to vector<16xf32>
        %parallel_loop3A_633 = vector.shape_cast %parallel_loop3A_628 : vector<16xf32> to vector<1x16xf32>
        tpu.vector_store %arg23[%parallel_loop3A_629, %parallel_loop3A_630], %parallel_loop3A_633 {strides = array<i32>} : memref<40x128xf32, #tpu.memory_space<vmem>>, vector<1x16xf32>,
        %parallel_loop3A_634 = arith.index_cast %parallel_loop3A_521 : i32 to index
        %parallel_loop3A_635 = arith.constant 32 : index
        %parallel_loop3A_636 = tpu.vector_load %arg7[%parallel_loop3A_634, %parallel_loop3A_635] {strides = array<i32>} : memref<200x128xf32, #tpu.memory_space<vmem>>, vector<1x16xf32>,
        %parallel_loop3A_637 = vector.shape_cast %parallel_loop3A_636 : vector<1x16xf32> to vector<16xf32>
        %parallel_loop3A_638 = arith.index_cast %parallel_loop3A_520 : i32 to index
        %parallel_loop3A_639 = arith.constant 32 : index
        %parallel_loop3A_640 = tpu.vector_load %arg12[%parallel_loop3A_638, %parallel_loop3A_639] {strides = array<i32>} : memref<40x128xf32, #tpu.memory_space<vmem>>, vector<1x16xf32>,
        %parallel_loop3A_641 = vector.shape_cast %parallel_loop3A_640 : vector<1x16xf32> to vector<16xf32>
        %parallel_loop3A_642 = arith.constant 11.3137083 : f32
        %parallel_loop3A_643 = vector.broadcast %parallel_loop3A_642 : f32 to vector<16xf32>
        %parallel_loop3A_644 = arith.mulf %parallel_loop3A_641, %parallel_loop3A_643 : vector<16xf32>
        %parallel_loop3A_645 = arith.addf %parallel_loop3A_644, %parallel_loop3A_637 : vector<16xf32>
        %parallel_loop3A_646 = arith.index_cast %parallel_loop3A_520 : i32 to index
        %parallel_loop3A_647 = arith.constant 32 : index
        %parallel_loop3A_648 = tpu.vector_load %arg20[%parallel_loop3A_646, %parallel_loop3A_647] {strides = array<i32>} : memref<40x128xf32, #tpu.memory_space<vmem>>, vector<1x16xf32>,
        %parallel_loop3A_649 = vector.shape_cast %parallel_loop3A_648 : vector<1x16xf32> to vector<16xf32>
        %parallel_loop3A_650 = vector.shape_cast %parallel_loop3A_645 : vector<16xf32> to vector<1x16xf32>
        tpu.vector_store %arg20[%parallel_loop3A_646, %parallel_loop3A_647], %parallel_loop3A_650 {strides = array<i32>} : memref<40x128xf32, #tpu.memory_space<vmem>>, vector<1x16xf32>,
        %parallel_loop3A_651 = arith.index_cast %parallel_loop3A_520 : i32 to index
        %parallel_loop3A_652 = arith.constant 32 : index
        %parallel_loop3A_653 = tpu.vector_load %arg13[%parallel_loop3A_651, %parallel_loop3A_652] {strides = array<i32>} : memref<40x128xf32, #tpu.memory_space<vmem>>, vector<1x16xf32>,
        %parallel_loop3A_654 = vector.shape_cast %parallel_loop3A_653 : vector<1x16xf32> to vector<16xf32>
        %parallel_loop3A_655 = arith.constant 11.3137083 : f32
        %parallel_loop3A_656 = vector.broadcast %parallel_loop3A_655 : f32 to vector<16xf32>
        %parallel_loop3A_657 = arith.mulf %parallel_loop3A_654, %parallel_loop3A_656 : vector<16xf32>
        %parallel_loop3A_658 = arith.addf %parallel_loop3A_657, %parallel_loop3A_637 : vector<16xf32>
        %parallel_loop3A_659 = arith.index_cast %parallel_loop3A_520 : i32 to index
        %parallel_loop3A_660 = arith.constant 32 : index
        %parallel_loop3A_661 = tpu.vector_load %arg21[%parallel_loop3A_659, %parallel_loop3A_660] {strides = array<i32>} : memref<40x128xf32, #tpu.memory_space<vmem>>, vector<1x16xf32>,
        %parallel_loop3A_662 = vector.shape_cast %parallel_loop3A_661 : vector<1x16xf32> to vector<16xf32>
        %parallel_loop3A_663 = vector.shape_cast %parallel_loop3A_658 : vector<16xf32> to vector<1x16xf32>
        tpu.vector_store %arg21[%parallel_loop3A_659, %parallel_loop3A_660], %parallel_loop3A_663 {strides = array<i32>} : memref<40x128xf32, #tpu.memory_space<vmem>>, vector<1x16xf32>,
        %parallel_loop3A_664 = arith.index_cast %parallel_loop3A_520 : i32 to index
        %parallel_loop3A_665 = arith.constant 32 : index
        %parallel_loop3A_666 = tpu.vector_load %arg14[%parallel_loop3A_664, %parallel_loop3A_665] {strides = array<i32>} : memref<40x128xf32, #tpu.memory_space<vmem>>, vector<1x16xf32>,
        %parallel_loop3A_667 = vector.shape_cast %parallel_loop3A_666 : vector<1x16xf32> to vector<16xf32>
        %parallel_loop3A_668 = arith.constant 11.3137083 : f32
        %parallel_loop3A_669 = vector.broadcast %parallel_loop3A_668 : f32 to vector<16xf32>
        %parallel_loop3A_670 = arith.mulf %parallel_loop3A_667, %parallel_loop3A_669 : vector<16xf32>
        %parallel_loop3A_671 = arith.addf %parallel_loop3A_670, %parallel_loop3A_637 : vector<16xf32>
        %parallel_loop3A_672 = arith.index_cast %parallel_loop3A_520 : i32 to index
        %parallel_loop3A_673 = arith.constant 32 : index
        %parallel_loop3A_674 = tpu.vector_load %arg22[%parallel_loop3A_672, %parallel_loop3A_673] {strides = array<i32>} : memref<40x128xf32, #tpu.memory_space<vmem>>, vector<1x16xf32>,
        %parallel_loop3A_675 = vector.shape_cast %parallel_loop3A_674 : vector<1x16xf32> to vector<16xf32>
        %parallel_loop3A_676 = vector.shape_cast %parallel_loop3A_671 : vector<16xf32> to vector<1x16xf32>
        tpu.vector_store %arg22[%parallel_loop3A_672, %parallel_loop3A_673], %parallel_loop3A_676 {strides = array<i32>} : memref<40x128xf32, #tpu.memory_space<vmem>>, vector<1x16xf32>,
        %parallel_loop3A_677 = arith.index_cast %parallel_loop3A_520 : i32 to index
        %parallel_loop3A_678 = arith.constant 32 : index
        %parallel_loop3A_679 = tpu.vector_load %arg15[%parallel_loop3A_677, %parallel_loop3A_678] {strides = array<i32>} : memref<40x128xf32, #tpu.memory_space<vmem>>, vector<1x16xf32>,
        %parallel_loop3A_680 = vector.shape_cast %parallel_loop3A_679 : vector<1x16xf32> to vector<16xf32>
        %parallel_loop3A_681 = arith.constant 11.3137083 : f32
        %parallel_loop3A_682 = vector.broadcast %parallel_loop3A_681 : f32 to vector<16xf32>
        %parallel_loop3A_683 = arith.mulf %parallel_loop3A_680, %parallel_loop3A_682 : vector<16xf32>
        %parallel_loop3A_684 = arith.addf %parallel_loop3A_683, %parallel_loop3A_637 : vector<16xf32>
        %parallel_loop3A_685 = arith.index_cast %parallel_loop3A_520 : i32 to index
        %parallel_loop3A_686 = arith.constant 32 : index
        %parallel_loop3A_687 = tpu.vector_load %arg23[%parallel_loop3A_685, %parallel_loop3A_686] {strides = array<i32>} : memref<40x128xf32, #tpu.memory_space<vmem>>, vector<1x16xf32>,
        %parallel_loop3A_688 = vector.shape_cast %parallel_loop3A_687 : vector<1x16xf32> to vector<16xf32>
        %parallel_loop3A_689 = vector.shape_cast %parallel_loop3A_684 : vector<16xf32> to vector<1x16xf32>
        tpu.vector_store %arg23[%parallel_loop3A_685, %parallel_loop3A_686], %parallel_loop3A_689 {strides = array<i32>} : memref<40x128xf32, #tpu.memory_space<vmem>>, vector<1x16xf32>,
        %parallel_loop3A_690 = arith.index_cast %parallel_loop3A_521 : i32 to index
        %parallel_loop3A_691 = arith.constant 48 : index
        %parallel_loop3A_692 = tpu.vector_load %arg7[%parallel_loop3A_690, %parallel_loop3A_691] {strides = array<i32>} : memref<200x128xf32, #tpu.memory_space<vmem>>, vector<1x16xf32>,
        %parallel_loop3A_693 = vector.shape_cast %parallel_loop3A_692 : vector<1x16xf32> to vector<16xf32>
        %parallel_loop3A_694 = arith.index_cast %parallel_loop3A_520 : i32 to index
        %parallel_loop3A_695 = arith.constant 48 : index
        %parallel_loop3A_696 = tpu.vector_load %arg12[%parallel_loop3A_694, %parallel_loop3A_695] {strides = array<i32>} : memref<40x128xf32, #tpu.memory_space<vmem>>, vector<1x16xf32>,
        %parallel_loop3A_697 = vector.shape_cast %parallel_loop3A_696 : vector<1x16xf32> to vector<16xf32>
        %parallel_loop3A_698 = arith.constant 11.3137083 : f32
        %parallel_loop3A_699 = vector.broadcast %parallel_loop3A_698 : f32 to vector<16xf32>
        %parallel_loop3A_700 = arith.mulf %parallel_loop3A_697, %parallel_loop3A_699 : vector<16xf32>
        %parallel_loop3A_701 = arith.addf %parallel_loop3A_700, %parallel_loop3A_693 : vector<16xf32>
        %parallel_loop3A_702 = arith.index_cast %parallel_loop3A_520 : i32 to index
        %parallel_loop3A_703 = arith.constant 48 : index
        %parallel_loop3A_704 = tpu.vector_load %arg20[%parallel_loop3A_702, %parallel_loop3A_703] {strides = array<i32>} : memref<40x128xf32, #tpu.memory_space<vmem>>, vector<1x16xf32>,
        %parallel_loop3A_705 = vector.shape_cast %parallel_loop3A_704 : vector<1x16xf32> to vector<16xf32>
        %parallel_loop3A_706 = vector.shape_cast %parallel_loop3A_701 : vector<16xf32> to vector<1x16xf32>
        tpu.vector_store %arg20[%parallel_loop3A_702, %parallel_loop3A_703], %parallel_loop3A_706 {strides = array<i32>} : memref<40x128xf32, #tpu.memory_space<vmem>>, vector<1x16xf32>,
        %parallel_loop3A_707 = arith.index_cast %parallel_loop3A_520 : i32 to index
        %parallel_loop3A_708 = arith.constant 48 : index
        %parallel_loop3A_709 = tpu.vector_load %arg13[%parallel_loop3A_707, %parallel_loop3A_708] {strides = array<i32>} : memref<40x128xf32, #tpu.memory_space<vmem>>, vector<1x16xf32>,
        %parallel_loop3A_710 = vector.shape_cast %parallel_loop3A_709 : vector<1x16xf32> to vector<16xf32>
        %parallel_loop3A_711 = arith.constant 11.3137083 : f32
        %parallel_loop3A_712 = vector.broadcast %parallel_loop3A_711 : f32 to vector<16xf32>
        %parallel_loop3A_713 = arith.mulf %parallel_loop3A_710, %parallel_loop3A_712 : vector<16xf32>
        %parallel_loop3A_714 = arith.addf %parallel_loop3A_713, %parallel_loop3A_693 : vector<16xf32>
        %parallel_loop3A_715 = arith.index_cast %parallel_loop3A_520 : i32 to index
        %parallel_loop3A_716 = arith.constant 48 : index
        %parallel_loop3A_717 = tpu.vector_load %arg21[%parallel_loop3A_715, %parallel_loop3A_716] {strides = array<i32>} : memref<40x128xf32, #tpu.memory_space<vmem>>, vector<1x16xf32>,
        %parallel_loop3A_718 = vector.shape_cast %parallel_loop3A_717 : vector<1x16xf32> to vector<16xf32>
        %parallel_loop3A_719 = vector.shape_cast %parallel_loop3A_714 : vector<16xf32> to vector<1x16xf32>
        tpu.vector_store %arg21[%parallel_loop3A_715, %parallel_loop3A_716], %parallel_loop3A_719 {strides = array<i32>} : memref<40x128xf32, #tpu.memory_space<vmem>>, vector<1x16xf32>,
        %parallel_loop3A_720 = arith.index_cast %parallel_loop3A_520 : i32 to index
        %parallel_loop3A_721 = arith.constant 48 : index
        %parallel_loop3A_722 = tpu.vector_load %arg14[%parallel_loop3A_720, %parallel_loop3A_721] {strides = array<i32>} : memref<40x128xf32, #tpu.memory_space<vmem>>, vector<1x16xf32>,
        %parallel_loop3A_723 = vector.shape_cast %parallel_loop3A_722 : vector<1x16xf32> to vector<16xf32>
        %parallel_loop3A_724 = arith.constant 11.3137083 : f32
        %parallel_loop3A_725 = vector.broadcast %parallel_loop3A_724 : f32 to vector<16xf32>
        %parallel_loop3A_726 = arith.mulf %parallel_loop3A_723, %parallel_loop3A_725 : vector<16xf32>
        %parallel_loop3A_727 = arith.addf %parallel_loop3A_726, %parallel_loop3A_693 : vector<16xf32>
        %parallel_loop3A_728 = arith.index_cast %parallel_loop3A_520 : i32 to index
        %parallel_loop3A_729 = arith.constant 48 : index
        %parallel_loop3A_730 = tpu.vector_load %arg22[%parallel_loop3A_728, %parallel_loop3A_729] {strides = array<i32>} : memref<40x128xf32, #tpu.memory_space<vmem>>, vector<1x16xf32>,
        %parallel_loop3A_731 = vector.shape_cast %parallel_loop3A_730 : vector<1x16xf32> to vector<16xf32>
        %parallel_loop3A_732 = vector.shape_cast %parallel_loop3A_727 : vector<16xf32> to vector<1x16xf32>
        tpu.vector_store %arg22[%parallel_loop3A_728, %parallel_loop3A_729], %parallel_loop3A_732 {strides = array<i32>} : memref<40x128xf32, #tpu.memory_space<vmem>>, vector<1x16xf32>,
        %parallel_loop3A_733 = arith.index_cast %parallel_loop3A_520 : i32 to index
        %parallel_loop3A_734 = arith.constant 48 : index
        %parallel_loop3A_735 = tpu.vector_load %arg15[%parallel_loop3A_733, %parallel_loop3A_734] {strides = array<i32>} : memref<40x128xf32, #tpu.memory_space<vmem>>, vector<1x16xf32>,
        %parallel_loop3A_736 = vector.shape_cast %parallel_loop3A_735 : vector<1x16xf32> to vector<16xf32>
        %parallel_loop3A_737 = arith.constant 11.3137083 : f32
        %parallel_loop3A_738 = vector.broadcast %parallel_loop3A_737 : f32 to vector<16xf32>
        %parallel_loop3A_739 = arith.mulf %parallel_loop3A_736, %parallel_loop3A_738 : vector<16xf32>
        %parallel_loop3A_740 = arith.addf %parallel_loop3A_739, %parallel_loop3A_693 : vector<16xf32>
        %parallel_loop3A_741 = arith.index_cast %parallel_loop3A_520 : i32 to index
        %parallel_loop3A_742 = arith.constant 48 : index
        %parallel_loop3A_743 = tpu.vector_load %arg23[%parallel_loop3A_741, %parallel_loop3A_742] {strides = array<i32>} : memref<40x128xf32, #tpu.memory_space<vmem>>, vector<1x16xf32>,
        %parallel_loop3A_744 = vector.shape_cast %parallel_loop3A_743 : vector<1x16xf32> to vector<16xf32>
        %parallel_loop3A_745 = vector.shape_cast %parallel_loop3A_740 : vector<16xf32> to vector<1x16xf32>
        tpu.vector_store %arg23[%parallel_loop3A_741, %parallel_loop3A_742], %parallel_loop3A_745 {strides = array<i32>} : memref<40x128xf32, #tpu.memory_space<vmem>>, vector<1x16xf32>,
        %parallel_loop3A_746 = arith.index_cast %parallel_loop3A_521 : i32 to index
        %parallel_loop3A_747 = arith.constant 64 : index
        %parallel_loop3A_748 = tpu.vector_load %arg7[%parallel_loop3A_746, %parallel_loop3A_747] {strides = array<i32>} : memref<200x128xf32, #tpu.memory_space<vmem>>, vector<1x16xf32>,
        %parallel_loop3A_749 = vector.shape_cast %parallel_loop3A_748 : vector<1x16xf32> to vector<16xf32>
        %parallel_loop3A_750 = arith.index_cast %parallel_loop3A_520 : i32 to index
        %parallel_loop3A_751 = arith.constant 64 : index
        %parallel_loop3A_752 = tpu.vector_load %arg12[%parallel_loop3A_750, %parallel_loop3A_751] {strides = array<i32>} : memref<40x128xf32, #tpu.memory_space<vmem>>, vector<1x16xf32>,
        %parallel_loop3A_753 = vector.shape_cast %parallel_loop3A_752 : vector<1x16xf32> to vector<16xf32>
        %parallel_loop3A_754 = arith.constant 11.3137083 : f32
        %parallel_loop3A_755 = vector.broadcast %parallel_loop3A_754 : f32 to vector<16xf32>
        %parallel_loop3A_756 = arith.mulf %parallel_loop3A_753, %parallel_loop3A_755 : vector<16xf32>
        %parallel_loop3A_757 = arith.addf %parallel_loop3A_756, %parallel_loop3A_749 : vector<16xf32>
        %parallel_loop3A_758 = arith.index_cast %parallel_loop3A_520 : i32 to index
        %parallel_loop3A_759 = arith.constant 64 : index
        %parallel_loop3A_760 = tpu.vector_load %arg20[%parallel_loop3A_758, %parallel_loop3A_759] {strides = array<i32>} : memref<40x128xf32, #tpu.memory_space<vmem>>, vector<1x16xf32>,
        %parallel_loop3A_761 = vector.shape_cast %parallel_loop3A_760 : vector<1x16xf32> to vector<16xf32>
        %parallel_loop3A_762 = vector.shape_cast %parallel_loop3A_757 : vector<16xf32> to vector<1x16xf32>
        tpu.vector_store %arg20[%parallel_loop3A_758, %parallel_loop3A_759], %parallel_loop3A_762 {strides = array<i32>} : memref<40x128xf32, #tpu.memory_space<vmem>>, vector<1x16xf32>,
        %parallel_loop3A_763 = arith.index_cast %parallel_loop3A_520 : i32 to index
        %parallel_loop3A_764 = arith.constant 64 : index
        %parallel_loop3A_765 = tpu.vector_load %arg13[%parallel_loop3A_763, %parallel_loop3A_764] {strides = array<i32>} : memref<40x128xf32, #tpu.memory_space<vmem>>, vector<1x16xf32>,
        %parallel_loop3A_766 = vector.shape_cast %parallel_loop3A_765 : vector<1x16xf32> to vector<16xf32>
        %parallel_loop3A_767 = arith.constant 11.3137083 : f32
        %parallel_loop3A_768 = vector.broadcast %parallel_loop3A_767 : f32 to vector<16xf32>
        %parallel_loop3A_769 = arith.mulf %parallel_loop3A_766, %parallel_loop3A_768 : vector<16xf32>
        %parallel_loop3A_770 = arith.addf %parallel_loop3A_769, %parallel_loop3A_749 : vector<16xf32>
        %parallel_loop3A_771 = arith.index_cast %parallel_loop3A_520 : i32 to index
        %parallel_loop3A_772 = arith.constant 64 : index
        %parallel_loop3A_773 = tpu.vector_load %arg21[%parallel_loop3A_771, %parallel_loop3A_772] {strides = array<i32>} : memref<40x128xf32, #tpu.memory_space<vmem>>, vector<1x16xf32>,
        %parallel_loop3A_774 = vector.shape_cast %parallel_loop3A_773 : vector<1x16xf32> to vector<16xf32>
        %parallel_loop3A_775 = vector.shape_cast %parallel_loop3A_770 : vector<16xf32> to vector<1x16xf32>
        tpu.vector_store %arg21[%parallel_loop3A_771, %parallel_loop3A_772], %parallel_loop3A_775 {strides = array<i32>} : memref<40x128xf32, #tpu.memory_space<vmem>>, vector<1x16xf32>,
        %parallel_loop3A_776 = arith.index_cast %parallel_loop3A_520 : i32 to index
        %parallel_loop3A_777 = arith.constant 64 : index
        %parallel_loop3A_778 = tpu.vector_load %arg14[%parallel_loop3A_776, %parallel_loop3A_777] {strides = array<i32>} : memref<40x128xf32, #tpu.memory_space<vmem>>, vector<1x16xf32>,
        %parallel_loop3A_779 = vector.shape_cast %parallel_loop3A_778 : vector<1x16xf32> to vector<16xf32>
        %parallel_loop3A_780 = arith.constant 11.3137083 : f32
        %parallel_loop3A_781 = vector.broadcast %parallel_loop3A_780 : f32 to vector<16xf32>
        %parallel_loop3A_782 = arith.mulf %parallel_loop3A_779, %parallel_loop3A_781 : vector<16xf32>
        %parallel_loop3A_783 = arith.addf %parallel_loop3A_782, %parallel_loop3A_749 : vector<16xf32>
        %parallel_loop3A_784 = arith.index_cast %parallel_loop3A_520 : i32 to index
        %parallel_loop3A_785 = arith.constant 64 : index
        %parallel_loop3A_786 = tpu.vector_load %arg22[%parallel_loop3A_784, %parallel_loop3A_785] {strides = array<i32>} : memref<40x128xf32, #tpu.memory_space<vmem>>, vector<1x16xf32>,
        %parallel_loop3A_787 = vector.shape_cast %parallel_loop3A_786 : vector<1x16xf32> to vector<16xf32>
        %parallel_loop3A_788 = vector.shape_cast %parallel_loop3A_783 : vector<16xf32> to vector<1x16xf32>
        tpu.vector_store %arg22[%parallel_loop3A_784, %parallel_loop3A_785], %parallel_loop3A_788 {strides = array<i32>} : memref<40x128xf32, #tpu.memory_space<vmem>>, vector<1x16xf32>,
        %parallel_loop3A_789 = arith.index_cast %parallel_loop3A_520 : i32 to index
        %parallel_loop3A_790 = arith.constant 64 : index
        %parallel_loop3A_791 = tpu.vector_load %arg15[%parallel_loop3A_789, %parallel_loop3A_790] {strides = array<i32>} : memref<40x128xf32, #tpu.memory_space<vmem>>, vector<1x16xf32>,
        %parallel_loop3A_792 = vector.shape_cast %parallel_loop3A_791 : vector<1x16xf32> to vector<16xf32>
        %parallel_loop3A_793 = arith.constant 11.3137083 : f32
        %parallel_loop3A_794 = vector.broadcast %parallel_loop3A_793 : f32 to vector<16xf32>
        %parallel_loop3A_795 = arith.mulf %parallel_loop3A_792, %parallel_loop3A_794 : vector<16xf32>
        %parallel_loop3A_796 = arith.addf %parallel_loop3A_795, %parallel_loop3A_749 : vector<16xf32>
        %parallel_loop3A_797 = arith.index_cast %parallel_loop3A_520 : i32 to index
        %parallel_loop3A_798 = arith.constant 64 : index
        %parallel_loop3A_799 = tpu.vector_load %arg23[%parallel_loop3A_797, %parallel_loop3A_798] {strides = array<i32>} : memref<40x128xf32, #tpu.memory_space<vmem>>, vector<1x16xf32>,
        %parallel_loop3A_800 = vector.shape_cast %parallel_loop3A_799 : vector<1x16xf32> to vector<16xf32>
        %parallel_loop3A_801 = vector.shape_cast %parallel_loop3A_796 : vector<16xf32> to vector<1x16xf32>
        tpu.vector_store %arg23[%parallel_loop3A_797, %parallel_loop3A_798], %parallel_loop3A_801 {strides = array<i32>} : memref<40x128xf32, #tpu.memory_space<vmem>>, vector<1x16xf32>,
        %parallel_loop3A_802 = arith.index_cast %parallel_loop3A_521 : i32 to index
        %parallel_loop3A_803 = arith.constant 80 : index
        %parallel_loop3A_804 = tpu.vector_load %arg7[%parallel_loop3A_802, %parallel_loop3A_803] {strides = array<i32>} : memref<200x128xf32, #tpu.memory_space<vmem>>, vector<1x16xf32>,
        %parallel_loop3A_805 = vector.shape_cast %parallel_loop3A_804 : vector<1x16xf32> to vector<16xf32>
        %parallel_loop3A_806 = arith.index_cast %parallel_loop3A_520 : i32 to index
        %parallel_loop3A_807 = arith.constant 80 : index
        %parallel_loop3A_808 = tpu.vector_load %arg12[%parallel_loop3A_806, %parallel_loop3A_807] {strides = array<i32>} : memref<40x128xf32, #tpu.memory_space<vmem>>, vector<1x16xf32>,
        %parallel_loop3A_809 = vector.shape_cast %parallel_loop3A_808 : vector<1x16xf32> to vector<16xf32>
        %parallel_loop3A_810 = arith.constant 11.3137083 : f32
        %parallel_loop3A_811 = vector.broadcast %parallel_loop3A_810 : f32 to vector<16xf32>
        %parallel_loop3A_812 = arith.mulf %parallel_loop3A_809, %parallel_loop3A_811 : vector<16xf32>
        %parallel_loop3A_813 = arith.addf %parallel_loop3A_812, %parallel_loop3A_805 : vector<16xf32>
        %parallel_loop3A_814 = arith.index_cast %parallel_loop3A_520 : i32 to index
        %parallel_loop3A_815 = arith.constant 80 : index
        %parallel_loop3A_816 = tpu.vector_load %arg20[%parallel_loop3A_814, %parallel_loop3A_815] {strides = array<i32>} : memref<40x128xf32, #tpu.memory_space<vmem>>, vector<1x16xf32>,
        %parallel_loop3A_817 = vector.shape_cast %parallel_loop3A_816 : vector<1x16xf32> to vector<16xf32>
        %parallel_loop3A_818 = vector.shape_cast %parallel_loop3A_813 : vector<16xf32> to vector<1x16xf32>
        tpu.vector_store %arg20[%parallel_loop3A_814, %parallel_loop3A_815], %parallel_loop3A_818 {strides = array<i32>} : memref<40x128xf32, #tpu.memory_space<vmem>>, vector<1x16xf32>,
        %parallel_loop3A_819 = arith.index_cast %parallel_loop3A_520 : i32 to index
        %parallel_loop3A_820 = arith.constant 80 : index
        %parallel_loop3A_821 = tpu.vector_load %arg13[%parallel_loop3A_819, %parallel_loop3A_820] {strides = array<i32>} : memref<40x128xf32, #tpu.memory_space<vmem>>, vector<1x16xf32>,
        %parallel_loop3A_822 = vector.shape_cast %parallel_loop3A_821 : vector<1x16xf32> to vector<16xf32>
        %parallel_loop3A_823 = arith.constant 11.3137083 : f32
        %parallel_loop3A_824 = vector.broadcast %parallel_loop3A_823 : f32 to vector<16xf32>
        %parallel_loop3A_825 = arith.mulf %parallel_loop3A_822, %parallel_loop3A_824 : vector<16xf32>
        %parallel_loop3A_826 = arith.addf %parallel_loop3A_825, %parallel_loop3A_805 : vector<16xf32>
        %parallel_loop3A_827 = arith.index_cast %parallel_loop3A_520 : i32 to index
        %parallel_loop3A_828 = arith.constant 80 : index
        %parallel_loop3A_829 = tpu.vector_load %arg21[%parallel_loop3A_827, %parallel_loop3A_828] {strides = array<i32>} : memref<40x128xf32, #tpu.memory_space<vmem>>, vector<1x16xf32>,
        %parallel_loop3A_830 = vector.shape_cast %parallel_loop3A_829 : vector<1x16xf32> to vector<16xf32>
        %parallel_loop3A_831 = vector.shape_cast %parallel_loop3A_826 : vector<16xf32> to vector<1x16xf32>
        tpu.vector_store %arg21[%parallel_loop3A_827, %parallel_loop3A_828], %parallel_loop3A_831 {strides = array<i32>} : memref<40x128xf32, #tpu.memory_space<vmem>>, vector<1x16xf32>,
        %parallel_loop3A_832 = arith.index_cast %parallel_loop3A_520 : i32 to index
        %parallel_loop3A_833 = arith.constant 80 : index
        %parallel_loop3A_834 = tpu.vector_load %arg14[%parallel_loop3A_832, %parallel_loop3A_833] {strides = array<i32>} : memref<40x128xf32, #tpu.memory_space<vmem>>, vector<1x16xf32>,
        %parallel_loop3A_835 = vector.shape_cast %parallel_loop3A_834 : vector<1x16xf32> to vector<16xf32>
        %parallel_loop3A_836 = arith.constant 11.3137083 : f32
        %parallel_loop3A_837 = vector.broadcast %parallel_loop3A_836 : f32 to vector<16xf32>
        %parallel_loop3A_838 = arith.mulf %parallel_loop3A_835, %parallel_loop3A_837 : vector<16xf32>
        %parallel_loop3A_839 = arith.addf %parallel_loop3A_838, %parallel_loop3A_805 : vector<16xf32>
        %parallel_loop3A_840 = arith.index_cast %parallel_loop3A_520 : i32 to index
        %parallel_loop3A_841 = arith.constant 80 : index
        %parallel_loop3A_842 = tpu.vector_load %arg22[%parallel_loop3A_840, %parallel_loop3A_841] {strides = array<i32>} : memref<40x128xf32, #tpu.memory_space<vmem>>, vector<1x16xf32>,
        %parallel_loop3A_843 = vector.shape_cast %parallel_loop3A_842 : vector<1x16xf32> to vector<16xf32>
        %parallel_loop3A_844 = vector.shape_cast %parallel_loop3A_839 : vector<16xf32> to vector<1x16xf32>
        tpu.vector_store %arg22[%parallel_loop3A_840, %parallel_loop3A_841], %parallel_loop3A_844 {strides = array<i32>} : memref<40x128xf32, #tpu.memory_space<vmem>>, vector<1x16xf32>,
        %parallel_loop3A_845 = arith.index_cast %parallel_loop3A_520 : i32 to index
        %parallel_loop3A_846 = arith.constant 80 : index
        %parallel_loop3A_847 = tpu.vector_load %arg15[%parallel_loop3A_845, %parallel_loop3A_846] {strides = array<i32>} : memref<40x128xf32, #tpu.memory_space<vmem>>, vector<1x16xf32>,
        %parallel_loop3A_848 = vector.shape_cast %parallel_loop3A_847 : vector<1x16xf32> to vector<16xf32>
        %parallel_loop3A_849 = arith.constant 11.3137083 : f32
        %parallel_loop3A_850 = vector.broadcast %parallel_loop3A_849 : f32 to vector<16xf32>
        %parallel_loop3A_851 = arith.mulf %parallel_loop3A_848, %parallel_loop3A_850 : vector<16xf32>
        %parallel_loop3A_852 = arith.addf %parallel_loop3A_851, %parallel_loop3A_805 : vector<16xf32>
        %parallel_loop3A_853 = arith.index_cast %parallel_loop3A_520 : i32 to index
        %parallel_loop3A_854 = arith.constant 80 : index
        %parallel_loop3A_855 = tpu.vector_load %arg23[%parallel_loop3A_853, %parallel_loop3A_854] {strides = array<i32>} : memref<40x128xf32, #tpu.memory_space<vmem>>, vector<1x16xf32>,
        %parallel_loop3A_856 = vector.shape_cast %parallel_loop3A_855 : vector<1x16xf32> to vector<16xf32>
        %parallel_loop3A_857 = vector.shape_cast %parallel_loop3A_852 : vector<16xf32> to vector<1x16xf32>
        tpu.vector_store %arg23[%parallel_loop3A_853, %parallel_loop3A_854], %parallel_loop3A_857 {strides = array<i32>} : memref<40x128xf32, #tpu.memory_space<vmem>>, vector<1x16xf32>,
        %parallel_loop3A_858 = arith.index_cast %parallel_loop3A_521 : i32 to index
        %parallel_loop3A_859 = arith.constant 96 : index
        %parallel_loop3A_860 = tpu.vector_load %arg7[%parallel_loop3A_858, %parallel_loop3A_859] {strides = array<i32>} : memref<200x128xf32, #tpu.memory_space<vmem>>, vector<1x16xf32>,
        %parallel_loop3A_861 = vector.shape_cast %parallel_loop3A_860 : vector<1x16xf32> to vector<16xf32>
        %parallel_loop3A_862 = arith.index_cast %parallel_loop3A_520 : i32 to index
        %parallel_loop3A_863 = arith.constant 96 : index
        %parallel_loop3A_864 = tpu.vector_load %arg12[%parallel_loop3A_862, %parallel_loop3A_863] {strides = array<i32>} : memref<40x128xf32, #tpu.memory_space<vmem>>, vector<1x16xf32>,
        %parallel_loop3A_865 = vector.shape_cast %parallel_loop3A_864 : vector<1x16xf32> to vector<16xf32>
        %parallel_loop3A_866 = arith.constant 11.3137083 : f32
        %parallel_loop3A_867 = vector.broadcast %parallel_loop3A_866 : f32 to vector<16xf32>
        %parallel_loop3A_868 = arith.mulf %parallel_loop3A_865, %parallel_loop3A_867 : vector<16xf32>
        %parallel_loop3A_869 = arith.addf %parallel_loop3A_868, %parallel_loop3A_861 : vector<16xf32>
        %parallel_loop3A_870 = arith.index_cast %parallel_loop3A_520 : i32 to index
        %parallel_loop3A_871 = arith.constant 96 : index
        %parallel_loop3A_872 = tpu.vector_load %arg20[%parallel_loop3A_870, %parallel_loop3A_871] {strides = array<i32>} : memref<40x128xf32, #tpu.memory_space<vmem>>, vector<1x16xf32>,
        %parallel_loop3A_873 = vector.shape_cast %parallel_loop3A_872 : vector<1x16xf32> to vector<16xf32>
        %parallel_loop3A_874 = vector.shape_cast %parallel_loop3A_869 : vector<16xf32> to vector<1x16xf32>
        tpu.vector_store %arg20[%parallel_loop3A_870, %parallel_loop3A_871], %parallel_loop3A_874 {strides = array<i32>} : memref<40x128xf32, #tpu.memory_space<vmem>>, vector<1x16xf32>,
        %parallel_loop3A_875 = arith.index_cast %parallel_loop3A_520 : i32 to index
        %parallel_loop3A_876 = arith.constant 96 : index
        %parallel_loop3A_877 = tpu.vector_load %arg13[%parallel_loop3A_875, %parallel_loop3A_876] {strides = array<i32>} : memref<40x128xf32, #tpu.memory_space<vmem>>, vector<1x16xf32>,
        %parallel_loop3A_878 = vector.shape_cast %parallel_loop3A_877 : vector<1x16xf32> to vector<16xf32>
        %parallel_loop3A_879 = arith.constant 11.3137083 : f32
        %parallel_loop3A_880 = vector.broadcast %parallel_loop3A_879 : f32 to vector<16xf32>
        %parallel_loop3A_881 = arith.mulf %parallel_loop3A_878, %parallel_loop3A_880 : vector<16xf32>
        %parallel_loop3A_882 = arith.addf %parallel_loop3A_881, %parallel_loop3A_861 : vector<16xf32>
        %parallel_loop3A_883 = arith.index_cast %parallel_loop3A_520 : i32 to index
        %parallel_loop3A_884 = arith.constant 96 : index
        %parallel_loop3A_885 = tpu.vector_load %arg21[%parallel_loop3A_883, %parallel_loop3A_884] {strides = array<i32>} : memref<40x128xf32, #tpu.memory_space<vmem>>, vector<1x16xf32>,
        %parallel_loop3A_886 = vector.shape_cast %parallel_loop3A_885 : vector<1x16xf32> to vector<16xf32>
        %parallel_loop3A_887 = vector.shape_cast %parallel_loop3A_882 : vector<16xf32> to vector<1x16xf32>
        tpu.vector_store %arg21[%parallel_loop3A_883, %parallel_loop3A_884], %parallel_loop3A_887 {strides = array<i32>} : memref<40x128xf32, #tpu.memory_space<vmem>>, vector<1x16xf32>,
        %parallel_loop3A_888 = arith.index_cast %parallel_loop3A_520 : i32 to index
        %parallel_loop3A_889 = arith.constant 96 : index
        %parallel_loop3A_890 = tpu.vector_load %arg14[%parallel_loop3A_888, %parallel_loop3A_889] {strides = array<i32>} : memref<40x128xf32, #tpu.memory_space<vmem>>, vector<1x16xf32>,
        %parallel_loop3A_891 = vector.shape_cast %parallel_loop3A_890 : vector<1x16xf32> to vector<16xf32>
        %parallel_loop3A_892 = arith.constant 11.3137083 : f32
        %parallel_loop3A_893 = vector.broadcast %parallel_loop3A_892 : f32 to vector<16xf32>
        %parallel_loop3A_894 = arith.mulf %parallel_loop3A_891, %parallel_loop3A_893 : vector<16xf32>
        %parallel_loop3A_895 = arith.addf %parallel_loop3A_894, %parallel_loop3A_861 : vector<16xf32>
        %parallel_loop3A_896 = arith.index_cast %parallel_loop3A_520 : i32 to index
        %parallel_loop3A_897 = arith.constant 96 : index
        %parallel_loop3A_898 = tpu.vector_load %arg22[%parallel_loop3A_896, %parallel_loop3A_897] {strides = array<i32>} : memref<40x128xf32, #tpu.memory_space<vmem>>, vector<1x16xf32>,
        %parallel_loop3A_899 = vector.shape_cast %parallel_loop3A_898 : vector<1x16xf32> to vector<16xf32>
        %parallel_loop3A_900 = vector.shape_cast %parallel_loop3A_895 : vector<16xf32> to vector<1x16xf32>
        tpu.vector_store %arg22[%parallel_loop3A_896, %parallel_loop3A_897], %parallel_loop3A_900 {strides = array<i32>} : memref<40x128xf32, #tpu.memory_space<vmem>>, vector<1x16xf32>,
        %parallel_loop3A_901 = arith.index_cast %parallel_loop3A_520 : i32 to index
        %parallel_loop3A_902 = arith.constant 96 : index
        %parallel_loop3A_903 = tpu.vector_load %arg15[%parallel_loop3A_901, %parallel_loop3A_902] {strides = array<i32>} : memref<40x128xf32, #tpu.memory_space<vmem>>, vector<1x16xf32>,
        %parallel_loop3A_904 = vector.shape_cast %parallel_loop3A_903 : vector<1x16xf32> to vector<16xf32>
        %parallel_loop3A_905 = arith.constant 11.3137083 : f32
        %parallel_loop3A_906 = vector.broadcast %parallel_loop3A_905 : f32 to vector<16xf32>
        %parallel_loop3A_907 = arith.mulf %parallel_loop3A_904, %parallel_loop3A_906 : vector<16xf32>
        %parallel_loop3A_908 = arith.addf %parallel_loop3A_907, %parallel_loop3A_861 : vector<16xf32>
        %parallel_loop3A_909 = arith.index_cast %parallel_loop3A_520 : i32 to index
        %parallel_loop3A_910 = arith.constant 96 : index
        %parallel_loop3A_911 = tpu.vector_load %arg23[%parallel_loop3A_909, %parallel_loop3A_910] {strides = array<i32>} : memref<40x128xf32, #tpu.memory_space<vmem>>, vector<1x16xf32>,
        %parallel_loop3A_912 = vector.shape_cast %parallel_loop3A_911 : vector<1x16xf32> to vector<16xf32>
        %parallel_loop3A_913 = vector.shape_cast %parallel_loop3A_908 : vector<16xf32> to vector<1x16xf32>
        tpu.vector_store %arg23[%parallel_loop3A_909, %parallel_loop3A_910], %parallel_loop3A_913 {strides = array<i32>} : memref<40x128xf32, #tpu.memory_space<vmem>>, vector<1x16xf32>,
        %parallel_loop3A_914 = arith.index_cast %parallel_loop3A_521 : i32 to index
        %parallel_loop3A_915 = arith.constant 112 : index
        %parallel_loop3A_916 = tpu.vector_load %arg7[%parallel_loop3A_914, %parallel_loop3A_915] {strides = array<i32>} : memref<200x128xf32, #tpu.memory_space<vmem>>, vector<1x16xf32>,
        %parallel_loop3A_917 = vector.shape_cast %parallel_loop3A_916 : vector<1x16xf32> to vector<16xf32>
        %parallel_loop3A_918 = arith.index_cast %parallel_loop3A_520 : i32 to index
        %parallel_loop3A_919 = arith.constant 112 : index
        %parallel_loop3A_920 = tpu.vector_load %arg12[%parallel_loop3A_918, %parallel_loop3A_919] {strides = array<i32>} : memref<40x128xf32, #tpu.memory_space<vmem>>, vector<1x16xf32>,
        %parallel_loop3A_921 = vector.shape_cast %parallel_loop3A_920 : vector<1x16xf32> to vector<16xf32>
        %parallel_loop3A_922 = arith.constant 11.3137083 : f32
        %parallel_loop3A_923 = vector.broadcast %parallel_loop3A_922 : f32 to vector<16xf32>
        %parallel_loop3A_924 = arith.mulf %parallel_loop3A_921, %parallel_loop3A_923 : vector<16xf32>
        %parallel_loop3A_925 = arith.addf %parallel_loop3A_924, %parallel_loop3A_917 : vector<16xf32>
        %parallel_loop3A_926 = arith.index_cast %parallel_loop3A_520 : i32 to index
        %parallel_loop3A_927 = arith.constant 112 : index
        %parallel_loop3A_928 = tpu.vector_load %arg20[%parallel_loop3A_926, %parallel_loop3A_927] {strides = array<i32>} : memref<40x128xf32, #tpu.memory_space<vmem>>, vector<1x16xf32>,
        %parallel_loop3A_929 = vector.shape_cast %parallel_loop3A_928 : vector<1x16xf32> to vector<16xf32>
        %parallel_loop3A_930 = vector.shape_cast %parallel_loop3A_925 : vector<16xf32> to vector<1x16xf32>
        tpu.vector_store %arg20[%parallel_loop3A_926, %parallel_loop3A_927], %parallel_loop3A_930 {strides = array<i32>} : memref<40x128xf32, #tpu.memory_space<vmem>>, vector<1x16xf32>,
        %parallel_loop3A_931 = arith.index_cast %parallel_loop3A_520 : i32 to index
        %parallel_loop3A_932 = arith.constant 112 : index
        %parallel_loop3A_933 = tpu.vector_load %arg13[%parallel_loop3A_931, %parallel_loop3A_932] {strides = array<i32>} : memref<40x128xf32, #tpu.memory_space<vmem>>, vector<1x16xf32>,
        %parallel_loop3A_934 = vector.shape_cast %parallel_loop3A_933 : vector<1x16xf32> to vector<16xf32>
        %parallel_loop3A_935 = arith.constant 11.3137083 : f32
        %parallel_loop3A_936 = vector.broadcast %parallel_loop3A_935 : f32 to vector<16xf32>
        %parallel_loop3A_937 = arith.mulf %parallel_loop3A_934, %parallel_loop3A_936 : vector<16xf32>
        %parallel_loop3A_938 = arith.addf %parallel_loop3A_937, %parallel_loop3A_917 : vector<16xf32>
        %parallel_loop3A_939 = arith.index_cast %parallel_loop3A_520 : i32 to index
        %parallel_loop3A_940 = arith.constant 112 : index
        %parallel_loop3A_941 = tpu.vector_load %arg21[%parallel_loop3A_939, %parallel_loop3A_940] {strides = array<i32>} : memref<40x128xf32, #tpu.memory_space<vmem>>, vector<1x16xf32>,
        %parallel_loop3A_942 = vector.shape_cast %parallel_loop3A_941 : vector<1x16xf32> to vector<16xf32>
        %parallel_loop3A_943 = vector.shape_cast %parallel_loop3A_938 : vector<16xf32> to vector<1x16xf32>
        tpu.vector_store %arg21[%parallel_loop3A_939, %parallel_loop3A_940], %parallel_loop3A_943 {strides = array<i32>} : memref<40x128xf32, #tpu.memory_space<vmem>>, vector<1x16xf32>,
        %parallel_loop3A_944 = arith.index_cast %parallel_loop3A_520 : i32 to index
        %parallel_loop3A_945 = arith.constant 112 : index
        %parallel_loop3A_946 = tpu.vector_load %arg14[%parallel_loop3A_944, %parallel_loop3A_945] {strides = array<i32>} : memref<40x128xf32, #tpu.memory_space<vmem>>, vector<1x16xf32>,
        %parallel_loop3A_947 = vector.shape_cast %parallel_loop3A_946 : vector<1x16xf32> to vector<16xf32>
        %parallel_loop3A_948 = arith.constant 11.3137083 : f32
        %parallel_loop3A_949 = vector.broadcast %parallel_loop3A_948 : f32 to vector<16xf32>
        %parallel_loop3A_950 = arith.mulf %parallel_loop3A_947, %parallel_loop3A_949 : vector<16xf32>
        %parallel_loop3A_951 = arith.addf %parallel_loop3A_950, %parallel_loop3A_917 : vector<16xf32>
        %parallel_loop3A_952 = arith.index_cast %parallel_loop3A_520 : i32 to index
        %parallel_loop3A_953 = arith.constant 112 : index
        %parallel_loop3A_954 = tpu.vector_load %arg22[%parallel_loop3A_952, %parallel_loop3A_953] {strides = array<i32>} : memref<40x128xf32, #tpu.memory_space<vmem>>, vector<1x16xf32>,
        %parallel_loop3A_955 = vector.shape_cast %parallel_loop3A_954 : vector<1x16xf32> to vector<16xf32>
        %parallel_loop3A_956 = vector.shape_cast %parallel_loop3A_951 : vector<16xf32> to vector<1x16xf32>
        tpu.vector_store %arg22[%parallel_loop3A_952, %parallel_loop3A_953], %parallel_loop3A_956 {strides = array<i32>} : memref<40x128xf32, #tpu.memory_space<vmem>>, vector<1x16xf32>,
        %parallel_loop3A_957 = arith.index_cast %parallel_loop3A_520 : i32 to index
        %parallel_loop3A_958 = arith.constant 112 : index
        %parallel_loop3A_959 = tpu.vector_load %arg15[%parallel_loop3A_957, %parallel_loop3A_958] {strides = array<i32>} : memref<40x128xf32, #tpu.memory_space<vmem>>, vector<1x16xf32>,
        %parallel_loop3A_960 = vector.shape_cast %parallel_loop3A_959 : vector<1x16xf32> to vector<16xf32>
        %parallel_loop3A_961 = arith.constant 11.3137083 : f32
        %parallel_loop3A_962 = vector.broadcast %parallel_loop3A_961 : f32 to vector<16xf32>
        %parallel_loop3A_963 = arith.mulf %parallel_loop3A_960, %parallel_loop3A_962 : vector<16xf32>
        %parallel_loop3A_964 = arith.addf %parallel_loop3A_963, %parallel_loop3A_917 : vector<16xf32>
        %parallel_loop3A_965 = arith.index_cast %parallel_loop3A_520 : i32 to index
        %parallel_loop3A_966 = arith.constant 112 : index
        %parallel_loop3A_967 = tpu.vector_load %arg23[%parallel_loop3A_965, %parallel_loop3A_966] {strides = array<i32>} : memref<40x128xf32, #tpu.memory_space<vmem>>, vector<1x16xf32>,
        %parallel_loop3A_968 = vector.shape_cast %parallel_loop3A_967 : vector<1x16xf32> to vector<16xf32>
        %parallel_loop3A_969 = vector.shape_cast %parallel_loop3A_964 : vector<16xf32> to vector<1x16xf32>
        tpu.vector_store %arg23[%parallel_loop3A_965, %parallel_loop3A_966], %parallel_loop3A_969 {strides = array<i32>} : memref<40x128xf32, #tpu.memory_space<vmem>>, vector<1x16xf32>,
      } {sc.loop_unroll_factor = 1 : i64, sc.parallel_access}
      %lt3A_455 = arith.constant 38 : i32
      %lt3A_456 = arith.cmpi slt, %add3A_384, %lt3A_455 : i32
      %convert_element_type3A_457 = arith.extui %lt3A_456 : i1 to i32
      %cond3A_458 = arith.constant 0 : i32
      %cond3A_459 = arith.cmpi ne, %convert_element_type3A_457, %cond3A_458 : i32
      scf.if %cond3A_459 {
        %add3A_520 = arith.constant 2 : i32
        %add3A_521 = arith.addi %add3A_384, %add3A_520 : i32
        %div3A_522 = arith.constant 5 : i32
        %div3A_523 = arith.divsi %add3A_521, %div3A_522 : i32
        %rem3A_524 = arith.constant 5 : i32
        %rem3A_525 = arith.remsi %add3A_521, %rem3A_524 : i32
        %mul3A_526 = arith.constant 4 : i32
        %mul3A_527 = arith.muli %mul3A_526, %div3A_523 : i32
        %add3A_528 = arith.constant 0 : i32
        %add3A_529 = arith.addi %mul3A_527, %add3A_528 : i32
        %mul3A_530 = arith.constant 5 : i32
        %mul3A_531 = arith.muli %add3A_529, %mul3A_530 : i32
        %add3A_532 = arith.addi %mul3A_531, %rem3A_525 : i32
        %dma_start3A_533 = arith.constant 0 : i32
        %dma_start3A_534 = tpu.memref_slice %arg6[%add3A_532, %dma_start3A_533] : memref<160x40xi32, #tpu.memory_space<vmem>> -> memref<1x40xi32, #tpu.memory_space<vmem>>
        %dma_start3A_535 = tpu.memref_squeeze %dma_start3A_534 : memref<1x40xi32, #tpu.memory_space<vmem>> -> memref<40xi32, #tpu.memory_space<vmem>>
        %dma_start3A_536 = arith.constant 0 : i32
        %dma_start3A_537 = arith.constant 0 : i32
        %dma_start3A_538 = tpu.memref_slice %arg3[%dma_start3A_536, %dma_start3A_537] : memref<100000x128xf32, #tpu.memory_space<hbm>> -> memref<100000x128xf32, #tpu.memory_space<hbm>>
        tpu.enqueue_indirect_dma source(%dma_start3A_538 : memref<100000x128xf32, #tpu.memory_space<hbm>>) target(%arg12 : memref<40x128xf32, #tpu.memory_space<vmem>>) offsets(%dma_start3A_535 : memref<40xi32, #tpu.memory_space<vmem>>) semaphore(%arg28 : memref<!tpu.dma_semaphore, #tpu.memory_space<semaphore_mem>>)
        %mul3A_539 = arith.constant 4 : i32
        %mul3A_540 = arith.muli %mul3A_539, %div3A_523 : i32
        %add3A_541 = arith.constant 1 : i32
        %add3A_542 = arith.addi %mul3A_540, %add3A_541 : i32
        %mul3A_543 = arith.constant 5 : i32
        %mul3A_544 = arith.muli %add3A_542, %mul3A_543 : i32
        %add3A_545 = arith.addi %mul3A_544, %rem3A_525 : i32
        %dma_start3A_546 = arith.constant 0 : i32
        %dma_start3A_547 = tpu.memref_slice %arg6[%add3A_545, %dma_start3A_546] : memref<160x40xi32, #tpu.memory_space<vmem>> -> memref<1x40xi32, #tpu.memory_space<vmem>>
        %dma_start3A_548 = tpu.memref_squeeze %dma_start3A_547 : memref<1x40xi32, #tpu.memory_space<vmem>> -> memref<40xi32, #tpu.memory_space<vmem>>
        %dma_start3A_549 = arith.constant 0 : i32
        %dma_start3A_550 = arith.constant 0 : i32
        %dma_start3A_551 = tpu.memref_slice %arg3[%dma_start3A_549, %dma_start3A_550] : memref<100000x128xf32, #tpu.memory_space<hbm>> -> memref<100000x128xf32, #tpu.memory_space<hbm>>
        tpu.enqueue_indirect_dma source(%dma_start3A_551 : memref<100000x128xf32, #tpu.memory_space<hbm>>) target(%arg13 : memref<40x128xf32, #tpu.memory_space<vmem>>) offsets(%dma_start3A_548 : memref<40xi32, #tpu.memory_space<vmem>>) semaphore(%arg29 : memref<!tpu.dma_semaphore, #tpu.memory_space<semaphore_mem>>)
        %mul3A_552 = arith.constant 4 : i32
        %mul3A_553 = arith.muli %mul3A_552, %div3A_523 : i32
        %add3A_554 = arith.constant 2 : i32
        %add3A_555 = arith.addi %mul3A_553, %add3A_554 : i32
        %mul3A_556 = arith.constant 5 : i32
        %mul3A_557 = arith.muli %add3A_555, %mul3A_556 : i32
        %add3A_558 = arith.addi %mul3A_557, %rem3A_525 : i32
        %dma_start3A_559 = arith.constant 0 : i32
        %dma_start3A_560 = tpu.memref_slice %arg6[%add3A_558, %dma_start3A_559] : memref<160x40xi32, #tpu.memory_space<vmem>> -> memref<1x40xi32, #tpu.memory_space<vmem>>
        %dma_start3A_561 = tpu.memref_squeeze %dma_start3A_560 : memref<1x40xi32, #tpu.memory_space<vmem>> -> memref<40xi32, #tpu.memory_space<vmem>>
        %dma_start3A_562 = arith.constant 0 : i32
        %dma_start3A_563 = arith.constant 0 : i32
        %dma_start3A_564 = tpu.memref_slice %arg3[%dma_start3A_562, %dma_start3A_563] : memref<100000x128xf32, #tpu.memory_space<hbm>> -> memref<100000x128xf32, #tpu.memory_space<hbm>>
        tpu.enqueue_indirect_dma source(%dma_start3A_564 : memref<100000x128xf32, #tpu.memory_space<hbm>>) target(%arg14 : memref<40x128xf32, #tpu.memory_space<vmem>>) offsets(%dma_start3A_561 : memref<40xi32, #tpu.memory_space<vmem>>) semaphore(%arg30 : memref<!tpu.dma_semaphore, #tpu.memory_space<semaphore_mem>>)
        %mul3A_565 = arith.constant 4 : i32
        %mul3A_566 = arith.muli %mul3A_565, %div3A_523 : i32
        %add3A_567 = arith.constant 3 : i32
        %add3A_568 = arith.addi %mul3A_566, %add3A_567 : i32
        %mul3A_569 = arith.constant 5 : i32
        %mul3A_570 = arith.muli %add3A_568, %mul3A_569 : i32
        %add3A_571 = arith.addi %mul3A_570, %rem3A_525 : i32
        %dma_start3A_572 = arith.constant 0 : i32
        %dma_start3A_573 = tpu.memref_slice %arg6[%add3A_571, %dma_start3A_572] : memref<160x40xi32, #tpu.memory_space<vmem>> -> memref<1x40xi32, #tpu.memory_space<vmem>>
        %dma_start3A_574 = tpu.memref_squeeze %dma_start3A_573 : memref<1x40xi32, #tpu.memory_space<vmem>> -> memref<40xi32, #tpu.memory_space<vmem>>
        %dma_start3A_575 = arith.constant 0 : i32
        %dma_start3A_576 = arith.constant 0 : i32
        %dma_start3A_577 = tpu.memref_slice %arg3[%dma_start3A_575, %dma_start3A_576] : memref<100000x128xf32, #tpu.memory_space<hbm>> -> memref<100000x128xf32, #tpu.memory_space<hbm>>
        tpu.enqueue_indirect_dma source(%dma_start3A_577 : memref<100000x128xf32, #tpu.memory_space<hbm>>) target(%arg15 : memref<40x128xf32, #tpu.memory_space<vmem>>) offsets(%dma_start3A_574 : memref<40xi32, #tpu.memory_space<vmem>>) semaphore(%arg31 : memref<!tpu.dma_semaphore, #tpu.memory_space<semaphore_mem>>)
      } else {
      }
      %div3A_460 = arith.constant 5 : i32
      %div3A_461 = arith.divsi %add3A_384, %div3A_460 : i32
      %rem3A_462 = arith.constant 5 : i32
      %rem3A_463 = arith.remsi %add3A_384, %rem3A_462 : i32
      %mul3A_464 = arith.constant 4 : i32
      %mul3A_465 = arith.muli %mul3A_464, %div3A_461 : i32
      %add3A_466 = arith.constant 0 : i32
      %add3A_467 = arith.addi %mul3A_465, %add3A_466 : i32
      %mul3A_468 = arith.constant 200 : i32
      %mul3A_469 = arith.muli %add3A_467, %mul3A_468 : i32
      %add3A_470 = arith.addi %mul3A_2, %mul3A_469 : i32
      %mul3A_471 = arith.constant 40 : i32
      %mul3A_472 = arith.muli %rem3A_463, %mul3A_471 : i32
      %add3A_473 = arith.addi %add3A_470, %mul3A_472 : i32
      %dma_start3A_474 = arith.constant 0 : i32
      %dma_start3A_475 = tpu.memref_slice %arg5[%add3A_473, %dma_start3A_474] : memref<204800x128xf32, #tpu.memory_space<hbm>> -> memref<40x128xf32, #tpu.memory_space<hbm>>
      %dma_start3A_476 = arith.constant 0 : i32
      %dma_start3A_477 = tpu.memref_slice %arg5[%add3A_473, %dma_start3A_476] : memref<204800x128xf32, #tpu.memory_space<hbm>> -> memref<40x128xf32, #tpu.memory_space<hbm>>
      tpu.enqueue_dma source(%arg20 : memref<40x128xf32, #tpu.memory_space<vmem>>) target(%dma_start3A_477 : memref<40x128xf32, #tpu.memory_space<hbm>>) target_semaphore(%arg36 : memref<!tpu.dma_semaphore, #tpu.memory_space<semaphore_mem>>)
      %mul3A_478 = arith.constant 4 : i32
      %mul3A_479 = arith.muli %mul3A_478, %div3A_461 : i32
      %add3A_480 = arith.constant 1 : i32
      %add3A_481 = arith.addi %mul3A_479, %add3A_480 : i32
      %mul3A_482 = arith.constant 200 : i32
      %mul3A_483 = arith.muli %add3A_481, %mul3A_482 : i32
      %add3A_484 = arith.addi %mul3A_2, %mul3A_483 : i32
      %mul3A_485 = arith.constant 40 : i32
      %mul3A_486 = arith.muli %rem3A_463, %mul3A_485 : i32
      %add3A_487 = arith.addi %add3A_484, %mul3A_486 : i32
      %dma_start3A_488 = arith.constant 0 : i32
      %dma_start3A_489 = tpu.memref_slice %arg5[%add3A_487, %dma_start3A_488] : memref<204800x128xf32, #tpu.memory_space<hbm>> -> memref<40x128xf32, #tpu.memory_space<hbm>>
      %dma_start3A_490 = arith.constant 0 : i32
      %dma_start3A_491 = tpu.memref_slice %arg5[%add3A_487, %dma_start3A_490] : memref<204800x128xf32, #tpu.memory_space<hbm>> -> memref<40x128xf32, #tpu.memory_space<hbm>>
      tpu.enqueue_dma source(%arg21 : memref<40x128xf32, #tpu.memory_space<vmem>>) target(%dma_start3A_491 : memref<40x128xf32, #tpu.memory_space<hbm>>) target_semaphore(%arg37 : memref<!tpu.dma_semaphore, #tpu.memory_space<semaphore_mem>>)
      %mul3A_492 = arith.constant 4 : i32
      %mul3A_493 = arith.muli %mul3A_492, %div3A_461 : i32
      %add3A_494 = arith.constant 2 : i32
      %add3A_495 = arith.addi %mul3A_493, %add3A_494 : i32
      %mul3A_496 = arith.constant 200 : i32
      %mul3A_497 = arith.muli %add3A_495, %mul3A_496 : i32
      %add3A_498 = arith.addi %mul3A_2, %mul3A_497 : i32
      %mul3A_499 = arith.constant 40 : i32
      %mul3A_500 = arith.muli %rem3A_463, %mul3A_499 : i32
      %add3A_501 = arith.addi %add3A_498, %mul3A_500 : i32
      %dma_start3A_502 = arith.constant 0 : i32
      %dma_start3A_503 = tpu.memref_slice %arg5[%add3A_501, %dma_start3A_502] : memref<204800x128xf32, #tpu.memory_space<hbm>> -> memref<40x128xf32, #tpu.memory_space<hbm>>
      %dma_start3A_504 = arith.constant 0 : i32
      %dma_start3A_505 = tpu.memref_slice %arg5[%add3A_501, %dma_start3A_504] : memref<204800x128xf32, #tpu.memory_space<hbm>> -> memref<40x128xf32, #tpu.memory_space<hbm>>
      tpu.enqueue_dma source(%arg22 : memref<40x128xf32, #tpu.memory_space<vmem>>) target(%dma_start3A_505 : memref<40x128xf32, #tpu.memory_space<hbm>>) target_semaphore(%arg38 : memref<!tpu.dma_semaphore, #tpu.memory_space<semaphore_mem>>)
      %mul3A_506 = arith.constant 4 : i32
      %mul3A_507 = arith.muli %mul3A_506, %div3A_461 : i32
      %add3A_508 = arith.constant 3 : i32
      %add3A_509 = arith.addi %mul3A_507, %add3A_508 : i32
      %mul3A_510 = arith.constant 200 : i32
      %mul3A_511 = arith.muli %add3A_509, %mul3A_510 : i32
      %add3A_512 = arith.addi %mul3A_2, %mul3A_511 : i32
      %mul3A_513 = arith.constant 40 : i32
      %mul3A_514 = arith.muli %rem3A_463, %mul3A_513 : i32
      %add3A_515 = arith.addi %add3A_512, %mul3A_514 : i32
      %dma_start3A_516 = arith.constant 0 : i32
      %dma_start3A_517 = tpu.memref_slice %arg5[%add3A_515, %dma_start3A_516] : memref<204800x128xf32, #tpu.memory_space<hbm>> -> memref<40x128xf32, #tpu.memory_space<hbm>>
      %dma_start3A_518 = arith.constant 0 : i32
      %dma_start3A_519 = tpu.memref_slice %arg5[%add3A_515, %dma_start3A_518] : memref<204800x128xf32, #tpu.memory_space<hbm>> -> memref<40x128xf32, #tpu.memory_space<hbm>>
      tpu.enqueue_dma source(%arg23 : memref<40x128xf32, #tpu.memory_space<vmem>>) target(%dma_start3A_519 : memref<40x128xf32, #tpu.memory_space<hbm>>) target_semaphore(%arg39 : memref<!tpu.dma_semaphore, #tpu.memory_space<semaphore_mem>>)
    }
    %scan3A_122 = arith.constant 20 : i32
    %div3A_123 = arith.constant 38 : i32
    %div3A_124 = arith.constant 5 : i32
    %div3A_125 = arith.divsi %div3A_123, %div3A_124 : i32
    %rem3A_126 = arith.constant 38 : i32
    %rem3A_127 = arith.constant 5 : i32
    %rem3A_128 = arith.remsi %rem3A_126, %rem3A_127 : i32
    %mul3A_129 = arith.constant 4 : i32
    %mul3A_130 = arith.muli %mul3A_129, %div3A_125 : i32
    %add3A_131 = arith.constant 0 : i32
    %add3A_132 = arith.addi %mul3A_130, %add3A_131 : i32
    %mul3A_133 = arith.constant 200 : i32
    %mul3A_134 = arith.muli %add3A_132, %mul3A_133 : i32
    %add3A_135 = arith.addi %mul3A_2, %mul3A_134 : i32
    %mul3A_136 = arith.constant 40 : i32
    %mul3A_137 = arith.muli %rem3A_128, %mul3A_136 : i32
    %add3A_138 = arith.addi %add3A_135, %mul3A_137 : i32
    %dma_wait3A = arith.constant 0 : i32
    %dma_wait3A_139 = tpu.memref_slice %arg5[%add3A_138, %dma_wait3A] : memref<204800x128xf32, #tpu.memory_space<hbm>> -> memref<40x128xf32, #tpu.memory_space<hbm>>
    %dma_wait3A_140 = arith.constant 0 : i32
    %dma_wait3A_141 = tpu.memref_slice %arg5[%add3A_138, %dma_wait3A_140] : memref<204800x128xf32, #tpu.memory_space<hbm>> -> memref<40x128xf32, #tpu.memory_space<hbm>>
    tpu.wait_dma2 semaphore(%arg32 : memref<!tpu.dma_semaphore, #tpu.memory_space<semaphore_mem>>) src(%arg16 : memref<40x128xf32, #tpu.memory_space<vmem>>) dst(%dma_wait3A_141 : memref<40x128xf32, #tpu.memory_space<hbm>>)
    %mul3A_142 = arith.constant 4 : i32
    %mul3A_143 = arith.muli %mul3A_142, %div3A_125 : i32
    %add3A_144 = arith.constant 1 : i32
    %add3A_145 = arith.addi %mul3A_143, %add3A_144 : i32
    %mul3A_146 = arith.constant 200 : i32
    %mul3A_147 = arith.muli %add3A_145, %mul3A_146 : i32
    %add3A_148 = arith.addi %mul3A_2, %mul3A_147 : i32
    %mul3A_149 = arith.constant 40 : i32
    %mul3A_150 = arith.muli %rem3A_128, %mul3A_149 : i32
    %add3A_151 = arith.addi %add3A_148, %mul3A_150 : i32
    %dma_wait3A_152 = arith.constant 0 : i32
    %dma_wait3A_153 = tpu.memref_slice %arg5[%add3A_151, %dma_wait3A_152] : memref<204800x128xf32, #tpu.memory_space<hbm>> -> memref<40x128xf32, #tpu.memory_space<hbm>>
    %dma_wait3A_154 = arith.constant 0 : i32
    %dma_wait3A_155 = tpu.memref_slice %arg5[%add3A_151, %dma_wait3A_154] : memref<204800x128xf32, #tpu.memory_space<hbm>> -> memref<40x128xf32, #tpu.memory_space<hbm>>
    tpu.wait_dma2 semaphore(%arg33 : memref<!tpu.dma_semaphore, #tpu.memory_space<semaphore_mem>>) src(%arg17 : memref<40x128xf32, #tpu.memory_space<vmem>>) dst(%dma_wait3A_155 : memref<40x128xf32, #tpu.memory_space<hbm>>)
    %mul3A_156 = arith.constant 4 : i32
    %mul3A_157 = arith.muli %mul3A_156, %div3A_125 : i32
    %add3A_158 = arith.constant 2 : i32
    %add3A_159 = arith.addi %mul3A_157, %add3A_158 : i32
    %mul3A_160 = arith.constant 200 : i32
    %mul3A_161 = arith.muli %add3A_159, %mul3A_160 : i32
    %add3A_162 = arith.addi %mul3A_2, %mul3A_161 : i32
    %mul3A_163 = arith.constant 40 : i32
    %mul3A_164 = arith.muli %rem3A_128, %mul3A_163 : i32
    %add3A_165 = arith.addi %add3A_162, %mul3A_164 : i32
    %dma_wait3A_166 = arith.constant 0 : i32
    %dma_wait3A_167 = tpu.memref_slice %arg5[%add3A_165, %dma_wait3A_166] : memref<204800x128xf32, #tpu.memory_space<hbm>> -> memref<40x128xf32, #tpu.memory_space<hbm>>
    %dma_wait3A_168 = arith.constant 0 : i32
    %dma_wait3A_169 = tpu.memref_slice %arg5[%add3A_165, %dma_wait3A_168] : memref<204800x128xf32, #tpu.memory_space<hbm>> -> memref<40x128xf32, #tpu.memory_space<hbm>>
    tpu.wait_dma2 semaphore(%arg34 : memref<!tpu.dma_semaphore, #tpu.memory_space<semaphore_mem>>) src(%arg18 : memref<40x128xf32, #tpu.memory_space<vmem>>) dst(%dma_wait3A_169 : memref<40x128xf32, #tpu.memory_space<hbm>>)
    %mul3A_170 = arith.constant 4 : i32
    %mul3A_171 = arith.muli %mul3A_170, %div3A_125 : i32
    %add3A_172 = arith.constant 3 : i32
    %add3A_173 = arith.addi %mul3A_171, %add3A_172 : i32
    %mul3A_174 = arith.constant 200 : i32
    %mul3A_175 = arith.muli %add3A_173, %mul3A_174 : i32
    %add3A_176 = arith.addi %mul3A_2, %mul3A_175 : i32
    %mul3A_177 = arith.constant 40 : i32
    %mul3A_178 = arith.muli %rem3A_128, %mul3A_177 : i32
    %add3A_179 = arith.addi %add3A_176, %mul3A_178 : i32
    %dma_wait3A_180 = arith.constant 0 : i32
    %dma_wait3A_181 = tpu.memref_slice %arg5[%add3A_179, %dma_wait3A_180] : memref<204800x128xf32, #tpu.memory_space<hbm>> -> memref<40x128xf32, #tpu.memory_space<hbm>>
    %dma_wait3A_182 = arith.constant 0 : i32
    %dma_wait3A_183 = tpu.memref_slice %arg5[%add3A_179, %dma_wait3A_182] : memref<204800x128xf32, #tpu.memory_space<hbm>> -> memref<40x128xf32, #tpu.memory_space<hbm>>
    tpu.wait_dma2 semaphore(%arg35 : memref<!tpu.dma_semaphore, #tpu.memory_space<semaphore_mem>>) src(%arg19 : memref<40x128xf32, #tpu.memory_space<vmem>>) dst(%dma_wait3A_183 : memref<40x128xf32, #tpu.memory_space<hbm>>)
    %div3A_184 = arith.constant 39 : i32
    %div3A_185 = arith.constant 5 : i32
    %div3A_186 = arith.divsi %div3A_184, %div3A_185 : i32
    %rem3A_187 = arith.constant 39 : i32
    %rem3A_188 = arith.constant 5 : i32
    %rem3A_189 = arith.remsi %rem3A_187, %rem3A_188 : i32
    %mul3A_190 = arith.constant 4 : i32
    %mul3A_191 = arith.muli %mul3A_190, %div3A_186 : i32
    %add3A_192 = arith.constant 0 : i32
    %add3A_193 = arith.addi %mul3A_191, %add3A_192 : i32
    %mul3A_194 = arith.constant 200 : i32
    %mul3A_195 = arith.muli %add3A_193, %mul3A_194 : i32
    %add3A_196 = arith.addi %mul3A_2, %mul3A_195 : i32
    %mul3A_197 = arith.constant 40 : i32
    %mul3A_198 = arith.muli %rem3A_189, %mul3A_197 : i32
    %add3A_199 = arith.addi %add3A_196, %mul3A_198 : i32
    %dma_wait3A_200 = arith.constant 0 : i32
    %dma_wait3A_201 = tpu.memref_slice %arg5[%add3A_199, %dma_wait3A_200] : memref<204800x128xf32, #tpu.memory_space<hbm>> -> memref<40x128xf32, #tpu.memory_space<hbm>>
    %dma_wait3A_202 = arith.constant 0 : i32
    %dma_wait3A_203 = tpu.memref_slice %arg5[%add3A_199, %dma_wait3A_202] : memref<204800x128xf32, #tpu.memory_space<hbm>> -> memref<40x128xf32, #tpu.memory_space<hbm>>
    tpu.wait_dma2 semaphore(%arg36 : memref<!tpu.dma_semaphore, #tpu.memory_space<semaphore_mem>>) src(%arg20 : memref<40x128xf32, #tpu.memory_space<vmem>>) dst(%dma_wait3A_203 : memref<40x128xf32, #tpu.memory_space<hbm>>)
    %mul3A_204 = arith.constant 4 : i32
    %mul3A_205 = arith.muli %mul3A_204, %div3A_186 : i32
    %add3A_206 = arith.constant 1 : i32
    %add3A_207 = arith.addi %mul3A_205, %add3A_206 : i32
    %mul3A_208 = arith.constant 200 : i32
    %mul3A_209 = arith.muli %add3A_207, %mul3A_208 : i32
    %add3A_210 = arith.addi %mul3A_2, %mul3A_209 : i32
    %mul3A_211 = arith.constant 40 : i32
    %mul3A_212 = arith.muli %rem3A_189, %mul3A_211 : i32
    %add3A_213 = arith.addi %add3A_210, %mul3A_212 : i32
    %dma_wait3A_214 = arith.constant 0 : i32
    %dma_wait3A_215 = tpu.memref_slice %arg5[%add3A_213, %dma_wait3A_214] : memref<204800x128xf32, #tpu.memory_space<hbm>> -> memref<40x128xf32, #tpu.memory_space<hbm>>
    %dma_wait3A_216 = arith.constant 0 : i32
    %dma_wait3A_217 = tpu.memref_slice %arg5[%add3A_213, %dma_wait3A_216] : memref<204800x128xf32, #tpu.memory_space<hbm>> -> memref<40x128xf32, #tpu.memory_space<hbm>>
    tpu.wait_dma2 semaphore(%arg37 : memref<!tpu.dma_semaphore, #tpu.memory_space<semaphore_mem>>) src(%arg21 : memref<40x128xf32, #tpu.memory_space<vmem>>) dst(%dma_wait3A_217 : memref<40x128xf32, #tpu.memory_space<hbm>>)
    %mul3A_218 = arith.constant 4 : i32
    %mul3A_219 = arith.muli %mul3A_218, %div3A_186 : i32
    %add3A_220 = arith.constant 2 : i32
    %add3A_221 = arith.addi %mul3A_219, %add3A_220 : i32
    %mul3A_222 = arith.constant 200 : i32
    %mul3A_223 = arith.muli %add3A_221, %mul3A_222 : i32
    %add3A_224 = arith.addi %mul3A_2, %mul3A_223 : i32
    %mul3A_225 = arith.constant 40 : i32
    %mul3A_226 = arith.muli %rem3A_189, %mul3A_225 : i32
    %add3A_227 = arith.addi %add3A_224, %mul3A_226 : i32
    %dma_wait3A_228 = arith.constant 0 : i32
    %dma_wait3A_229 = tpu.memref_slice %arg5[%add3A_227, %dma_wait3A_228] : memref<204800x128xf32, #tpu.memory_space<hbm>> -> memref<40x128xf32, #tpu.memory_space<hbm>>
    %dma_wait3A_230 = arith.constant 0 : i32
    %dma_wait3A_231 = tpu.memref_slice %arg5[%add3A_227, %dma_wait3A_230] : memref<204800x128xf32, #tpu.memory_space<hbm>> -> memref<40x128xf32, #tpu.memory_space<hbm>>
    tpu.wait_dma2 semaphore(%arg38 : memref<!tpu.dma_semaphore, #tpu.memory_space<semaphore_mem>>) src(%arg22 : memref<40x128xf32, #tpu.memory_space<vmem>>) dst(%dma_wait3A_231 : memref<40x128xf32, #tpu.memory_space<hbm>>)
    %mul3A_232 = arith.constant 4 : i32
    %mul3A_233 = arith.muli %mul3A_232, %div3A_186 : i32
    %add3A_234 = arith.constant 3 : i32
    %add3A_235 = arith.addi %mul3A_233, %add3A_234 : i32
    %mul3A_236 = arith.constant 200 : i32
    %mul3A_237 = arith.muli %add3A_235, %mul3A_236 : i32
    %add3A_238 = arith.addi %mul3A_2, %mul3A_237 : i32
    %mul3A_239 = arith.constant 40 : i32
    %mul3A_240 = arith.muli %rem3A_189, %mul3A_239 : i32
    %add3A_241 = arith.addi %add3A_238, %mul3A_240 : i32
    %dma_wait3A_242 = arith.constant 0 : i32
    %dma_wait3A_243 = tpu.memref_slice %arg5[%add3A_241, %dma_wait3A_242] : memref<204800x128xf32, #tpu.memory_space<hbm>> -> memref<40x128xf32, #tpu.memory_space<hbm>>
    %dma_wait3A_244 = arith.constant 0 : i32
    %dma_wait3A_245 = tpu.memref_slice %arg5[%add3A_241, %dma_wait3A_244] : memref<204800x128xf32, #tpu.memory_space<hbm>> -> memref<40x128xf32, #tpu.memory_space<hbm>>
    tpu.wait_dma2 semaphore(%arg39 : memref<!tpu.dma_semaphore, #tpu.memory_space<semaphore_mem>>) src(%arg23 : memref<40x128xf32, #tpu.memory_space<vmem>>) dst(%dma_wait3A_245 : memref<40x128xf32, #tpu.memory_space<hbm>>)
    return
  }
}

</mosaic_0001>

<sc_bundles>
// kernel: kernel.3.cloned.1.call-start
scs
__scs_entry_jumppad:
0x0: {  	(pc) =	sbr.rel $0x88, $3  }
0x1: {  	(tag) =	ssettag $0x0;
	lr =	simm.s32 $0x1  }
0x2: {  	[smem:$0x3F9E] =	sst lr;
	_ =	strace $0xD0000000  }
0x3: {  	_ = 	snop  }
0x4: {  	_ = 	snop  }
0x5: {  	_ = 	snop  }
0x6: {  	_ = 	snop  }
0x7: {  	_ = 	snop  }
__scs_overlays_trampoline_lowered:
0x8: {  	[smem:$0x3FAD] =	sst s0  }
0x9: {  	[smem:$0x3FAE] =	sst s1  }
0xa: {  	[smem:$0x3FAF] =	sst s2  }
0xb: {  	[smem:$0x3FB0] =	sst s3  }
0xc: {  	[smem:$0x3FB1] =	sst s4  }
0xd: {  	[smem:$0x3FB2] =	sst s5  }
0xe: {  	[smem:$0x3FB3] =	sst s6  }
0xf: {  	[smem:$0x3FB4] =	sst s7  }
0x10: {  	[smem:$0x3FB5] =	sst s8  }
0x11: {  	[smem:$0x3FB6] =	sst s9;
	s0 =	simm.s32 @!p0 $0x0  }
0x12: {  	s1 =	sld [smem:$0x3F9C];
	s0 =	simm.s32 @p0 $0x1  }
0x13: {  	[smem:$0x3FB7] =	sst s0;
	s0 =	simm.s32 @!p1 $0x0  }
0x14: {  	s2 =	sld [smem:$0x3F9B];
	s0 =	simm.s32 @p1 $0x1  }
0x15: {  	[smem:$0x3FB8] =	sst s0;
	s0 =	simm.s32 @!p2 $0x0  }
0x16: {  	s3 =	sld [smem:$0x3FDB];
	s0 =	simm.s32 @p2 $0x1  }
0x17: {  	s4 =	simm.s32 $0x1BF5;
	[smem:$0x3FBA] =	sst s0  }
0x18: {  	s0 =	sld [smem:$0x3F9D];
	_ =	swait.ge [sflag:s4], $0x0  }
0x19: {  	s7 =	sld [smem:$0x3F9E]  }
0x1a: {  	s8 =	sadd.s32 $0xFFFFE003, lr  }
0x1b: {  	s9 =	sadd.s32 $0xFFFFFEF7, lr;
	s5 =	simm.s32 $0xFFFFFFFF;
	p2 =	slt.u32 s8, $0xFFFFF086  }
0x1c: {  	p1 =	slt.u32 s9, $0xF7A;
	s5 =	simm.s32 @!p2 $0x0  }
0x1d: {  	s5 =	simm.s32 @p1 $0x1;
	p0 =	seq.s32 s7, s2  }
0x1e: {  	s7 =	smul.u32 @!p0 $0xF7A, s2;
	p2 =	seq.s32 @!p0 s5, $0x0  }
0x1f: {  	s9 =	smul.u32 $0xF7A, s1;
	s8 =	simm.s32 @!p0 $0x1BF5;
	p2 =	por !p2, p0  }
0x20: {  	[sflag:s8] =	ssyncset.s32 @!p0 $0xFFFFF086;
	s6 =	sadd.s32 @!p0 s3, s7;
	s7 =	simm.s32 @!p0 $0x108  }
0x21: {  	s3 =	sadd.s32 s3, s9;
	s6 =	sadd.s32 @!p0 $0x88, s6;
	s7 =	simm.s32 @p2 $0x1082  }
0x22: {  	[simem:s7], [sflag:s8] =	dma.local @!p0 [hbm:s6], $0xF7A  }
0x23: {  	s9 =	sor.u32 $0xD0000000, s2;
	s6 =	simm.s32 $0x108;
	_ =	swait.ge @!p0 [sflag:s8], $0x0  }
0x24: {  	s3 =	sadd.s32 $0x88, s3;
	s6 =	simm.s32 @!p1 $0x1082;
	[sflag:s4] =	ssyncset.s32 $0xFFFFF086  }
0x25: {  	[simem:s6], [sflag:s4] =	dma.local [hbm:s3], $0xF7A  }
0x26: {  	[smem:$0x3F9E] =	sst s1;
	(tag) =	ssettag s2;
	_ =	strace s9  }
0x27: {  	s1 =	sld [smem:$0x3FAE]  }
0x28: {  	s2 =	sld [smem:$0x3FAF]  }
0x29: {  	s4 =	sld [smem:$0x3FB1]  }
0x2a: {  	p0 =	seq.s32 s5, $0x0;
	s5 =	sld [smem:$0x3FB2]  }
0x2b: {  	s6 =	sld [smem:$0x3FB3]  }
0x2c: {  	s7 =	sld [smem:$0x3FB4]  }
0x2d: {  	s3 =	simm.s32 $0x108;
	s8 =	sld [smem:$0x3FB5]  }
0x2e: {  	s3 =	simm.s32 @!p0 $0x1082;
	s9 =	sld [smem:$0x3FB6]  }
0x2f: {  	lr =	sadd.s32 s0, s3;
	s0 =	sld [smem:$0x3FAD]  }
0x30: {  	s3 =	sld [smem:$0x3FB0]  }
0x31: {  	[smem:$0x3FB9] =	sst s10  }
0x32: {  	s10 =	sld [smem:$0x3FB7];
	_ =	sdelay $0x3  }
0x33: {  	p0 =	seq.s32 s10, $0x1;
	s10 =	sld [smem:$0x3FB9];
	_ =	sdelay $0x3  }
0x34: {  	[smem:$0x3FB9] =	sst s10  }
0x35: {  	s10 =	sld [smem:$0x3FB8];
	_ =	sdelay $0x3  }
0x36: {  	p1 =	seq.s32 s10, $0x1;
	s10 =	sld [smem:$0x3FB9];
	_ =	sdelay $0x3  }
0x37: {  	[smem:$0x3FB9] =	sst s10  }
0x38: {  	s10 =	sld [smem:$0x3FBA]  }
0x39: {  	_ = 	snop;
	(pc) =	sbr.ind lr, $3  }
0x3a: {  	_ = 	snop  }
0x3b: {  	_ = 	snop  }
0x3c: {  	p2 =	seq.s32 s10, $0x1;
	s10 =	sld [smem:$0x3FB9]  }
0x3d: {  	_ =	shalt  }
0x3e: {  	_ =	shalt  }
0x3f: {  	_ =	shalt  }
0x40: {  	_ =	shalt  }
0x41: {  	_ =	shalt  }
0x42: {  	_ =	shalt  }
0x43: {  	_ =	shalt  }
0x44: {  	_ =	shalt  }
0x45: {  	_ =	shalt  }
0x46: {  	_ =	shalt  }
0x47: {  	_ =	shalt  }
0x48: {  	_ =	shalt  }
0x49: {  	_ =	shalt  }
0x4a: {  	_ =	shalt  }
0x4b: {  	_ =	shalt  }
0x4c: {  	_ =	shalt  }
0x4d: {  	_ =	shalt  }
0x4e: {  	_ =	shalt  }
0x4f: {  	_ =	shalt  }
0x50: {  	_ =	shalt  }
0x51: {  	_ =	shalt  }
0x52: {  	_ =	shalt  }
0x53: {  	_ =	shalt  }
0x54: {  	_ =	shalt  }
0x55: {  	_ =	shalt  }
0x56: {  	_ =	shalt  }
0x57: {  	_ =	shalt  }
0x58: {  	_ =	shalt  }
0x59: {  	_ =	shalt  }
0x5a: {  	_ =	shalt  }
0x5b: {  	_ =	shalt  }
0x5c: {  	_ =	shalt  }
0x5d: {  	_ =	shalt  }
0x5e: {  	_ =	shalt  }
0x5f: {  	_ =	shalt  }
0x60: {  	_ =	shalt  }
0x61: {  	_ =	shalt  }
0x62: {  	_ =	shalt  }
0x63: {  	_ =	shalt  }
0x64: {  	_ =	shalt  }
0x65: {  	_ =	shalt  }
0x66: {  	_ =	shalt  }
0x67: {  	_ =	shalt  }
0x68: {  	_ =	shalt  }
0x69: {  	_ =	shalt  }
0x6a: {  	_ =	shalt  }
0x6b: {  	_ =	shalt  }
0x6c: {  	_ =	shalt  }
0x6d: {  	_ =	shalt  }
0x6e: {  	_ =	shalt  }
0x6f: {  	_ =	shalt  }
0x70: {  	_ =	shalt  }
0x71: {  	_ =	shalt  }
0x72: {  	_ =	shalt  }
0x73: {  	_ =	shalt  }
0x74: {  	_ =	shalt  }
0x75: {  	_ =	shalt  }
0x76: {  	_ =	shalt  }
0x77: {  	_ =	shalt  }
0x78: {  	_ =	shalt  }
0x79: {  	_ =	shalt  }
0x7a: {  	_ =	shalt  }
0x7b: {  	_ =	shalt  }
0x7c: {  	_ =	shalt  }
0x7d: {  	_ =	shalt  }
0x7e: {  	_ =	shalt  }
0x7f: {  	_ =	shalt  }
0x80: {  	_ =	shalt  }
0x81: {  	_ =	shalt  }
0x82: {  	_ =	shalt  }
0x83: {  	_ =	shalt  }
0x84: {  	_ =	shalt  }
0x85: {  	_ =	shalt  }
0x86: {  	_ =	shalt  }
0x87: {  	_ =	shalt  }
.Lfunc_end0:
.L_simem_size_0:
called_computation_lowered:
.L_overlay_start_0:
0x88: {  	s2 =	sld [smem:$0x3FD9]  }
0x89: {  	s3 =	sld [smem:$0x3FFE];
	_ =	sdelay $0x1  }
0x8a: {  	s1 =	srdreg.scid  }
0x8b: {  	s0 =	sand.u32 $0x1, s1  }
0x8c: {  	s17 =	sshll.u32 s0, $0xA;
	s2 =	sadd.s32 s3, s2  }
0x8d: {  	s2 =	sadd.s32 s2, s17  }
0x8e: {  	[smem:$0x3FC5] =	sst s2  }
0x8f: {  	_ = 	snop  }
0x90: {  	s2 =	sld [smem:$0x3FC8]  }
0x91: {  	s18 =	sld [smem:$0x3FC7]  }
0x92: {  	s4 =	sld [smem:$0x3FD0];
	(tm) =	ssettm $0x1  }
0x93: {  	s5 =	sld [smem:$0x3FFB];
	_ =	sdelay $0x3  }
0x94: {  	_ =	strace s5  }
0x95: {  	s5 =	sld [smem:$0x3FFC];
	_ =	sdelay $0x3  }
0x96: {  	_ =	strace s5  }
0x97: {  	s5 =	sld [smem:$0x3FFD];
	_ =	sdelay $0x3  }
0x98: {  	_ =	strace s5  }
0x99: {  	_ =	strace $0x8FFFFFFF  }
0x9a: {  	s19 =	sld [smem:$0x3FDB];
	_ =	sdelay $0x1  }
0x9b: {  	s6 =	simm.s32 $_scs_section_size  }
0x9c: {  	s7 =	simm.s32 $_size__tile_overlayer_lowered;
	s8 =	simm.s32 $_tile_overlayer_lowered  }
0x9d: {  	s22 =	simm.s32 $0x1BFF;
	s21 =	sshll.u32 s8, $0x1;
	s5 =	sadd.s32 s6, s19  }
0x9e: {  	s9 =	simm.s32 $0x0;
	s20 =	sshll.u32 s7, $0x1;
	s7 =	sadd.s32 s21, s5  }
0x9f: {  	[timem:s9], [sflag:s22] =	dma.local [hbm:s7], s20  }
0xa0: {  	_ =	swait.ge [sflag:s22], s20  }
0xa1: {  	s6 =	ssub.s32 $0x0, s20;
	[sflag:s22] =	ssyncset.done $0x0  }
0xa2: {  	[sflag:s22] =	ssyncadd.s32 s6;
	_ =	sdelay $0x1  }
0xa3: {  	s23 =	simm.s32 $0x1B8B  }
0xa4: {  	_ =	swait.ge [sflag:s23], $0x1  }
0xa5: {  	[sflag:s23] =	ssyncset.done $0x0  }
0xa6: {  	s25 =	simm.s32 $0x1B8E;
	s24 =	sld [smem:$0x3FFE];
	[sflag:s23] =	ssyncadd.s32 $0xFFFFFFFF  }
0xa7: {  	s26 =	simm.s32 $execute0_lowered;
	[smem:$0x3FD2] =	sst s25  }
0xa8: {  	s7 =	sshll.u32 s26, $0x1;
	_ =	strace $0x80000046;
	[dreg:$0x1] =	wrdreg $0xFFFFFFFF  }
0xa9: {  	s28 =	simm.s32 $_size_execute0_lowered;
	s5 =	sadd.s32 s5, s7;
	[dreg:$0x0] =	wrdreg $0x0  }
0xaa: {  	s7 =	sshll.u32 s28, $0x1;
	[dreg:$0x2] =	wrdreg s5  }
0xab: {  	[dreg:$0x3] =	wrdreg s7  }
0xac: {  	[dreg:$0x4] =	wrdreg $0xC0  }
0xad: {  	_ =	task [dreg:s9], $0x5FFFF  }
0xae: {  	[dreg:$0x1] =	wrdreg $0xFFFFFFFF  }
0xaf: {  	[dreg:$0x0] =	wrdreg $0x60  }
0xb0: {  	[dreg:$0x2] =	wrdreg s24  }
0xb1: {  	[dreg:$0x3] =	wrdreg s2  }
0xb2: {  	[dreg:$0x4] =	wrdreg s18  }
0xb3: {  	[dreg:$0x5] =	wrdreg s4  }
0xb4: {  	[dreg:$0x6] =	wrdreg $0x9  }
0xb5: {  	_ =	task.clear_ibuf [dreg:s9], $0x7FFFF;
	_ =	strace $0x90000046  }
0xb6: {  	s29 =	simm.s32 $0x9;
	_ =	strace $0x80000048  }
0xb7: {  	_ =	swait.ge [sflag:s29], $0x1  }
0xb8: {  	[sflag:s29] =	ssyncadd.s32 $0xFFFFFFFF  }
0xb9: {  	_ =	strace $0x90000048  }
0xba: {  	_ =	sfence  }
0xbb: {  	s30 =	sld [smem:$0x0];
	_ =	sdelay $0x2  }
0xbc: {  	s31 =	sshll.u32 s1, $0xD;
	s1 =	sshrl.u32 s1, $0x2  }
0xbd: {  	s3 =	sand.u32 $0x4000, s31;
	s1 =	sadd.s32 s1, s30  }
0xbe: {  	s0 =	sor.u32 s3, s0;
	s1 =	sshll.u32 s1, $0x11  }
0xbf: {  	s0 =	sor.u32 s1, s0  }
0xc0: {  	s0 =	sadd.s32 $0x8F2B, s0  }
0xc1: {  	[sflag:s0] =	ssyncadd.remote.s32 $0x1  }
0xc2: {  	_ =	sfence.sel $0xFFFF  }
0xc3: {  	[dreg:$0x0] =	wrdreg $0xFFFFFFFF;
	(pc) =	sbr.abs _section_cstart, $3  }
0xc4: {  	[dreg:$0x1] =	wrdreg $0xFFFFFFFF  }
0xc5: {  	_ =	task.clear_ibuf [dreg:s9], $0x2FFFF;
	_ =	strace $0x9FFFFFFF  }
0xc6: {  	(tm) =	ssettm $0x7FFFFFFF  }
0xc7: {  	_ =	shalt  }
tec
execute0_lowered:
.L_overlay_start_1:
0x0: {  	(tag) =	ssettag $0x1  }
0x1: {  	s0 =	rddreg [dreg:$0x0]  }
0x2: {  	s1 =	rddreg [dreg:$0x1];
	s2 =	srdreg.scid  }
0x3: {  	s3 =	stileid.u32;
	s4 =	rddreg [dreg:$0x3];
	s5 =	simm.s32 $0x0  }
0x4: {  	s31 =	simm.s32 $0x1;
	s18 =	simm.s32 $0x5;
	s19 =	simm.s32 $0x6  }
0x5: {  	s20 =	simm.s32 $0x7;
	s21 =	simm.s32 $0x8;
	s23 =	simm.s32 $0x1B800  }
0x6: {  	s24 =	simm.s32 $0x1CC00;
	s2 =	sand.u32 $0x1, s2;
	s3 =	sshll.u32 s3, $0x1  }
0x7: {  	s25 =	simm.s32 $0x1E000;
	s12 =	simm.s32 $0x0;
	s3 =	sor.u32 s2, s3  }
0x8: {  	[smem:$0x7FF] =	sst s5;
	s2 =	ssub.s32 $0x2, s2;
	s7 =	smul.u32 $0xA00, s3  }
0x9: {  	_ =	strace $0x80000047;
	s8 =	sshrl.u32 s2, $0x1;
	s6 =	smul.u32 $0x1900, s3  }
0xa: {  	s3 =	simm.s32 $0x4;
	s2 =	ssub.s32 s2, s8;
	s0 =	sadd.s32 s7, s0  }
0xb: {  	s8 =	sor.u32 $0xC8, s6;
	s9 =	sadd.s32 $0x190, s6;
	s30 =	smax.u32 s2, $0x1  }
0xc: {  	s10 =	sadd.s32 $0x258, s6;
	s0 =	sadd.s32 $0x400, s0;
	[dreg:$0x6] =	wrdreg s30  }
0xd: {  	s2 =	simm.s32 $0x2;
	[dreg:$0x5] =	wrdreg s0;
	s0 =	simm.s32 $0x3  }
.LBB2_1:
0xe: {  	[dreg:$0x7] =	wrdreg s12  }
0xf: {  	s7 =	rddreg [dreg:$0x5];
	s11 =	simm.s32 $0x11  }
0x10: {  	[tilespmem:s5], [sflag:$0x11] =	stream.linear.gather [hbm4b:s7+s5], $0x5000, $0x38;
	[tilespmem:$0x1F400] =	vst v63  }
0x11: {  	_ =	swait.ge [sflag:s11], $0x5000  }
0x12: {  	[sflag:s11] =	ssyncset.done $0x0  }
0x13: {  	s13 =	simm.s32 $0xB400;
	s7 =	simm.s32 $0x28;
	[sflag:s11] =	ssyncadd.s32 $0xFFFFB000  }
0x14: {  	[tilespmem:s13], [sflag:$0x1] =	stream.indirect.gather [hbm4b:s1+s7], $0x80, s5, s7, $0xb8;
	[tilespmem:$0x1F400] =	vst v63  }
0x15: {  	s14 =	simm.s32 $0x280;
	s13 =	simm.s32 $0xC800  }
0x16: {  	[tilespmem:s13], [sflag:$0x2] =	stream.indirect.gather [hbm4b:s1+s7], $0x80, s14, s7, $0xb8;
	[tilespmem:$0x1F400] =	vst v63  }
0x17: {  	s15 =	simm.s32 $0x500;
	s16 =	simm.s32 $0xDC00  }
0x18: {  	[tilespmem:s16], [sflag:$0x3] =	stream.indirect.gather [hbm4b:s1+s7], $0x80, s15, s7, $0xb8;
	[tilespmem:$0x1F400] =	vst v63  }
0x19: {  	s17 =	simm.s32 $0x780;
	s22 =	simm.s32 $0xF000  }
0x1a: {  	[tilespmem:s22], [sflag:$0x4] =	stream.indirect.gather [hbm4b:s1+s7], $0x80, s17, s7, $0xb8;
	[tilespmem:$0x1F400] =	vst v63  }
0x1b: {  	s26 =	simm.s32 $0x80;
	s29 =	simm.s32 $0x10400  }
0x1c: {  	[tilespmem:s29], [sflag:$0x5] =	stream.indirect.gather [hbm4b:s1+s7], $0x80, s26, s7, $0xb8;
	[tilespmem:$0x1F400] =	vst v63  }
0x1d: {  	s13 =	simm.s32 $0x300;
	s14 =	simm.s32 $0x11800  }
0x1e: {  	[tilespmem:s14], [sflag:$0x6] =	stream.indirect.gather [hbm4b:s1+s7], $0x80, s13, s7, $0xb8;
	[tilespmem:$0x1F400] =	vst v63  }
0x1f: {  	s15 =	simm.s32 $0x580;
	s16 =	simm.s32 $0x12C00  }
0x20: {  	[tilespmem:s16], [sflag:$0x7] =	stream.indirect.gather [hbm4b:s1+s7], $0x80, s15, s7, $0xb8;
	[tilespmem:$0x1F400] =	vst v63  }
0x21: {  	s17 =	simm.s32 $0x800;
	s22 =	simm.s32 $0x14000  }
0x22: {  	[tilespmem:s22], [sflag:$0x8] =	stream.indirect.gather [hbm4b:s1+s7], $0x80, s17, s7, $0xb8;
	[tilespmem:$0x1F400] =	vst v63  }
0x23: {  	s26 =	rddreg [dreg:$0x2];
	s29 =	simm.s32 $0x5000  }
0x24: {  	[tilespmem:s29], [sflag:$0x11] =	stream.linear.gather [hbm4b:s26+s5], $0x6400, $0x38;
	[tilespmem:$0x1F400] =	vst v63  }
0x25: {  	s30 =	simm.s32 $0x6470;
	_ =	swait.ge [sflag:s11], $0x6400  }
0x26: {  	s28 =	simm.s32 $0x0;
	s7 =	simm.s32 $0x1;
	[sflag:s11] =	ssyncset.done $0x0  }
0x27: {  	s26 =	simm.s32 $0x0;
	[sflag:s11] =	ssyncadd.s32 $0xFFFF9C00;
	s11 =	simm.s32 $0x0  }
.LBB2_2:
0x28: {  	_ =	swait.ge [sflag:s31], $0x1400  }
0x29: {  	[sflag:s31] =	ssyncset.done $0x0  }
0x2a: {  	[sflag:s31] =	ssyncadd.s32 $0xFFFFEC00  }
0x2b: {  	_ =	swait.ge [sflag:s2], $0x1400  }
0x2c: {  	[sflag:s2] =	ssyncset.done $0x0  }
0x2d: {  	[sflag:s2] =	ssyncadd.s32 $0xFFFFEC00  }
0x2e: {  	_ =	swait.ge [sflag:s0], $0x1400  }
0x2f: {  	[sflag:s0] =	ssyncset.done $0x0  }
0x30: {  	[sflag:s0] =	ssyncadd.s32 $0xFFFFEC00  }
0x31: {  	s12 =	sand.u32 $0xFF, s11;
	_ =	swait.ge [sflag:s3], $0x1400  }
0x32: {  	p1 =	seq.s32 s28, $0x0;
	s12 =	smul.u32 $0xCD, s12;
	[sflag:s3] =	ssyncset.done $0x0  }
0x33: {  	s13 =	simm.s32 @!p1 $0x9;
	[sflag:s3] =	ssyncadd.s32 $0xFFFFEC00  }
0x34: {  	s12 =	sshrl.u32 s12, $0xA;
	_ =	swait.ge @!p1 [sflag:s13], $0x1400  }
0x35: {  	s12 =	smul.u32 $0x38, s12;
	[sflag:s13] =	ssyncset.done @!p1 $0x0  }
0x36: {  	[sflag:s13] =	ssyncadd.s32 @!p1 $0xFFFFEC00;
	s13 =	simm.s32 @!p1 $0xA  }
0x37: {  	s12 =	sadd.s32 s12, s26;
	_ =	swait.ge @!p1 [sflag:s13], $0x1400  }
0x38: {  	s12 =	sand.u32 $0xFF, s12;
	[sflag:s13] =	ssyncset.done @!p1 $0x0  }
0x39: {  	s12 =	sshll.u32 s12, $0x7;
	[sflag:s13] =	ssyncadd.s32 @!p1 $0xFFFFEC00;
	s13 =	simm.s32 @!p1 $0xB  }
0x3a: {  	s12 =	sadd.s32 $0x5000, s12;
	_ =	swait.ge @!p1 [sflag:s13], $0x1400  }
0x3b: {  	v0 =	vmov s12;
	[sflag:s13] =	ssyncset.done @!p1 $0x0  }
0x3c: {  	s12 =	simm.s32 @!p1 $0xC;
	[sflag:s13] =	ssyncadd.s32 @!p1 $0xFFFFEC00  }
0x3d: {  	_ =	swait.ge @!p1 [sflag:s12], $0x1400  }
0x3e: {  	[sflag:s12] =	ssyncset.done @!p1 $0x0  }
0x3f: {  	s13 =	simm.s32 $0x0;
	[sflag:s12] =	ssyncadd.s32 @!p1 $0xFFFFEC00  }
0x40: {  	v1 =	vld.idx.msk [tilespmem:v0+s13+$0x0 ss:$0x1], $0xffff  }
0x41: {  	v2 =	vld [tilespmem:s13+$0xB400]  }
0x42: {  	v3 =	vld [tilespmem:s13+$0xC800]  }
0x43: {  	v4 =	vld [tilespmem:s13+$0xDC00]  }
0x44: {  	v5 =	vld [tilespmem:s13+$0xF000];
	_ =	sdelay $0x1  }
0x45: {  	v2 =	vmul.f32 $1.131370830e+01, v2  }
0x46: {  	v3 =	vmul.f32 $1.131370830e+01, v3  }
0x47: {  	v4 =	vmul.f32 $1.131370830e+01, v4;
	v2 =	vadd.f32 v2, v1  }
0x48: {  	v5 =	vmul.f32 $1.131370830e+01, v5;
	v3 =	vadd.f32 v3, v1  }
0x49: {  	[tilespmem:s13+$0x15400] =	vst v2;
	v2 =	vadd.f32 v4, v1  }
0x4a: {  	[tilespmem:s13+$0x16800] =	vst v3;
	v1 =	vadd.f32 v5, v1;
	v4 =	vld [tilespmem:s13+$0xDC10]  }
0x4b: {  	[tilespmem:s13+$0x17C00] =	vst v2;
	v2 =	vld [tilespmem:s13+$0xB410]  }
0x4c: {  	[tilespmem:s13+$0x19000] =	vst v1;
	v1 =	vld [tilespmem:s13+$0xC810]  }
0x4d: {  	v3 =	vld.idx.msk [tilespmem:v0+s13+$0x10 ss:$0x1], $0xffff  }
0x4e: {  	v5 =	vld [tilespmem:s13+$0xF010];
	_ =	sdelay $0x1  }
0x4f: {  	v2 =	vmul.f32 $1.131370830e+01, v2  }
0x50: {  	v1 =	vmul.f32 $1.131370830e+01, v1  }
0x51: {  	v4 =	vmul.f32 $1.131370830e+01, v4;
	v2 =	vadd.f32 v2, v3  }
0x52: {  	v5 =	vmul.f32 $1.131370830e+01, v5;
	v1 =	vadd.f32 v1, v3  }
0x53: {  	[tilespmem:s13+$0x15410] =	vst v2;
	v2 =	vadd.f32 v4, v3  }
0x54: {  	[tilespmem:s13+$0x16810] =	vst v1;
	v1 =	vadd.f32 v5, v3  }
0x55: {  	[tilespmem:s13+$0x17C10] =	vst v2;
	v2 =	vld [tilespmem:s13+$0xB420]  }
0x56: {  	v4 =	vld [tilespmem:s13+$0xDC20];
	[tilespmem:s13+$0x19010] =	vst v1  }
0x57: {  	v3 =	vld.idx.msk [tilespmem:v0+s13+$0x20 ss:$0x1], $0xffff  }
0x58: {  	v1 =	vld [tilespmem:s13+$0xC820]  }
0x59: {  	v5 =	vld [tilespmem:s13+$0xF020]  }
0x5a: {  	v2 =	vmul.f32 $1.131370830e+01, v2;
	_ =	sdelay $0x1  }
0x5b: {  	v4 =	vmul.f32 $1.131370830e+01, v4;
	v2 =	vadd.f32 v2, v3  }
0x5c: {  	v1 =	vmul.f32 $1.131370830e+01, v1  }
0x5d: {  	v4 =	vadd.f32 v4, v3;
	[tilespmem:s13+$0x15420] =	vst v2;
	v2 =	vmul.f32 $1.131370830e+01, v5  }
0x5e: {  	v1 =	vadd.f32 v1, v3  }
0x5f: {  	v6 =	vld [tilespmem:s13+$0xB470];
	[tilespmem:s13+$0x17C20] =	vst v4;
	v2 =	vadd.f32 v2, v3  }
0x60: {  	[tilespmem:s13+$0x16820] =	vst v1;
	v1 =	vld [tilespmem:s13+$0xB430]  }
0x61: {  	v3 =	vld [tilespmem:s13+$0xC830];
	[tilespmem:s13+$0x19020] =	vst v2  }
0x62: {  	v2 =	vld.idx.msk [tilespmem:v0+s13+$0x30 ss:$0x1], $0xffff  }
0x63: {  	v4 =	vld [tilespmem:s13+$0xDC30]  }
0x64: {  	v9 =	vld [tilespmem:s13+$0xC870]  }
0x65: {  	s29 =	simm.s32 $0x80;
	v5 =	vld [tilespmem:s13+$0xF030];
	v1 =	vmul.f32 $1.131370830e+01, v1  }
0x66: {  	v8 =	vld [tilespmem:s29+$0xB400]  }
0x67: {  	v12 =	vld [tilespmem:s29+$0xDC00];
	v3 =	vmul.f32 $1.131370830e+01, v3;
	v1 =	vadd.f32 v1, v2  }
0x68: {  	v7 =	vld.idx.msk [tilespmem:v0+s29+$0x0 ss:$0x1], $0xffff;
	v4 =	vmul.f32 $1.131370830e+01, v4  }
0x69: {  	v3 =	vadd.f32 v3, v2;
	[tilespmem:s13+$0x15430] =	vst v1;
	v1 =	vld [tilespmem:s29+$0xF000]  }
0x6a: {  	v10 =	vld [tilespmem:s29+$0xC800];
	v5 =	vmul.f32 $1.131370830e+01, v5;
	v4 =	vadd.f32 v4, v2  }
0x6b: {  	v11 =	vld [tilespmem:s13+$0xDC70];
	[tilespmem:s13+$0x16830] =	vst v3;
	v3 =	vmul.f32 $1.131370830e+01, v8  }
0x6c: {  	v2 =	vadd.f32 v5, v2;
	v5 =	vld [tilespmem:s13+$0xC840];
	[tilespmem:s13+$0x17C30] =	vst v4;
	v4 =	vmul.f32 $1.131370830e+01, v12  }
0x6d: {  	v8 =	vld [tilespmem:s13+$0xB440];
	v3 =	vadd.f32 v3, v7  }
0x6e: {  	[tilespmem:s13+$0x19030] =	vst v2;
	v2 =	vadd.f32 v4, v7;
	v4 =	vld [tilespmem:s13+$0xDC40];
	v1 =	vmul.f32 $1.131370830e+01, v1  }
0x6f: {  	v10 =	vmul.f32 $1.131370830e+01, v10;
	[tilespmem:s29+$0x15400] =	vst v3;
	v3 =	vld.idx.msk [tilespmem:v0+s13+$0x40 ss:$0x1], $0xffff  }
0x70: {  	s12 =	sshll.u32 s28, $0x1;
	[tilespmem:s29+$0x17C00] =	vst v2;
	v2 =	vld [tilespmem:s29+$0xB410];
	v1 =	vadd.f32 v1, v7  }
0x71: {  	s14 =	smul.u32 $0xCD, s12;
	v10 =	vadd.f32 v10, v7;
	v7 =	vld [tilespmem:s13+$0xF040]  }
0x72: {  	v8 =	vmul.f32 $1.131370830e+01, v8;
	[tilespmem:s29+$0x19000] =	vst v1;
	v1 =	vmul.f32 $1.131370830e+01, v5;
	v5 =	vld [tilespmem:s29+$0xC810]  }
0x73: {  	s14 =	sshrl.u32 s14, $0xA;
	[tilespmem:s29+$0x16800] =	vst v10;
	v12 =	vld [tilespmem:s29+$0xDC10];
	v4 =	vmul.f32 $1.131370830e+01, v4  }
0x74: {  	s15 =	smulhi.u32 $0xCCCCCCCD, s7;
	s14 =	sand.u32 $0x3F, s14;
	v8 =	vadd.f32 v8, v3;
	v10 =	vld.idx.msk [tilespmem:v0+s29+$0x10 ss:$0x1], $0xffff  }
0x75: {  	v13 =	vld [tilespmem:s29+$0xF010];
	s14 =	smul.u32 $0x5, s14;
	v14 =	vadd.f32 v4, v3  }
0x76: {  	s15 =	sshrl.u32 s15, $0x2;
	v4 =	vld [tilespmem:s29+$0xB470];
	[tilespmem:s13+$0x15440] =	vst v8;
	v8 =	vmul.f32 $1.131370830e+01, v7  }
0x77: {  	s15 =	smul.u32 $0xFFFE7000, s15;
	s14 =	ssub.s32 s12, s14;
	v15 =	vmul.f32 $1.131370830e+01, v2;
	v1 =	vadd.f32 v1, v3;
	[tilespmem:s13+$0x17C40] =	vst v14;
	v14 =	vmul.f32 $1.131370830e+01, v5;
	v5 =	vld [tilespmem:s29+$0xC870]  }
0x78: {  	s16 =	smul.u32 $0x28, s14;
	v2 =	vmul.f32 $1.131370830e+01, v6;
	v7 =	vld [tilespmem:s13+$0xB450];
	v16 =	vadd.f32 v8, v3  }
0x79: {  	s22 =	sshra.s32 s15, $0x2;
	[tilespmem:s13+$0x16840] =	vst v1;
	v1 =	vmul.f32 $1.131370830e+01, v11;
	v11 =	vmul.f32 $1.131370830e+01, v12;
	v8 =	vld [tilespmem:s13+$0xC850];
	v6 =	vadd.f32 v15, v10  }
0x7a: {  	v13 =	vmul.f32 $1.131370830e+01, v13;
	s14 =	sadd.s32 s22, s30;
	s15 =	sand.u32 $0xF8, s16;
	s16 =	simm.s32 $0x400;
	v3 =	vmul.f32 $1.131370830e+01, v9;
	v9 =	vld [tilespmem:s13+$0xDC50];
	[tilespmem:s13+$0x19040] =	vst v16;
	v12 =	vadd.f32 v14, v10  }
.LBB2_3:
0x7b: {  	p0 =	sne.s32 s16, $0x4E00;
	[tilespmem:s29+$0x15410] =	vst v6;
	v11 =	vadd.f32 v11, v10;
	v6 =	vmul.f32 $1.131370830e+01, v4;
	v14 =	vld.idx.msk [tilespmem:v0+s13+$0x50 ss:$0x1], $0xffff  }
0x7c: {  	[tilespmem:s29+$0x16810] =	vst v12;
	v10 =	vadd.f32 v13, v10;
	v4 =	vmul.f32 $1.131370830e+01, v5;
	v5 =	vld [tilespmem:s13+$0xF050]  }
0x7d: {  	[tilespmem:s29+$0x17C10] =	vst v11;
	v11 =	vld [tilespmem:s29+$0xB420]  }
0x7e: {  	[tilespmem:s29+$0x19010] =	vst v10;
	v10 =	vld [tilespmem:s29+$0xC820]  }
0x7f: {  	v7 =	vmul.f32 $1.131370830e+01, v7;
	v12 =	vld.idx.msk [tilespmem:v0+s29+$0x20 ss:$0x1], $0xffff  }
0x80: {  	v8 =	vmul.f32 $1.131370830e+01, v8;
	v13 =	vld [tilespmem:s29+$0xDC20]  }
0x81: {  	v9 =	vmul.f32 $1.131370830e+01, v9;
	v7 =	vadd.f32 v7, v14;
	v15 =	vld [tilespmem:s29+$0xF020]  }
0x82: {  	v8 =	vadd.f32 v8, v14;
	v5 =	vmul.f32 $1.131370830e+01, v5;
	v16 =	vld [tilespmem:s29+$0xDC70]  }
0x83: {  	v11 =	vmul.f32 $1.131370830e+01, v11;
	[tilespmem:s13+$0x15450] =	vst v7;
	v7 =	vadd.f32 v9, v14;
	v9 =	vld [tilespmem:s13+$0xB460]  }
0x84: {  	v10 =	vmul.f32 $1.131370830e+01, v10;
	v5 =	vadd.f32 v5, v14;
	[tilespmem:s13+$0x16850] =	vst v8;
	v8 =	vld [tilespmem:s13+$0xC860]  }
0x85: {  	v11 =	vadd.f32 v11, v12;
	v13 =	vmul.f32 $1.131370830e+01, v13;
	[tilespmem:s13+$0x17C50] =	vst v7;
	v7 =	vld [tilespmem:s13+$0xDC60]  }
0x86: {  	v10 =	vadd.f32 v10, v12;
	v14 =	vmul.f32 $1.131370830e+01, v15;
	[tilespmem:s13+$0x19050] =	vst v5;
	v5 =	vld [tilespmem:s13+$0xF060]  }
0x87: {  	[tilespmem:s29+$0x15420] =	vst v11;
	v11 =	vadd.f32 v13, v12;
	v13 =	vmul.f32 $1.131370830e+01, v16;
	v15 =	vld.idx.msk [tilespmem:v0+s13+$0x60 ss:$0x1], $0xffff  }
0x88: {  	[tilespmem:s29+$0x16820] =	vst v10;
	v10 =	vadd.f32 v14, v12;
	v12 =	vld [tilespmem:s29+$0xB430]  }
0x89: {  	[tilespmem:s29+$0x17C20] =	vst v11;
	v11 =	vld [tilespmem:s29+$0xC830]  }
0x8a: {  	[tilespmem:s29+$0x19020] =	vst v10;
	v10 =	vld [tilespmem:s29+$0xDC30]  }
0x8b: {  	v9 =	vmul.f32 $1.131370830e+01, v9;
	v14 =	vld.idx.msk [tilespmem:v0+s29+$0x30 ss:$0x1], $0xffff  }
0x8c: {  	s17 =	sshra.s32 s16, $0x2;
	v8 =	vmul.f32 $1.131370830e+01, v8;
	v16 =	vld [tilespmem:s29+$0xF030]  }
0x8d: {  	v7 =	vmul.f32 $1.131370830e+01, v7;
	v9 =	vadd.f32 v9, v15;
	v17 =	vld.idx.msk [tilespmem:v0+s17+$0x0 ss:$0x1], $0xffff  }
0x8e: {  	v5 =	vmul.f32 $1.131370830e+01, v5;
	v8 =	vadd.f32 v8, v15;
	v18 =	vld [tilespmem:s17+$0xB400]  }
0x8f: {  	v7 =	vadd.f32 v7, v15;
	v12 =	vmul.f32 $1.131370830e+01, v12;
	v19 =	vld [tilespmem:s17+$0xC800];
	[tilespmem:s13+$0x15460] =	vst v9  }
0x90: {  	v5 =	vadd.f32 v5, v15;
	v11 =	vmul.f32 $1.131370830e+01, v11;
	v9 =	vld [tilespmem:s17+$0xDC00];
	[tilespmem:s13+$0x16860] =	vst v8  }
0x91: {  	v10 =	vmul.f32 $1.131370830e+01, v10;
	v12 =	vadd.f32 v12, v14;
	v8 =	vld [tilespmem:s17+$0xF000];
	[tilespmem:s13+$0x17C60] =	vst v7  }
0x92: {  	v7 =	vadd.f32 v11, v14;
	v11 =	vmul.f32 $1.131370830e+01, v16;
	[tilespmem:s13+$0x19060] =	vst v5;
	v5 =	vld [tilespmem:s13+$0xF070]  }
0x93: {  	v10 =	vadd.f32 v10, v14;
	v15 =	vmul.f32 $1.131370830e+01, v18;
	[tilespmem:s29+$0x15430] =	vst v12;
	v12 =	vld.idx.msk [tilespmem:v0+s13+$0x70 ss:$0x1], $0xffff  }
0x94: {  	v16 =	vmul.f32 $1.131370830e+01, v19;
	[tilespmem:s29+$0x16830] =	vst v7;
	v7 =	vadd.f32 v11, v14;
	v11 =	vld [tilespmem:s29+$0xB440]  }
0x95: {  	v14 =	vadd.f32 v15, v17;
	v9 =	vmul.f32 $1.131370830e+01, v9;
	[tilespmem:s29+$0x17C30] =	vst v10;
	v15 =	vld [tilespmem:s29+$0xC840]  }
0x96: {  	v10 =	vadd.f32 v16, v17;
	v8 =	vmul.f32 $1.131370830e+01, v8;
	[tilespmem:s29+$0x19030] =	vst v7;
	v7 =	vld [tilespmem:s29+$0xDC40]  }
0x97: {  	[tilespmem:s17+$0x15400] =	vst v14;
	v9 =	vadd.f32 v9, v17;
	v14 =	vld.idx.msk [tilespmem:v0+s29+$0x40 ss:$0x1], $0xffff;
	v5 =	vmul.f32 $1.131370830e+01, v5  }
0x98: {  	[tilespmem:s17+$0x16800] =	vst v10;
	v8 =	vadd.f32 v8, v17;
	v16 =	vld [tilespmem:s29+$0xF040]  }
0x99: {  	v17 =	vadd.f32 v2, v12;
	v2 =	vmov v6;
	[tilespmem:s17+$0x17C00] =	vst v9;
	v9 =	vld [tilespmem:s17+$0xB410];
	v5 =	vadd.f32 v5, v12  }
0x9a: {  	[tilespmem:s17+$0x19000] =	vst v8;
	v6 =	vld [tilespmem:s17+$0xC810];
	v8 =	vadd.f32 v3, v12;
	v12 =	vadd.f32 v1, v12;
	v3 =	vmovc v4;
	v1 =	vmov v13  }
0x9b: {  	v4 =	vmul.f32 $1.131370830e+01, v11;
	v10 =	vld.idx.msk [tilespmem:v0+s17+$0x10 ss:$0x1], $0xffff;
	[tilespmem:s13+$0x19070] =	vst v5  }
0x9c: {  	v5 =	vmul.f32 $1.131370830e+01, v15;
	v11 =	vld [tilespmem:s17+$0xDC10];
	[tilespmem:s13+$0x15470] =	vst v17  }
0x9d: {  	v7 =	vmul.f32 $1.131370830e+01, v7;
	v15 =	vadd.f32 v4, v14;
	v13 =	vld [tilespmem:s17+$0xF010];
	[tilespmem:s13+$0x16870] =	vst v8  }
.Ltmp0:
0x9e: {  	v8 =	vadd.f32 v5, v14;
	v16 =	vmul.f32 $1.131370830e+01, v16;
	v4 =	vld [tilespmem:s17+$0xB470];
	[tilespmem:s13+$0x17C70] =	vst v12;
	s13 =	smov.u32 s29;
	s29 =	smov.u32 s17;
	(pc) =	sbr.rel @p0 .LBB2_3-.Ltmp0, $4  }
0x9f: {  	v9 =	vmul.f32 $1.131370830e+01, v9;
	v12 =	vadd.f32 v7, v14;
	v5 =	vld [tilespmem:s29+$0xC870];
	[tilespmem:s13+$0x15440] =	vst v15  }
0xa0: {  	v15 =	vmul.f32 $1.131370830e+01, v6;
	v14 =	vadd.f32 v16, v14;
	[tilespmem:s13+$0x16840] =	vst v8;
	v7 =	vld [tilespmem:s13+$0xB450]  }
0xa1: {  	v6 =	vadd.f32 v9, v10;
	v11 =	vmul.f32 $1.131370830e+01, v11;
	[tilespmem:s13+$0x17C40] =	vst v12;
	v8 =	vld [tilespmem:s13+$0xC850]  }
0xa2: {  	s16 =	sadd.s32 $0x200, s16;
	v12 =	vadd.f32 v15, v10;
	v13 =	vmul.f32 $1.131370830e+01, v13;
	[tilespmem:s13+$0x19040] =	vst v14;
	v9 =	vld [tilespmem:s13+$0xDC50]  }
0xa3: {  	[tilespmem:s29+$0x15410] =	vst v6;
	v6 =	vadd.f32 v11, v10  }
0xa4: {  	[tilespmem:s29+$0x16810] =	vst v12;
	v10 =	vadd.f32 v13, v10;
	v12 =	vld [tilespmem:s29+$0xDC20]  }
0xa5: {  	[tilespmem:s29+$0x17C10] =	vst v6;
	v6 =	vld [tilespmem:s29+$0xB420]  }
0xa6: {  	[tilespmem:s29+$0x19010] =	vst v10;
	v10 =	vld [tilespmem:s29+$0xC820]  }
0xa7: {  	v11 =	vld.idx.msk [tilespmem:v0+s29+$0x20 ss:$0x1], $0xffff  }
0xa8: {  	v13 =	vld [tilespmem:s29+$0xF020];
	_ =	sdelay $0x1  }
0xa9: {  	v6 =	vmul.f32 $1.131370830e+01, v6  }
0xaa: {  	v12 =	vmul.f32 $1.131370830e+01, v12  }
0xab: {  	v10 =	vmul.f32 $1.131370830e+01, v10;
	v14 =	vadd.f32 v6, v11  }
0xac: {  	v13 =	vmul.f32 $1.131370830e+01, v13;
	v12 =	vadd.f32 v12, v11  }
0xad: {  	v10 =	vadd.f32 v10, v11;
	[tilespmem:s29+$0x15420] =	vst v14  }
0xae: {  	v11 =	vadd.f32 v13, v11;
	[tilespmem:s29+$0x17C20] =	vst v12  }
0xaf: {  	[tilespmem:s29+$0x16820] =	vst v10;
	v10 =	vld [tilespmem:s29+$0xB430]  }
0xb0: {  	v12 =	vld [tilespmem:s29+$0xC830];
	[tilespmem:s29+$0x19020] =	vst v11  }
0xb1: {  	v11 =	vld.idx.msk [tilespmem:v0+s29+$0x30 ss:$0x1], $0xffff  }
0xb2: {  	v13 =	vld [tilespmem:s29+$0xDC30]  }
0xb3: {  	v14 =	vld [tilespmem:s29+$0xF030]  }
0xb4: {  	v10 =	vmul.f32 $1.131370830e+01, v10;
	_ =	sdelay $0x1  }
0xb5: {  	v12 =	vmul.f32 $1.131370830e+01, v12;
	v10 =	vadd.f32 v10, v11  }
0xb6: {  	v13 =	vmul.f32 $1.131370830e+01, v13  }
0xb7: {  	v12 =	vadd.f32 v12, v11;
	[tilespmem:s29+$0x15430] =	vst v10;
	v10 =	vmul.f32 $1.131370830e+01, v14  }
0xb8: {  	v13 =	vadd.f32 v13, v11  }
0xb9: {  	[tilespmem:s29+$0x16830] =	vst v12;
	v10 =	vadd.f32 v10, v11  }
0xba: {  	v12 =	vld [tilespmem:s29+$0xB440];
	[tilespmem:s29+$0x17C30] =	vst v13  }
0xbb: {  	[tilespmem:s29+$0x19030] =	vst v10  }
0xbc: {  	v10 =	vld.idx.msk [tilespmem:v0+s29+$0x40 ss:$0x1], $0xffff  }
0xbd: {  	v11 =	vld [tilespmem:s29+$0xC840]  }
0xbe: {  	v13 =	vld [tilespmem:s29+$0xDC40]  }
0xbf: {  	v14 =	vld [tilespmem:s29+$0xF040];
	v12 =	vmul.f32 $1.131370830e+01, v12;
	_ =	sdelay $0x1  }
0xc0: {  	v12 =	vadd.f32 v12, v10  }
0xc1: {  	v11 =	vmul.f32 $1.131370830e+01, v11  }
0xc2: {  	v13 =	vmul.f32 $1.131370830e+01, v13;
	[tilespmem:s29+$0x15440] =	vst v12;
	v12 =	vld.idx.msk [tilespmem:v0+s13+$0x50 ss:$0x1], $0xffff  }
0xc3: {  	v14 =	vmul.f32 $1.131370830e+01, v14;
	v11 =	vadd.f32 v11, v10  }
0xc4: {  	v13 =	vadd.f32 v13, v10  }
0xc5: {  	v7 =	vmul.f32 $1.131370830e+01, v7;
	v10 =	vadd.f32 v14, v10;
	v14 =	vld [tilespmem:s13+$0xF050];
	[tilespmem:s29+$0x16840] =	vst v11  }
0xc6: {  	v8 =	vmul.f32 $1.131370830e+01, v8;
	v11 =	vld [tilespmem:s29+$0xB450];
	[tilespmem:s29+$0x17C40] =	vst v13  }
0xc7: {  	v13 =	vld [tilespmem:s29+$0xC850];
	[tilespmem:s29+$0x19040] =	vst v10;
	v7 =	vadd.f32 v7, v12  }
0xc8: {  	v10 =	vld.idx.msk [tilespmem:v0+s29+$0x50 ss:$0x1], $0xffff;
	v8 =	vadd.f32 v8, v12  }
0xc9: {  	v9 =	vmul.f32 $1.131370830e+01, v9;
	[tilespmem:s13+$0x15450] =	vst v7;
	v7 =	vld [tilespmem:s29+$0xDC50]  }
0xca: {  	v14 =	vmul.f32 $1.131370830e+01, v14;
	[tilespmem:s13+$0x16850] =	vst v8;
	v8 =	vld [tilespmem:s29+$0xF050]  }
0xcb: {  	v9 =	vadd.f32 v9, v12  }
0xcc: {  	v15 =	vld [tilespmem:s13+$0xB460];
	v11 =	vmul.f32 $1.131370830e+01, v11;
	v12 =	vadd.f32 v14, v12  }
0xcd: {  	v16 =	vld [tilespmem:s13+$0xC860];
	v13 =	vmul.f32 $1.131370830e+01, v13;
	[tilespmem:s13+$0x17C50] =	vst v9  }
0xce: {  	v11 =	vadd.f32 v11, v10;
	v9 =	vld [tilespmem:s13+$0xDC60];
	[tilespmem:s13+$0x19050] =	vst v12;
	v7 =	vmul.f32 $1.131370830e+01, v7  }
0xcf: {  	v13 =	vadd.f32 v13, v10;
	v12 =	vld.idx.msk [tilespmem:v0+s13+$0x60 ss:$0x1], $0xffff;
	v8 =	vmul.f32 $1.131370830e+01, v8  }
0xd0: {  	v14 =	vld [tilespmem:s13+$0xF060];
	[tilespmem:s29+$0x15450] =	vst v11;
	v7 =	vadd.f32 v7, v10  }
0xd1: {  	v11 =	vld [tilespmem:s29+$0xB460];
	[tilespmem:s29+$0x16850] =	vst v13;
	v8 =	vadd.f32 v8, v10  }
0xd2: {  	v13 =	vld [tilespmem:s29+$0xC860];
	v10 =	vmul.f32 $1.131370830e+01, v15;
	[tilespmem:s29+$0x17C50] =	vst v7  }
0xd3: {  	v7 =	vld [tilespmem:s29+$0xDC60];
	[tilespmem:s29+$0x19050] =	vst v8;
	v8 =	vmul.f32 $1.131370830e+01, v16  }
0xd4: {  	v9 =	vmul.f32 $1.131370830e+01, v9;
	v10 =	vadd.f32 v10, v12;
	v15 =	vld.idx.msk [tilespmem:v0+s29+$0x60 ss:$0x1], $0xffff  }
0xd5: {  	v62 =	vld [tilespmem:s29+$0xF060];
	v14 =	vmul.f32 $1.131370830e+01, v14;
	v8 =	vadd.f32 v8, v12  }
0xd6: {  	v9 =	vadd.f32 v9, v12;
	[tilespmem:s13+$0x15460] =	vst v10  }
0xd7: {  	v10 =	vmul.f32 $1.131370830e+01, v11;
	v11 =	vmul.f32 $1.131370830e+01, v13;
	[tilespmem:s13+$0x16860] =	vst v8;
	v8 =	vadd.f32 v14, v12  }
0xd8: {  	[tilespmem:s13+$0x17C60] =	vst v9  }
0xd9: {  	v7 =	vmul.f32 $1.131370830e+01, v7;
	v9 =	vadd.f32 v10, v15;
	[tilespmem:s13+$0x19060] =	vst v8;
	v8 =	vadd.f32 v11, v15;
	v11 =	vld [tilespmem:s13+$0xF070]  }
0xda: {  	v10 =	vmul.f32 $1.131370830e+01, v62  }
0xdb: {  	v7 =	vadd.f32 v7, v15;
	[tilespmem:s29+$0x15460] =	vst v9;
	v9 =	vld.idx.msk [tilespmem:v0+s13+$0x70 ss:$0x1], $0xffff  }
0xdc: {  	[tilespmem:s29+$0x16860] =	vst v8;
	v8 =	vadd.f32 v10, v15  }
0xdd: {  	[tilespmem:s29+$0x17C60] =	vst v7;
	v7 =	vld [tilespmem:s29+$0xF070]  }
0xde: {  	[tilespmem:s29+$0x19060] =	vst v8;
	v8 =	vmul.f32 $1.131370830e+01, v11  }
0xdf: {  	p0 =	seq.s32 s28, $0x13;
	v0 =	vld.idx.msk [tilespmem:v0+s29+$0x70 ss:$0x1], $0xffff  }
0xe0: {  	s16 =	sadd.s32 @!p0 $0x2, s12;
	v6 =	vld [tilespmem:s29+$0xDC70];
	v8 =	vadd.f32 v8, v9  }
0xe1: {  	s17 =	smulhi.u32 @!p0 $0x66666667, s16;
	v2 =	vadd.f32 v2, v9  }
0xe2: {  	v3 =	vadd.f32 v3, v9;
	v7 =	vmul.f32 $1.131370830e+01, v7;
	[tilespmem:s13+$0x19070] =	vst v8  }
0xe3: {  	v4 =	vmul.f32 $1.131370830e+01, v4;
	s17 =	sshrl.u32 @!p0 s17, $0x1;
	v1 =	vadd.f32 v1, v9;
	[tilespmem:s13+$0x15470] =	vst v2  }
0xe4: {  	s22 =	smul.u32 @!p0 $0x5, s17;
	v2 =	vmul.f32 $1.131370830e+01, v5;
	[tilespmem:s13+$0x16870] =	vst v3;
	v3 =	vadd.f32 v7, v0  }
0xe5: {  	v5 =	vmul.f32 $1.131370830e+01, v6;
	[tilespmem:s13+$0x17C70] =	vst v1;
	s13 =	smul.u32 @!p0 $0x14, s17;
	v1 =	vadd.f32 v4, v0  }
0xe6: {  	s16 =	ssub.s32 @!p0 s16, s22;
	v2 =	vadd.f32 v2, v0;
	[tilespmem:s29+$0x19070] =	vst v3  }
0xe7: {  	v0 =	vadd.f32 v5, v0;
	s13 =	sadd.s32 @!p0 s16, s13;
	[tilespmem:s29+$0x15470] =	vst v1  }
0xe8: {  	s13 =	sshll.u32 @!p0 s13, $0x9;
	[tilespmem:s29+$0x16870] =	vst v2  }
0xe9: {  	s17 =	simm.s32 @!p0 $0xB400;
	s16 =	simm.s32 @!p0 $0x28;
	[tilespmem:s29+$0x17C70] =	vst v0;
	s13 =	sshra.s32 @!p0 s13, $0x2  }
0xea: {  	[tilespmem:s17], [sflag:$0x1] =	stream.indirect.gather @!p0 [hbm4b:s1+s16], $0x80, s13, s16, $0xb8;
	[tilespmem:$0x1F400] =	vst v63  }
0xeb: {  	s22 =	simm.s32 @!p0 $0xC800;
	s17 =	sadd.s32 @!p0 $0x280, s13  }
0xec: {  	[tilespmem:s22], [sflag:$0x2] =	stream.indirect.gather @!p0 [hbm4b:s1+s16], $0x80, s17, s16, $0xb8;
	[tilespmem:$0x1F400] =	vst v63  }
0xed: {  	s29 =	smulhi.u32 $0x66666667, s12;
	s17 =	sadd.s32 @!p0 $0x500, s13;
	s22 =	simm.s32 @!p0 $0xDC00  }
0xee: {  	[tilespmem:s22], [sflag:$0x3] =	stream.indirect.gather @!p0 [hbm4b:s1+s16], $0x80, s17, s16, $0xb8;
	[tilespmem:$0x1F400] =	vst v63  }
0xef: {  	s17 =	sshrl.u32 s29, $0x1  }
0xf0: {  	s13 =	sadd.s32 @!p0 $0x780, s13;
	s22 =	simm.s32 @!p0 $0xF000;
	s17 =	smul.u32 $0x320, s17  }
0xf1: {  	[tilespmem:s22], [sflag:$0x4] =	stream.indirect.gather @!p0 [hbm4b:s1+s16], $0x80, s13, s16, $0xb8;
	[tilespmem:$0x1F400] =	vst v63  }
0xf2: {  	s16 =	sadd.s32 s6, s17  }
0xf3: {  	s13 =	sadd.s32 s15, s16  }
0xf4: {  	s13 =	sshll.u32 s13, $0x4  }
0xf5: {  	s22 =	simm.s32 $0x15400;
	s16 =	sadd.s32 s17, s8;
	s13 =	sadd.s32 s4, s13  }
0xf6: {  	[hbm4b:s13+s5] =	stream.linear.scatter [tilespmem:s22], [sflag:$0x9], $0x1400, $0x38;
	[tilespmem:$0x1F400] =	vst v63  }
0xf7: {  	s13 =	sadd.s32 s15, s16  }
0xf8: {  	s13 =	sshll.u32 s13, $0x4  }
0xf9: {  	s22 =	simm.s32 $0x16800;
	s16 =	sadd.s32 s17, s9;
	s13 =	sadd.s32 s4, s13  }
0xfa: {  	[hbm4b:s13+s5] =	stream.linear.scatter [tilespmem:s22], [sflag:$0xA], $0x1400, $0x38;
	[tilespmem:$0x1F400] =	vst v63  }
0xfb: {  	s13 =	sadd.s32 s15, s16  }
0xfc: {  	s13 =	sshll.u32 s13, $0x4  }
0xfd: {  	s17 =	sadd.s32 s17, s10;
	s22 =	simm.s32 $0x17C00;
	s13 =	sadd.s32 s4, s13  }
0xfe: {  	[hbm4b:s13+s5] =	stream.linear.scatter [tilespmem:s22], [sflag:$0xB], $0x1400, $0x38;
	[tilespmem:$0x1F400] =	vst v63  }
0xff: {  	s13 =	sadd.s32 s15, s17  }
0x100: {  	s13 =	sshll.u32 s13, $0x4  }
0x101: {  	s22 =	simm.s32 $0x19000;
	s13 =	sadd.s32 s4, s13  }
0x102: {  	[hbm4b:s13+s5] =	stream.linear.scatter [tilespmem:s22], [sflag:$0xC], $0x1400, $0x38;
	[tilespmem:$0x1F400] =	vst v63  }
0x103: {  	_ =	swait.ge [sflag:s18], $0x1400  }
0x104: {  	[sflag:s18] =	ssyncset.done $0x0  }
0x105: {  	[sflag:s18] =	ssyncadd.s32 $0xFFFFEC00  }
0x106: {  	_ =	swait.ge [sflag:s19], $0x1400  }
0x107: {  	[sflag:s19] =	ssyncset.done $0x0  }
0x108: {  	[sflag:s19] =	ssyncadd.s32 $0xFFFFEC00  }
0x109: {  	_ =	swait.ge [sflag:s20], $0x1400  }
0x10a: {  	[sflag:s20] =	ssyncset.done $0x0  }
0x10b: {  	[sflag:s20] =	ssyncadd.s32 $0xFFFFEC00  }
0x10c: {  	_ =	swait.ge [sflag:s21], $0x1400  }
0x10d: {  	[sflag:s21] =	ssyncset.done $0x0  }
0x10e: {  	s13 =	simm.s32 @!p1 $0xD;
	[sflag:s21] =	ssyncadd.s32 $0xFFFFEC00  }
0x10f: {  	_ =	swait.ge @!p1 [sflag:s13], $0x1400  }
0x110: {  	[sflag:s13] =	ssyncset.done @!p1 $0x0  }
0x111: {  	[sflag:s13] =	ssyncadd.s32 @!p1 $0xFFFFEC00;
	s13 =	simm.s32 @!p1 $0xE  }
0x112: {  	_ =	swait.ge @!p1 [sflag:s13], $0x1400  }
0x113: {  	[sflag:s13] =	ssyncset.done @!p1 $0x0  }
0x114: {  	[sflag:s13] =	ssyncadd.s32 @!p1 $0xFFFFEC00;
	s13 =	simm.s32 @!p1 $0xF  }
0x115: {  	_ =	swait.ge @!p1 [sflag:s13], $0x1400  }
0x116: {  	v0 =	vmov s14;
	[sflag:s13] =	ssyncset.done @!p1 $0x0  }
0x117: {  	[sflag:s13] =	ssyncadd.s32 @!p1 $0xFFFFEC00;
	s13 =	simm.s32 @!p1 $0x10  }
0x118: {  	_ =	swait.ge @!p1 [sflag:s13], $0x1400  }
0x119: {  	[sflag:s13] =	ssyncset.done @!p1 $0x0  }
0x11a: {  	[sflag:s13] =	ssyncadd.s32 @!p1 $0xFFFFEC00;
	s13 =	simm.s32 $0x0  }
0x11b: {  	v1 =	vld.idx.msk [tilespmem:v0+s13+$0xFFFFFF90 ss:$0x1], $0xffff  }
0x11c: {  	v2 =	vld [tilespmem:s13+$0x10400]  }
0x11d: {  	v3 =	vld [tilespmem:s13+$0x11800]  }
0x11e: {  	v4 =	vld [tilespmem:s13+$0x12C00]  }
0x11f: {  	v5 =	vld [tilespmem:s13+$0x14000];
	_ =	sdelay $0x1  }
0x120: {  	v2 =	vmul.f32 $1.131370830e+01, v2  }
0x121: {  	v3 =	vmul.f32 $1.131370830e+01, v3  }
0x122: {  	v4 =	vmul.f32 $1.131370830e+01, v4;
	v2 =	vadd.f32 v2, v1  }
0x123: {  	v5 =	vmul.f32 $1.131370830e+01, v5;
	v3 =	vadd.f32 v3, v1  }
0x124: {  	[tilespmem:s13+$0x1A400] =	vst v2;
	v2 =	vadd.f32 v4, v1  }
0x125: {  	[tilespmem:s13+$0x1B800] =	vst v3;
	v1 =	vadd.f32 v5, v1;
	v4 =	vld [tilespmem:s13+$0x12C10]  }
0x126: {  	[tilespmem:s13+$0x1CC00] =	vst v2;
	v2 =	vld [tilespmem:s13+$0x10410]  }
0x127: {  	[tilespmem:s13+$0x1E000] =	vst v1;
	v1 =	vld [tilespmem:s13+$0x11810]  }
0x128: {  	v3 =	vld.idx.msk [tilespmem:v0+s13+$0xFFFFFFA0 ss:$0x1], $0xffff  }
0x129: {  	v5 =	vld [tilespmem:s13+$0x14010];
	_ =	sdelay $0x1  }
0x12a: {  	v2 =	vmul.f32 $1.131370830e+01, v2  }
0x12b: {  	v1 =	vmul.f32 $1.131370830e+01, v1  }
0x12c: {  	v4 =	vmul.f32 $1.131370830e+01, v4;
	v2 =	vadd.f32 v2, v3  }
0x12d: {  	v5 =	vmul.f32 $1.131370830e+01, v5;
	v1 =	vadd.f32 v1, v3  }
0x12e: {  	[tilespmem:s13+$0x1A410] =	vst v2;
	v2 =	vadd.f32 v4, v3  }
0x12f: {  	[tilespmem:s13+$0x1B810] =	vst v1;
	v1 =	vadd.f32 v5, v3  }
0x130: {  	[tilespmem:s13+$0x1CC10] =	vst v2;
	v2 =	vld [tilespmem:s13+$0x10420]  }
0x131: {  	v4 =	vld [tilespmem:s13+$0x12C20];
	[tilespmem:s13+$0x1E010] =	vst v1  }
0x132: {  	v3 =	vld.idx.msk [tilespmem:v0+s13+$0xFFFFFFB0 ss:$0x1], $0xffff  }
0x133: {  	v1 =	vld [tilespmem:s13+$0x11820]  }
0x134: {  	v5 =	vld [tilespmem:s13+$0x14020]  }
0x135: {  	v2 =	vmul.f32 $1.131370830e+01, v2;
	_ =	sdelay $0x1  }
0x136: {  	v4 =	vmul.f32 $1.131370830e+01, v4;
	v2 =	vadd.f32 v2, v3  }
0x137: {  	v1 =	vmul.f32 $1.131370830e+01, v1  }
0x138: {  	v4 =	vadd.f32 v4, v3;
	[tilespmem:s13+$0x1A420] =	vst v2;
	v2 =	vmul.f32 $1.131370830e+01, v5  }
0x139: {  	v1 =	vadd.f32 v1, v3  }
0x13a: {  	v6 =	vld [tilespmem:s13+$0x10470];
	[tilespmem:s13+$0x1CC20] =	vst v4;
	v2 =	vadd.f32 v2, v3  }
0x13b: {  	[tilespmem:s13+$0x1B820] =	vst v1;
	v1 =	vld [tilespmem:s13+$0x10430]  }
0x13c: {  	v3 =	vld [tilespmem:s13+$0x11830];
	[tilespmem:s13+$0x1E020] =	vst v2  }
0x13d: {  	v2 =	vld.idx.msk [tilespmem:v0+s13+$0xFFFFFFC0 ss:$0x1], $0xffff  }
0x13e: {  	v4 =	vld [tilespmem:s13+$0x12C30]  }
0x13f: {  	v9 =	vld [tilespmem:s13+$0x11870]  }
0x140: {  	s29 =	simm.s32 $0x80;
	v5 =	vld [tilespmem:s13+$0x14030];
	v1 =	vmul.f32 $1.131370830e+01, v1  }
0x141: {  	v8 =	vld [tilespmem:s29+$0x10400]  }
0x142: {  	v12 =	vld [tilespmem:s29+$0x12C00];
	v3 =	vmul.f32 $1.131370830e+01, v3;
	v1 =	vadd.f32 v1, v2  }
0x143: {  	v7 =	vld.idx.msk [tilespmem:v0+s29+$0xFFFFFF90 ss:$0x1], $0xffff;
	v4 =	vmul.f32 $1.131370830e+01, v4  }
0x144: {  	v3 =	vadd.f32 v3, v2;
	[tilespmem:s13+$0x1A430] =	vst v1;
	v1 =	vld [tilespmem:s29+$0x14000]  }
0x145: {  	v10 =	vld [tilespmem:s29+$0x11800];
	v5 =	vmul.f32 $1.131370830e+01, v5;
	v4 =	vadd.f32 v4, v2  }
0x146: {  	v11 =	vld [tilespmem:s13+$0x12C70];
	[tilespmem:s13+$0x1B830] =	vst v3;
	v3 =	vmul.f32 $1.131370830e+01, v8  }
0x147: {  	v2 =	vadd.f32 v5, v2;
	v5 =	vld [tilespmem:s13+$0x11840];
	[tilespmem:s13+$0x1CC30] =	vst v4;
	v4 =	vmul.f32 $1.131370830e+01, v12  }
0x148: {  	v8 =	vld [tilespmem:s13+$0x10440];
	v3 =	vadd.f32 v3, v7  }
0x149: {  	[tilespmem:s13+$0x1E030] =	vst v2;
	v2 =	vadd.f32 v4, v7;
	v4 =	vld [tilespmem:s13+$0x12C40];
	v1 =	vmul.f32 $1.131370830e+01, v1  }
0x14a: {  	v10 =	vmul.f32 $1.131370830e+01, v10;
	[tilespmem:s29+$0x1A400] =	vst v3;
	v3 =	vld.idx.msk [tilespmem:v0+s13+$0xFFFFFFD0 ss:$0x1], $0xffff  }
0x14b: {  	[tilespmem:s29+$0x1CC00] =	vst v2;
	v2 =	vld [tilespmem:s29+$0x10410];
	v1 =	vadd.f32 v1, v7  }
0x14c: {  	v10 =	vadd.f32 v10, v7;
	v7 =	vld [tilespmem:s13+$0x14040]  }
0x14d: {  	v8 =	vmul.f32 $1.131370830e+01, v8;
	[tilespmem:s29+$0x1E000] =	vst v1;
	v1 =	vmul.f32 $1.131370830e+01, v5;
	v5 =	vld [tilespmem:s29+$0x11810]  }
0x14e: {  	s16 =	sor.u32 $0x1, s12;
	[tilespmem:s29+$0x1B800] =	vst v10;
	v12 =	vld [tilespmem:s29+$0x12C10];
	v4 =	vmul.f32 $1.131370830e+01, v4  }
0x14f: {  	s17 =	smulhi.u32 $0x66666667, s16;
	v8 =	vadd.f32 v8, v3;
	v10 =	vld.idx.msk [tilespmem:v0+s29+$0xFFFFFFA0 ss:$0x1], $0xffff  }
0x150: {  	v13 =	vld [tilespmem:s29+$0x14010];
	v14 =	vadd.f32 v4, v3  }
0x151: {  	s15 =	sshrl.u32 s17, $0x1;
	v4 =	vld [tilespmem:s29+$0x10470];
	[tilespmem:s13+$0x1A440] =	vst v8;
	v8 =	vmul.f32 $1.131370830e+01, v7  }
0x152: {  	s22 =	smul.u32 $0x5, s15;
	v15 =	vmul.f32 $1.131370830e+01, v2;
	v1 =	vadd.f32 v1, v3;
	[tilespmem:s13+$0x1CC40] =	vst v14;
	v14 =	vmul.f32 $1.131370830e+01, v5;
	v5 =	vld [tilespmem:s29+$0x11870]  }
0x153: {  	v2 =	vmul.f32 $1.131370830e+01, v6;
	v7 =	vld [tilespmem:s13+$0x10450];
	v63 =	vadd.f32 v8, v3  }
0x154: {  	s14 =	ssub.s32 s16, s22;
	[tilespmem:s13+$0x1B840] =	vst v1;
	v1 =	vmul.f32 $1.131370830e+01, v11;
	v11 =	vmul.f32 $1.131370830e+01, v12;
	v8 =	vld [tilespmem:s13+$0x11850];
	v6 =	vadd.f32 v15, v10  }
0x155: {  	s16 =	simm.s32 $0x400;
	s14 =	smul.u32 $0x28, s14;
	v13 =	vmul.f32 $1.131370830e+01, v13;
	v3 =	vmul.f32 $1.131370830e+01, v9;
	v9 =	vld [tilespmem:s13+$0x12C50];
	[tilespmem:s13+$0x1E040] =	vst v63;
	v12 =	vadd.f32 v14, v10  }
.LBB2_5:
0x156: {  	p1 =	sne.s32 s16, $0x4E00;
	[tilespmem:s29+$0x1A410] =	vst v6;
	v11 =	vadd.f32 v11, v10;
	v6 =	vmul.f32 $1.131370830e+01, v4;
	v14 =	vld.idx.msk [tilespmem:v0+s13+$0xFFFFFFE0 ss:$0x1], $0xffff  }
0x157: {  	[tilespmem:s29+$0x1B810] =	vst v12;
	v10 =	vadd.f32 v13, v10;
	v4 =	vmul.f32 $1.131370830e+01, v5;
	v5 =	vld [tilespmem:s13+$0x14050]  }
0x158: {  	[tilespmem:s29+$0x1CC10] =	vst v11;
	v11 =	vld [tilespmem:s29+$0x10420]  }
0x159: {  	[tilespmem:s29+$0x1E010] =	vst v10;
	v10 =	vld [tilespmem:s29+$0x11820]  }
0x15a: {  	v7 =	vmul.f32 $1.131370830e+01, v7;
	v12 =	vld.idx.msk [tilespmem:v0+s29+$0xFFFFFFB0 ss:$0x1], $0xffff  }
0x15b: {  	v8 =	vmul.f32 $1.131370830e+01, v8;
	v13 =	vld [tilespmem:s29+$0x12C20]  }
0x15c: {  	v9 =	vmul.f32 $1.131370830e+01, v9;
	v7 =	vadd.f32 v7, v14;
	v15 =	vld [tilespmem:s29+$0x14020]  }
0x15d: {  	v8 =	vadd.f32 v8, v14;
	v5 =	vmul.f32 $1.131370830e+01, v5;
	v16 =	vld [tilespmem:s29+$0x12C70]  }
0x15e: {  	v11 =	vmul.f32 $1.131370830e+01, v11;
	[tilespmem:s13+$0x1A450] =	vst v7;
	v7 =	vadd.f32 v9, v14;
	v9 =	vld [tilespmem:s13+$0x10460]  }
0x15f: {  	v10 =	vmul.f32 $1.131370830e+01, v10;
	v5 =	vadd.f32 v5, v14;
	[tilespmem:s13+$0x1B850] =	vst v8;
	v8 =	vld [tilespmem:s13+$0x11860]  }
0x160: {  	v11 =	vadd.f32 v11, v12;
	v13 =	vmul.f32 $1.131370830e+01, v13;
	[tilespmem:s13+$0x1CC50] =	vst v7;
	v7 =	vld [tilespmem:s13+$0x12C60]  }
0x161: {  	v10 =	vadd.f32 v10, v12;
	v14 =	vmul.f32 $1.131370830e+01, v15;
	[tilespmem:s13+$0x1E050] =	vst v5;
	v5 =	vld [tilespmem:s13+$0x14060]  }
0x162: {  	[tilespmem:s29+$0x1A420] =	vst v11;
	v11 =	vadd.f32 v13, v12;
	v13 =	vmul.f32 $1.131370830e+01, v16;
	v15 =	vld.idx.msk [tilespmem:v0+s13+$0xFFFFFFF0 ss:$0x1], $0xffff  }
0x163: {  	[tilespmem:s29+$0x1B820] =	vst v10;
	v10 =	vadd.f32 v14, v12;
	v12 =	vld [tilespmem:s29+$0x10430]  }
0x164: {  	[tilespmem:s29+$0x1CC20] =	vst v11;
	v11 =	vld [tilespmem:s29+$0x11830]  }
0x165: {  	[tilespmem:s29+$0x1E020] =	vst v10;
	v10 =	vld [tilespmem:s29+$0x12C30]  }
0x166: {  	v9 =	vmul.f32 $1.131370830e+01, v9;
	v14 =	vld.idx.msk [tilespmem:v0+s29+$0xFFFFFFC0 ss:$0x1], $0xffff  }
0x167: {  	s17 =	sshra.s32 s16, $0x2;
	v8 =	vmul.f32 $1.131370830e+01, v8;
	v16 =	vld [tilespmem:s29+$0x14030]  }
0x168: {  	v7 =	vmul.f32 $1.131370830e+01, v7;
	v9 =	vadd.f32 v9, v15;
	v17 =	vld.idx.msk [tilespmem:v0+s17+$0xFFFFFF90 ss:$0x1], $0xffff  }
0x169: {  	v5 =	vmul.f32 $1.131370830e+01, v5;
	v8 =	vadd.f32 v8, v15;
	v18 =	vld [tilespmem:s17+$0x10400]  }
0x16a: {  	v7 =	vadd.f32 v7, v15;
	v12 =	vmul.f32 $1.131370830e+01, v12;
	v19 =	vld [tilespmem:s17+$0x11800];
	[tilespmem:s13+$0x1A460] =	vst v9  }
0x16b: {  	v5 =	vadd.f32 v5, v15;
	v11 =	vmul.f32 $1.131370830e+01, v11;
	v9 =	vld [tilespmem:s17+$0x12C00];
	[tilespmem:s13+$0x1B860] =	vst v8  }
0x16c: {  	v10 =	vmul.f32 $1.131370830e+01, v10;
	v12 =	vadd.f32 v12, v14;
	v8 =	vld [tilespmem:s17+$0x14000];
	[tilespmem:s13+$0x1CC60] =	vst v7  }
0x16d: {  	v7 =	vadd.f32 v11, v14;
	v11 =	vmul.f32 $1.131370830e+01, v16;
	[tilespmem:s13+$0x1E060] =	vst v5;
	v5 =	vld [tilespmem:s13+$0x14070]  }
0x16e: {  	v10 =	vadd.f32 v10, v14;
	v15 =	vmul.f32 $1.131370830e+01, v18;
	[tilespmem:s29+$0x1A430] =	vst v12;
	v12 =	vld.idx.msk [tilespmem:v0+s13+$0x0 ss:$0x1], $0xffff  }
0x16f: {  	v16 =	vmul.f32 $1.131370830e+01, v19;
	[tilespmem:s29+$0x1B830] =	vst v7;
	v7 =	vadd.f32 v11, v14;
	v11 =	vld [tilespmem:s29+$0x10440]  }
0x170: {  	v14 =	vadd.f32 v15, v17;
	v9 =	vmul.f32 $1.131370830e+01, v9;
	[tilespmem:s29+$0x1CC30] =	vst v10;
	v15 =	vld [tilespmem:s29+$0x11840]  }
0x171: {  	v10 =	vadd.f32 v16, v17;
	v8 =	vmul.f32 $1.131370830e+01, v8;
	[tilespmem:s29+$0x1E030] =	vst v7;
	v7 =	vld [tilespmem:s29+$0x12C40]  }
0x172: {  	[tilespmem:s17+$0x1A400] =	vst v14;
	v9 =	vadd.f32 v9, v17;
	v14 =	vld.idx.msk [tilespmem:v0+s29+$0xFFFFFFD0 ss:$0x1], $0xffff;
	v5 =	vmul.f32 $1.131370830e+01, v5  }
0x173: {  	[tilespmem:s17+$0x1B800] =	vst v10;
	v8 =	vadd.f32 v8, v17;
	v16 =	vld [tilespmem:s29+$0x14040]  }
0x174: {  	v17 =	vadd.f32 v2, v12;
	v2 =	vmov v6;
	[tilespmem:s17+$0x1CC00] =	vst v9;
	v9 =	vld [tilespmem:s17+$0x10410];
	v5 =	vadd.f32 v5, v12  }
0x175: {  	[tilespmem:s17+$0x1E000] =	vst v8;
	v6 =	vld [tilespmem:s17+$0x11810];
	v8 =	vadd.f32 v3, v12;
	v12 =	vadd.f32 v1, v12;
	v3 =	vmovc v4;
	v1 =	vmov v13  }
0x176: {  	v4 =	vmul.f32 $1.131370830e+01, v11;
	v10 =	vld.idx.msk [tilespmem:v0+s17+$0xFFFFFFA0 ss:$0x1], $0xffff;
	[tilespmem:s13+$0x1E070] =	vst v5  }
0x177: {  	v5 =	vmul.f32 $1.131370830e+01, v15;
	v11 =	vld [tilespmem:s17+$0x12C10];
	[tilespmem:s13+$0x1A470] =	vst v17  }
0x178: {  	v7 =	vmul.f32 $1.131370830e+01, v7;
	v15 =	vadd.f32 v4, v14;
	v13 =	vld [tilespmem:s17+$0x14010];
	[tilespmem:s13+$0x1B870] =	vst v8  }
.Ltmp1:
0x179: {  	v8 =	vadd.f32 v5, v14;
	v16 =	vmul.f32 $1.131370830e+01, v16;
	v4 =	vld [tilespmem:s17+$0x10470];
	[tilespmem:s13+$0x1CC70] =	vst v12;
	s13 =	smov.u32 s29;
	s29 =	smov.u32 s17;
	(pc) =	sbr.rel @p1 .LBB2_5-.Ltmp1, $4  }
0x17a: {  	v9 =	vmul.f32 $1.131370830e+01, v9;
	v12 =	vadd.f32 v7, v14;
	v5 =	vld [tilespmem:s29+$0x11870];
	[tilespmem:s13+$0x1A440] =	vst v15  }
0x17b: {  	v15 =	vmul.f32 $1.131370830e+01, v6;
	v14 =	vadd.f32 v16, v14;
	[tilespmem:s13+$0x1B840] =	vst v8;
	v7 =	vld [tilespmem:s13+$0x10450]  }
0x17c: {  	v6 =	vadd.f32 v9, v10;
	v11 =	vmul.f32 $1.131370830e+01, v11;
	[tilespmem:s13+$0x1CC40] =	vst v12;
	v8 =	vld [tilespmem:s13+$0x11850]  }
0x17d: {  	s16 =	sadd.s32 $0x200, s16;
	v12 =	vadd.f32 v15, v10;
	v13 =	vmul.f32 $1.131370830e+01, v13;
	[tilespmem:s13+$0x1E040] =	vst v14;
	v9 =	vld [tilespmem:s13+$0x12C50]  }
0x17e: {  	[tilespmem:s29+$0x1A410] =	vst v6;
	v17 =	vadd.f32 v11, v10  }
0x17f: {  	v19 =	vld [tilespmem:s29+$0x10420];
	[tilespmem:s29+$0x1B810] =	vst v12;
	v18 =	vadd.f32 v13, v10  }
0x180: {  	v20 =	vld [tilespmem:s29+$0x11820];
	[tilespmem:s29+$0x1CC10] =	vst v17  }
0x181: {  	v22 =	vld [tilespmem:s29+$0x12C20];
	[tilespmem:s29+$0x1E010] =	vst v18  }
0x182: {  	v21 =	vld.idx.msk [tilespmem:v0+s29+$0xFFFFFFB0 ss:$0x1], $0xffff  }
0x183: {  	v23 =	vld [tilespmem:s29+$0x14020];
	_ =	sdelay $0x1  }
0x184: {  	v6 =	vmul.f32 $1.131370830e+01, v19  }
0x185: {  	v10 =	vmul.f32 $1.131370830e+01, v20  }
0x186: {  	v12 =	vmul.f32 $1.131370830e+01, v22;
	v14 =	vadd.f32 v6, v21  }
0x187: {  	v13 =	vmul.f32 $1.131370830e+01, v23;
	v10 =	vadd.f32 v10, v21  }
0x188: {  	v12 =	vadd.f32 v12, v21;
	[tilespmem:s29+$0x1A420] =	vst v14  }
0x189: {  	v25 =	vld [tilespmem:s29+$0x10430];
	v11 =	vadd.f32 v13, v21;
	[tilespmem:s29+$0x1B820] =	vst v10  }
0x18a: {  	v26 =	vld [tilespmem:s29+$0x11830];
	[tilespmem:s29+$0x1CC20] =	vst v12  }
0x18b: {  	v27 =	vld [tilespmem:s29+$0x12C30];
	[tilespmem:s29+$0x1E020] =	vst v11  }
0x18c: {  	v11 =	vld.idx.msk [tilespmem:v0+s29+$0xFFFFFFC0 ss:$0x1], $0xffff  }
0x18d: {  	v28 =	vld [tilespmem:s29+$0x14030];
	_ =	sdelay $0x1  }
0x18e: {  	v10 =	vmul.f32 $1.131370830e+01, v25  }
0x18f: {  	v12 =	vmul.f32 $1.131370830e+01, v26  }
0x190: {  	v13 =	vmul.f32 $1.131370830e+01, v27;
	v10 =	vadd.f32 v10, v11  }
0x191: {  	v29 =	vmul.f32 $1.131370830e+01, v28;
	v12 =	vadd.f32 v12, v11  }
0x192: {  	v13 =	vadd.f32 v13, v11;
	[tilespmem:s29+$0x1A430] =	vst v10  }
0x193: {  	v30 =	vld [tilespmem:s29+$0x10440];
	[tilespmem:s29+$0x1B830] =	vst v12;
	v10 =	vadd.f32 v29, v11  }
0x194: {  	v31 =	vld [tilespmem:s29+$0x11840];
	[tilespmem:s29+$0x1CC30] =	vst v13  }
0x195: {  	v32 =	vld [tilespmem:s29+$0x12C40];
	[tilespmem:s29+$0x1E030] =	vst v10  }
0x196: {  	v10 =	vld.idx.msk [tilespmem:v0+s29+$0xFFFFFFD0 ss:$0x1], $0xffff  }
0x197: {  	v33 =	vld [tilespmem:s29+$0x14040];
	_ =	sdelay $0x1  }
0x198: {  	v12 =	vmul.f32 $1.131370830e+01, v30  }
0x199: {  	v11 =	vmul.f32 $1.131370830e+01, v31  }
0x19a: {  	v13 =	vmul.f32 $1.131370830e+01, v32;
	v12 =	vadd.f32 v12, v10  }
0x19b: {  	v34 =	vld.idx.msk [tilespmem:v0+s13+$0xFFFFFFE0 ss:$0x1], $0xffff;
	v14 =	vmul.f32 $1.131370830e+01, v33;
	v11 =	vadd.f32 v11, v10  }
0x19c: {  	v35 =	vld [tilespmem:s29+$0x10450];
	v13 =	vadd.f32 v13, v10;
	[tilespmem:s29+$0x1A440] =	vst v12  }
0x19d: {  	v37 =	vld [tilespmem:s13+$0x14050];
	v10 =	vadd.f32 v14, v10;
	[tilespmem:s29+$0x1B840] =	vst v11  }
0x19e: {  	v36 =	vld [tilespmem:s29+$0x11850];
	[tilespmem:s29+$0x1CC40] =	vst v13  }
0x19f: {  	v38 =	vld [tilespmem:s29+$0x12C50];
	v7 =	vmul.f32 $1.131370830e+01, v7;
	[tilespmem:s29+$0x1E040] =	vst v10  }
0x1a0: {  	v8 =	vmul.f32 $1.131370830e+01, v8;
	v10 =	vld.idx.msk [tilespmem:v0+s29+$0xFFFFFFE0 ss:$0x1], $0xffff  }
0x1a1: {  	v39 =	vld [tilespmem:s29+$0x14050];
	v9 =	vmul.f32 $1.131370830e+01, v9;
	v7 =	vadd.f32 v7, v34  }
0x1a2: {  	v8 =	vadd.f32 v8, v34;
	v14 =	vmul.f32 $1.131370830e+01, v37  }
0x1a3: {  	v15 =	vld [tilespmem:s13+$0x10460];
	v9 =	vadd.f32 v9, v34;
	[tilespmem:s13+$0x1A450] =	vst v7;
	v11 =	vmul.f32 $1.131370830e+01, v35  }
0x1a4: {  	v16 =	vld [tilespmem:s13+$0x11860];
	[tilespmem:s13+$0x1B850] =	vst v8;
	v13 =	vmul.f32 $1.131370830e+01, v36;
	v12 =	vadd.f32 v14, v34  }
0x1a5: {  	v40 =	vld [tilespmem:s13+$0x12C60];
	v7 =	vmul.f32 $1.131370830e+01, v38;
	[tilespmem:s13+$0x1CC50] =	vst v9;
	v11 =	vadd.f32 v11, v10  }
0x1a6: {  	v41 =	vld [tilespmem:s29+$0x10460];
	v8 =	vmul.f32 $1.131370830e+01, v39;
	[tilespmem:s13+$0x1E050] =	vst v12;
	v13 =	vadd.f32 v13, v10  }
0x1a7: {  	v12 =	vld.idx.msk [tilespmem:v0+s13+$0xFFFFFFF0 ss:$0x1], $0xffff;
	v7 =	vadd.f32 v7, v10;
	[tilespmem:s29+$0x1A450] =	vst v11  }
0x1a8: {  	v43 =	vld [tilespmem:s13+$0x14060];
	v8 =	vadd.f32 v8, v10;
	[tilespmem:s29+$0x1B850] =	vst v13  }
0x1a9: {  	v42 =	vld [tilespmem:s29+$0x11860];
	[tilespmem:s29+$0x1CC50] =	vst v7  }
0x1aa: {  	v44 =	vld [tilespmem:s29+$0x12C60];
	v45 =	vmul.f32 $1.131370830e+01, v15;
	[tilespmem:s29+$0x1E050] =	vst v8  }
0x1ab: {  	v46 =	vmul.f32 $1.131370830e+01, v16;
	v47 =	vld.idx.msk [tilespmem:v0+s29+$0xFFFFFFF0 ss:$0x1], $0xffff  }
0x1ac: {  	v48 =	vld [tilespmem:s29+$0x14060];
	v9 =	vmul.f32 $1.131370830e+01, v40;
	v10 =	vadd.f32 v45, v12  }
0x1ad: {  	v14 =	vmul.f32 $1.131370830e+01, v43;
	v8 =	vadd.f32 v46, v12  }
0x1ae: {  	v49 =	vmul.f32 $1.131370830e+01, v41;
	v9 =	vadd.f32 v9, v12;
	[tilespmem:s13+$0x1A460] =	vst v10  }
0x1af: {  	v51 =	vmul.f32 $1.131370830e+01, v42;
	v50 =	vadd.f32 v14, v12;
	[tilespmem:s13+$0x1B860] =	vst v8  }
0x1b0: {  	v55 =	vld [tilespmem:s13+$0x14070];
	v7 =	vmul.f32 $1.131370830e+01, v44;
	[tilespmem:s13+$0x1CC60] =	vst v9;
	v52 =	vadd.f32 v49, v47  }
0x1b1: {  	v54 =	vmul.f32 $1.131370830e+01, v48;
	[tilespmem:s13+$0x1E060] =	vst v50;
	v53 =	vadd.f32 v51, v47  }
0x1b2: {  	v57 =	vld.idx.msk [tilespmem:v0+s13+$0x0 ss:$0x1], $0xffff;
	v7 =	vadd.f32 v7, v47;
	[tilespmem:s29+$0x1A460] =	vst v52  }
0x1b3: {  	v56 =	vadd.f32 v54, v47;
	[tilespmem:s29+$0x1B860] =	vst v53  }
0x1b4: {  	v58 =	vld [tilespmem:s29+$0x14070];
	[tilespmem:s29+$0x1CC60] =	vst v7  }
0x1b5: {  	v59 =	vmul.f32 $1.131370830e+01, v55;
	[tilespmem:s29+$0x1E060] =	vst v56  }
0x1b6: {  	v60 =	vld.idx.msk [tilespmem:v0+s29+$0x0 ss:$0x1], $0xffff  }
0x1b7: {  	v24 =	vld [tilespmem:s29+$0x12C70];
	s12 =	sadd.s32 @!p0 $0x3, s12;
	v8 =	vadd.f32 v59, v57  }
0x1b8: {  	s16 =	smulhi.u32 @!p0 $0x66666667, s12;
	v2 =	vadd.f32 v2, v57  }
0x1b9: {  	v3 =	vadd.f32 v3, v57;
	v7 =	vmul.f32 $1.131370830e+01, v58;
	[tilespmem:s13+$0x1E070] =	vst v8  }
0x1ba: {  	v4 =	vmul.f32 $1.131370830e+01, v4;
	s16 =	sshrl.u32 @!p0 s16, $0x1;
	v1 =	vadd.f32 v1, v57;
	[tilespmem:s13+$0x1A470] =	vst v2  }
0x1bb: {  	v61 =	vmul.f32 $1.131370830e+01, v5;
	s17 =	smul.u32 @!p0 $0x5, s16;
	[tilespmem:s13+$0x1B870] =	vst v3;
	v62 =	vadd.f32 v7, v60  }
0x1bc: {  	v63 =	vmul.f32 $1.131370830e+01, v24;
	[tilespmem:s13+$0x1CC70] =	vst v1;
	s13 =	smul.u32 @!p0 $0x14, s16;
	v4 =	vadd.f32 v4, v60  }
0x1bd: {  	s12 =	ssub.s32 @!p0 s12, s17;
	v2 =	vadd.f32 v61, v60;
	[tilespmem:s29+$0x1E070] =	vst v62  }
0x1be: {  	s12 =	sadd.s32 @!p0 s12, s13;
	v0 =	vadd.f32 v63, v60;
	[tilespmem:s29+$0x1A470] =	vst v4  }
0x1bf: {  	s12 =	sshll.u32 @!p0 s12, $0x9;
	[tilespmem:s29+$0x1B870] =	vst v2  }
0x1c0: {  	s16 =	simm.s32 @!p0 $0x10400;
	s13 =	simm.s32 @!p0 $0x28;
	s12 =	sshra.s32 @!p0 s12, $0x2;
	[tilespmem:s29+$0x1CC70] =	vst v0  }
0x1c1: {  	[tilespmem:s16], [sflag:$0x5] =	stream.indirect.gather @!p0 [hbm4b:s1+s13], $0x80, s12, s13, $0xb8;
	[tilespmem:$0x1F400] =	vst v63  }
0x1c2: {  	s17 =	simm.s32 @!p0 $0x11800;
	s16 =	sadd.s32 @!p0 $0x280, s12  }
0x1c3: {  	[tilespmem:s17], [sflag:$0x6] =	stream.indirect.gather @!p0 [hbm4b:s1+s13], $0x80, s16, s13, $0xb8;
	[tilespmem:$0x1F400] =	vst v63  }
0x1c4: {  	s16 =	sadd.s32 @!p0 $0x500, s12;
	s17 =	simm.s32 @!p0 $0x12C00  }
0x1c5: {  	[tilespmem:s17], [sflag:$0x7] =	stream.indirect.gather @!p0 [hbm4b:s1+s13], $0x80, s16, s13, $0xb8;
	[tilespmem:$0x1F400] =	vst v63  }
0x1c6: {  	s15 =	smul.u32 $0x320, s15;
	s12 =	sadd.s32 @!p0 $0x780, s12;
	s16 =	simm.s32 @!p0 $0x14000  }
0x1c7: {  	[tilespmem:s16], [sflag:$0x8] =	stream.indirect.gather @!p0 [hbm4b:s1+s13], $0x80, s12, s13, $0xb8;
	[tilespmem:$0x1F400] =	vst v63  }
0x1c8: {  	s13 =	sadd.s32 s6, s15  }
0x1c9: {  	s12 =	sadd.s32 s14, s13  }
0x1ca: {  	s12 =	sshll.u32 s12, $0x4  }
0x1cb: {  	s17 =	sadd.s32 s15, s8;
	s16 =	simm.s32 $0x1A400;
	s12 =	sadd.s32 s4, s12  }
0x1cc: {  	[hbm4b:s12+s5] =	stream.linear.scatter [tilespmem:s16], [sflag:$0xD], $0x1400, $0x38;
	[tilespmem:$0x1F400] =	vst v63  }
0x1cd: {  	s12 =	sadd.s32 s14, s17  }
0x1ce: {  	s12 =	sshll.u32 s12, $0x4  }
0x1cf: {  	s22 =	sadd.s32 s15, s9;
	s12 =	sadd.s32 s4, s12  }
0x1d0: {  	[hbm4b:s12+s5] =	stream.linear.scatter [tilespmem:s23], [sflag:$0xE], $0x1400, $0x38;
	[tilespmem:$0x1F400] =	vst v63  }
0x1d1: {  	s12 =	sadd.s32 s14, s22  }
0x1d2: {  	s28 =	sadd.s32 $0x1, s28;
	s12 =	sshll.u32 s12, $0x4  }
0x1d3: {  	p0 =	sne.s32 s28, $0x14;
	s12 =	sadd.s32 s4, s12  }
0x1d4: {  	[hbm4b:s12+s5] =	stream.linear.scatter [tilespmem:s24], [sflag:$0xF], $0x1400, $0x38;
	[tilespmem:$0x1F400] =	vst v63  }
.Ltmp2:
0x1d5: {  	s29 =	sadd.s32 s15, s10;
	(pc) =	sbr.rel @p0 .LBB2_2-.Ltmp2, $4  }
0x1d6: {  	s12 =	sadd.s32 s14, s29  }
0x1d7: {  	s26 =	sadd.s32 $0x50, s26;
	s11 =	sadd.s32 $0x2, s11;
	s12 =	sshll.u32 s12, $0x4  }
0x1d8: {  	s30 =	sadd.s32 $0x2800, s30;
	s7 =	sadd.s32 $0x2, s7;
	s12 =	sadd.s32 s4, s12  }
0x1d9: {  	[hbm4b:s12+s5] =	stream.linear.scatter [tilespmem:s25], [sflag:$0x10], $0x1400, $0x38;
	[tilespmem:$0x1F400] =	vst v63  }
0x1da: {  	s7 =	simm.s32 $0x9  }
0x1db: {  	_ =	swait.ge [sflag:s7], $0x1400  }
0x1dc: {  	[sflag:s7] =	ssyncset.done $0x0  }
0x1dd: {  	s16 =	simm.s32 $0xA;
	[sflag:s7] =	ssyncadd.s32 $0xFFFFEC00  }
0x1de: {  	_ =	swait.ge [sflag:s16], $0x1400  }
0x1df: {  	[sflag:s16] =	ssyncset.done $0x0  }
0x1e0: {  	s17 =	simm.s32 $0xB;
	[sflag:s16] =	ssyncadd.s32 $0xFFFFEC00  }
0x1e1: {  	_ =	swait.ge [sflag:s17], $0x1400  }
0x1e2: {  	[sflag:s17] =	ssyncset.done $0x0  }
0x1e3: {  	s22 =	simm.s32 $0xC;
	[sflag:s17] =	ssyncadd.s32 $0xFFFFEC00  }
0x1e4: {  	_ =	swait.ge [sflag:s22], $0x1400  }
0x1e5: {  	[sflag:s22] =	ssyncset.done $0x0  }
0x1e6: {  	s26 =	simm.s32 $0xD;
	[sflag:s22] =	ssyncadd.s32 $0xFFFFEC00  }
0x1e7: {  	_ =	swait.ge [sflag:s26], $0x1400  }
0x1e8: {  	[sflag:s26] =	ssyncset.done $0x0  }
0x1e9: {  	s28 =	simm.s32 $0xE;
	[sflag:s26] =	ssyncadd.s32 $0xFFFFEC00  }
0x1ea: {  	_ =	swait.ge [sflag:s28], $0x1400  }
0x1eb: {  	[sflag:s28] =	ssyncset.done $0x0  }
0x1ec: {  	s29 =	simm.s32 $0xF;
	[sflag:s28] =	ssyncadd.s32 $0xFFFFEC00  }
0x1ed: {  	_ =	swait.ge [sflag:s29], $0x1400  }
0x1ee: {  	[sflag:s29] =	ssyncset.done $0x0  }
0x1ef: {  	s11 =	simm.s32 $0x10;
	[sflag:s29] =	ssyncadd.s32 $0xFFFFEC00  }
0x1f0: {  	_ =	swait.ge [sflag:s11], $0x1400  }
0x1f1: {  	s12 =	rddreg [dreg:$0x7]  }
0x1f2: {  	s30 =	rddreg [dreg:$0x6];
	s12 =	sadd.s32 $0x1, s12  }
0x1f3: {  	p0 =	sne.s32 s12, s30  }
.Ltmp3:
0x1f4: {  	_ = 	snop;
	(pc) =	sbr.rel @p0 .LBB2_1-.Ltmp3, $3  }
0x1f5: {  	_ =	sdelay $0x1  }
0x1f6: {  	[sflag:s11] =	ssyncset.done $0x0  }
0x1f7: {  	[sflag:s11] =	ssyncadd.s32 $0xFFFFEC00  }
0x1f8: {  	_ =	sfence.sel $0x180000  }
0x1f9: {  	[bflag:$0x0] =	sbarrier.arrive $0xFFFF  }
0x1fa: {  	_ =	strace $0x90000047  }
0x1fb: {  	s0 =	stileid.u32;
	[bflag:$0x2] =	sbarrier.arrive $0xFFFF  }
0x1fc: {  	p0 =	sne.s32 s0, $0x0;
	s0 =	rddreg [dreg:$0x4]  }
0x1fd: {  	s0 =	sadd.s32 @!p0 $0x100000, s0  }
0x1fe: {  	[sflag:s0] =	ssyncadd.tile.s32 @!p0 $0x1;
	_ =	shalt  }
.Lfunc_end2:
_tile_overlayer_lowered:
.L_overlay_start_2:
0x1ff: {  	(tag) =	ssettag $0x2  }
0x200: {  	s0 =	rddreg [dreg:$0x0];
	s2 =	stileid.u32  }
0x201: {  	s1 =	rddreg [dreg:$0x1];
	p0 =	sne.s32 s2, $0x0  }
0x202: {  	s3 =	rddreg [dreg:$0x2];
	[bflag:$0x3] =	sbarrier.arrive $0xFFFF;
	s2 =	simm.s32 @!p0 $0x1C11  }
0x203: {  	[timem:s3], [sflag:s2] =	dma.local @!p0 [hbm:s0], s1  }
0x204: {  	s0 =	simm.s32 @!p0 $0x11  }
0x205: {  	_ =	swait.ge @!p0 [sflag:s0], s1  }
0x206: {  	s1 =	ssub.s32 @!p0 $0x0, s1;
	[sflag:s0] =	ssyncset.done @!p0 $0x0  }
0x207: {  	[sflag:s0] =	ssyncadd.s32 @!p0 s1  }
0x208: {  	[bflag:$0x3] =	sbarrier.arrive $0xFFFF  }
0x209: {  	_ =	shalt  }

</sc_bundles>
